<compile_context>
chip_gen: v7x
topology: tpu7x:2x2x1
jax: 0.10.2.dev20260603
libtpu: 0.0.44.dev20260713+nightly
codegen_flags: <defaults>
</compile_context>

<pallas_src>
import functools

import jax
import jax.numpy as jnp
from jax import lax
from jax.experimental import pallas as pl
from jax.experimental.pallas import tpu as pltpu
from jax.experimental.pallas import tpu_sc as plsc

_F = 128
_N = 10000
_NP = 10240
_B = 64
_NBLK = 512
_E = 160000
_NSUB = 16
_K = 128
_EPAD = _NSUB * 80 * _K
_NCH = _EPAD // (_NSUB * _K)
_DEGCH = _EPAD // (2 * _NSUB * _K)
_ROWS = _NP // _NSUB

@functools.cache
def _mesh():
    return plsc.VectorSubcoreMesh(core_axis_name="c", subcore_axis_name="s",
                                  num_cores=2, num_subcores=_NSUB)



_DC = 96


def _spmm_body(ngroups, x_hbm, srcg_hbm, dstr_hbm, out_hbm,
               sidx, didx, b0, b1, b2, b3, s0, s1, s2, s3, acc):
    bufs = (b0, b1, b2, b3)
    sems = (s0, s1, s2, s3)
    cid = lax.axis_index("c")
    sid = lax.axis_index("s")
    pltpu.sync_copy(dstr_hbm.at[sid], didx)
    for p in range(ngroups // 2):
        g = 2 * p + cid
        pltpu.sync_copy(x_hbm.at[pl.ds(g * _NP + sid * _ROWS, _ROWS)],
                        acc.at[pl.ds(sid * _ROWS, _ROWS)])
        pltpu.sync_copy(srcg_hbm.at[g, sid], sidx)
        plsc.subcore_barrier()

        def chunk4(i, carry):
            j = 4 * i
            cps = [pltpu.async_copy(x_hbm.at[sidx.at[j + t]], bufs[t], sems[t])
                   for t in range(4)]
            for t in range(4):
                cps[t].wait()
                pltpu.sync_copy(bufs[t], acc.at[didx.at[j + t]], add=True)
            return carry

        lax.fori_loop(0, _NCH // 4, chunk4, 0)
        plsc.subcore_barrier()
        pltpu.sync_copy(acc.at[pl.ds(sid * _ROWS, _ROWS)],
                        out_hbm.at[pl.ds(g * _NP + sid * _ROWS, _ROWS)])


@functools.cache
def _make_spmm(ngroups):
    return pl.kernel(
        functools.partial(_spmm_body, ngroups),
        out_type=jax.ShapeDtypeStruct((ngroups * _NP, _DC), jnp.float32),
        mesh=_mesh(),
        scratch_types=[
            pltpu.VMEM((_NCH, _K), jnp.int32),
            pltpu.VMEM((_NCH, _K), jnp.int32),
            pltpu.VMEM((_K, _DC), jnp.float32),
            pltpu.VMEM((_K, _DC), jnp.float32),
            pltpu.VMEM((_K, _DC), jnp.float32),
            pltpu.VMEM((_K, _DC), jnp.float32),
            pltpu.SemaphoreType.DMA,
            pltpu.SemaphoreType.DMA,
            pltpu.SemaphoreType.DMA,
            pltpu.SemaphoreType.DMA,
            pltpu.VMEM_SHARED((_NP, _DC), jnp.float32),
        ],
        compiler_params=pltpu.CompilerParams(use_tc_tiling_on_sc=False),
    )


def _deg_body(zt_hbm, ones_hbm, dstr_hbm, out_hbm, ones_v, didx, acc):
    cid = lax.axis_index("c")
    sid = lax.axis_index("s")
    pltpu.sync_copy(zt_hbm, acc.at[pl.ds(sid * _ROWS, _ROWS)])
    pltpu.sync_copy(ones_hbm, ones_v)
    pltpu.sync_copy(dstr_hbm.at[cid, sid], didx)
    plsc.subcore_barrier()

    def chunk(j, carry):
        pltpu.sync_copy(ones_v, acc.at[didx.at[j]], add=True)
        return carry

    lax.fori_loop(0, _DEGCH, chunk, 0)
    plsc.subcore_barrier()
    pltpu.sync_copy(acc.at[pl.ds(sid * _ROWS, _ROWS)],
                    out_hbm.at[pl.ds(cid * _NP + sid * _ROWS, _ROWS)])


@functools.cache
def _deg_kernel_fn():
  return pl.kernel(
    _deg_body,
    out_type=jax.ShapeDtypeStruct((2 * _NP, 16), jnp.float32),
    mesh=_mesh(),
    scratch_types=[
        pltpu.VMEM((_K, 16), jnp.float32),
        pltpu.VMEM((_DEGCH, _K), jnp.int32),
        pltpu.VMEM_SHARED((_NP, 16), jnp.float32),
    ],
    compiler_params=pltpu.CompilerParams(use_tc_tiling_on_sc=False),
)



def _h_body(wm2_ref, nett_ref, ht_ref):
    dims = (((0,), (0,)), ((), ()))
    ht_ref[...] = jnp.tanh(
        lax.dot_general(wm2_ref[...], nett_ref[...], dims,
                        preferred_element_type=jnp.float32))


def _dinv_body(dd_ref, di_ref):
    deg = 1.0 + dd_ref[0:_NP, 0:1] + dd_ref[_NP:2 * _NP, 0:1]
    di_ref[...] = lax.rsqrt(deg)


def _dense1_body(wl_ref, ws_ref, h1t_ref, h2t_ref, d3_ref, d6_ref,
                 xl_ref, xs_ref):
    dims = (((0,), (0,)), ((), ()))
    xl = lax.dot_general(wl_ref[...], h1t_ref[...], dims,
                         preferred_element_type=jnp.float32)
    xs = lax.dot_general(ws_ref[...], h2t_ref[...], dims,
                         preferred_element_type=jnp.float32)
    xl_ref[...] = d3_ref[...] * jnp.tanh(xl)
    xs_ref[...] = d6_ref[...] * jnp.tanh(xs)


def _mix_body(do_tanh, dinv_out, scale, y_ref, d_ref, m_ref, b_ref, o_ref):
    d = d_ref[...]
    z = lax.dot_general(d * y_ref[...], m_ref[...], (((1,), (0,)), ((), ())),
                        preferred_element_type=jnp.float32) + b_ref[...]
    if do_tanh:
        z = jnp.tanh(z)
    if dinv_out:
        z = d * z
    if scale != 1.0:
        z = z * scale
    o_ref[...] = z


def _mix(y, dinv, M, brow, do_tanh=False, dinv_out=False, scale=1.0):
    cb = y.shape[1]
    grid = _NP // _NBLK
    return pl.pallas_call(
        functools.partial(_mix_body, do_tanh, dinv_out, scale),
        grid=(grid,),
        in_specs=[
            pl.BlockSpec((_NBLK, cb), lambda i: (i, 0)),
            pl.BlockSpec((_NBLK, 1), lambda i: (i, 0)),
            pl.BlockSpec((cb, cb), lambda i: (0, 0)),
            pl.BlockSpec((1, cb), lambda i: (0, 0)),
        ],
        out_specs=pl.BlockSpec((_NBLK, cb), lambda i: (i, 0)),
        out_shape=jax.ShapeDtypeStruct((_NP, cb), jnp.float32),
    )(y, dinv, M, brow)


def _dense1(W_logr, W_s, h1t, h2t, dinv3, dinv6):
    grid = _NP // _NBLK
    return pl.pallas_call(
        _dense1_body,
        grid=(grid,),
        in_specs=[
            pl.BlockSpec((_F, _NBLK * 3), lambda i: (0, i)),
            pl.BlockSpec((_F, _NBLK * 6), lambda i: (0, i)),
            pl.BlockSpec((_F, _B), lambda i: (0, 0)),
            pl.BlockSpec((_F, _B), lambda i: (0, 0)),
            pl.BlockSpec((_NBLK * 3, 1), lambda i: (i, 0)),
            pl.BlockSpec((_NBLK * 6, 1), lambda i: (i, 0)),
        ],
        out_specs=[
            pl.BlockSpec((_NBLK * 3, _B), lambda i: (i, 0)),
            pl.BlockSpec((_NBLK * 6, _B), lambda i: (i, 0)),
        ],
        out_shape=[
            jax.ShapeDtypeStruct((_NP * 3, _B), jnp.float32),
            jax.ShapeDtypeStruct((_NP * 6, _B), jnp.float32),
        ],
    )(W_logr, W_s, h1t, h2t, dinv3, dinv6)



def _spmm_apply(x2d, srcg, dstr):
    ng = x2d.shape[1] // _DC
    xcat = jnp.concatenate([x2d[:, i * _DC:(i + 1) * _DC] for i in range(ng)],
                           axis=0)
    ycat = _make_spmm(ng)(xcat, srcg, dstr)
    return jnp.concatenate([ycat[i * _NP:(i + 1) * _NP] for i in range(ng)],
                           axis=1)


def kernel(net, edge_index, W_mlp2, W_logr, W_s, W1_logr, b1_logr, W1_s, b1_s,
           W4_s, b4_s):
    src = edge_index[0].astype(jnp.int32)
    dst = edge_index[1].astype(jnp.int32)

    padlen = _EPAD - _E
    srcp = jnp.concatenate([src, jnp.full((padlen,), _N, jnp.int32)])
    dstp = jnp.concatenate([dst, jnp.full((padlen,), _N, jnp.int32)])
    srcr = srcp.reshape(_NSUB, _NCH, _K)
    srcg = jnp.stack([srcr + g * _NP for g in range(4)])
    dstr = dstp.reshape(_NSUB, _NCH, _K)
    dstr_deg = dstp.reshape(2, _NSUB, _DEGCH, _K)
    zt = jnp.zeros((_ROWS, 16), jnp.float32)
    ones_t = jnp.zeros((_K, 16), jnp.float32).at[:, 0].set(1.0)

    dd = _deg_kernel_fn()(zt, ones_t, dstr_deg)
    dinv = pl.pallas_call(
        _dinv_body,
        in_specs=[pl.BlockSpec((2 * _NP, 16), lambda: (0, 0))],
        out_specs=pl.BlockSpec((_NP, 1), lambda: (0, 0)),
        out_shape=jax.ShapeDtypeStruct((_NP, 1), jnp.float32),
    )(dd)
    dinv3 = jnp.repeat(dinv[:, 0], 3)[:, None]
    dinv6 = jnp.repeat(dinv[:, 0], 6)[:, None]

    W_logr = jnp.pad(W_logr.reshape(_F, _N, 3),
                     ((0, 0), (0, _NP - _N), (0, 0))).reshape(_F, _NP * 3)
    W_s = jnp.pad(W_s.reshape(_F, _N, 6),
                  ((0, 0), (0, _NP - _N), (0, 0))).reshape(_F, _NP * 6)
    ht = pl.pallas_call(
        _h_body,
        in_specs=[
            pl.BlockSpec((2 * _F, 2 * _F), lambda: (0, 0)),
            pl.BlockSpec((2 * _F, _B), lambda: (0, 0)),
        ],
        out_specs=pl.BlockSpec((2 * _F, _B), lambda: (0, 0)),
        out_shape=jax.ShapeDtypeStruct((2 * _F, _B), jnp.float32),
    )(W_mlp2, net.T)
    xl, xs = _dense1(W_logr, W_s, ht[:_F], ht[_F:], dinv3, dinv6)

    eyeB = jnp.eye(_B, dtype=jnp.float32)
    Ml = jnp.kron(W1_logr, eyeB)
    Ms1 = jnp.kron(W1_s, eyeB)
    Ms4 = jnp.kron(W4_s, eyeB)
    bl = jnp.repeat(b1_logr, _B)[None, :]
    bs1 = jnp.repeat(b1_s, _B)[None, :]
    bs4 = jnp.repeat(b4_s, _B)[None, :]

    yl = _spmm_apply(xl.reshape(_NP, 192), srcg[:2], dstr)
    logr_f = _mix(yl, dinv, Ml, bl, scale=4.0)

    ys1 = _spmm_apply(xs.reshape(_NP, 384), srcg, dstr)
    x2 = _mix(ys1, dinv, Ms1, bs1, do_tanh=True, dinv_out=True)
    ys2 = _spmm_apply(x2, srcg, dstr)
    s_f = _mix(ys2, dinv, Ms4, bs4, scale=50.0)

    cat = jnp.concatenate([logr_f.reshape(_NP, 3, _B)[:_N],
                           s_f.reshape(_NP, 6, _B)[:_N]], axis=1)
    return jnp.transpose(cat, (2, 0, 1))

# --- scband reference (transcript-rebuilt; emitter-appended) ---
"""Pipeline reference for scband-part-deform-decoder2-25555055411688 (READ-ONLY COPY).

The authoritative reference and input builder live on the scoring server;
editing this copy changes nothing except your own understanding.
"""

import jax, jax.numpy as jnp
import numpy as np

FEAT_LEN = 128
STRUCT_LEN = 128
NUM_POINT = 10000
N_EDGES = 160000
BATCH = 64


def _gcn(x, W, b, src, dst, n):
    # Kipf-style GCNConv over a fixed edge_index shared across the batch.
    # x: [B, N, Cin]. Add self-loops, symmetric degree normalization,
    # gather messages from src, scatter-add to dst, then add bias.
    loop = jnp.arange(n, dtype=src.dtype)
    s = jnp.concatenate([src, loop])
    d = jnp.concatenate([dst, loop])
    deg = jnp.zeros((n,), jnp.float32).at[d].add(1.0)
    deg = jnp.maximum(deg, 1.0)
    dinv = jax.lax.rsqrt(deg)
    norm = dinv[s] * dinv[d]
    xw = x @ W
    msgs = xw[:, s, :] * norm[None, :, None]
    out = jnp.zeros(xw.shape, xw.dtype).at[:, d, :].add(msgs)
    return out + b


def setup_inputs(seed: int = 0) -> dict:
    key = jax.random.key(seed)
    ks = jax.random.split(key, 8)
    net = jax.random.normal(ks[0], (BATCH, FEAT_LEN + STRUCT_LEN), dtype=jnp.float32)
    edge_index = jax.random.randint(ks[1], (2, N_EDGES), 0, NUM_POINT, dtype=jnp.int32)
    W_mlp2 = jax.random.normal(ks[2], (FEAT_LEN + STRUCT_LEN, FEAT_LEN * 2), dtype=jnp.float32) * (1.0 / np.sqrt(FEAT_LEN + STRUCT_LEN))
    W_logr = jax.random.normal(ks[3], (FEAT_LEN, NUM_POINT * 3), dtype=jnp.float32) * (1.0 / np.sqrt(FEAT_LEN))
    W_s = jax.random.normal(ks[4], (FEAT_LEN, NUM_POINT * 6), dtype=jnp.float32) * (1.0 / np.sqrt(FEAT_LEN))
    W1_logr = jax.random.normal(ks[5], (3, 3), dtype=jnp.float32) * 0.5
    b1_logr = jnp.zeros((3,), jnp.float32)
    W1_s = jax.random.normal(ks[6], (6, 6), dtype=jnp.float32) * 0.4
    b1_s = jnp.zeros((6,), jnp.float32)
    W4_s = jax.random.normal(ks[7], (6, 6), dtype=jnp.float32) * 0.4
    b4_s = jnp.zeros((6,), jnp.float32)
    return {"net": net, "edge_index": edge_index, "W_mlp2": W_mlp2, "W_logr": W_logr, "W_s": W_s, "W1_logr": W1_logr, "b1_logr": b1_logr, "W1_s": W1_s, "b1_s": b1_s, "W4_s": W4_s, "b4_s": b4_s}


def reference(net, edge_index, W_mlp2, W_logr, W_s, W1_logr, b1_logr, W1_s, b1_s, W4_s, b4_s):
    src = edge_index[0]
    dst = edge_index[1]
    h = jnp.tanh(net @ W_mlp2)  # mlp2, bias=False
    net_logr = jnp.tanh((h[:, :FEAT_LEN] @ W_logr).reshape(-1, NUM_POINT, 3))
    net_s = jnp.tanh((h[:, FEAT_LEN:2 * FEAT_LEN] @ W_s).reshape(-1, NUM_POINT, 6))
    net_logr = _gcn(net_logr, W1_logr, b1_logr, src, dst, NUM_POINT)
    net_s = jnp.tanh(_gcn(net_s, W1_s, b1_s, src, dst, NUM_POINT))
    net_s = _gcn(net_s, W4_s, b4_s, src, dst, NUM_POINT)
    return jnp.concatenate([net_logr * 4.0, net_s * 50.0], axis=2)

if __name__ == "__main__":
    import jax
    _d = setup_inputs()
    print(jax.jit(kernel)(*tuple(_d.values())))

</pallas_src>

<mosaic_0001>
#map = affine_map<(d0, d1) -> (0, 0)>
#map1 = affine_map<(d0, d1) -> (0, 0, 0, 0)>
module attributes {stable_mosaic.version = 14 : i64} {
  func.func @_deg_body(%arg0: i32, %arg1: i32, %arg2: memref<640x16xf32, #tpu.memory_space<hbm>>, %arg3: memref<128x16xf32, #tpu.memory_space<hbm>>, %arg4: memref<2x16x40x128xi32, #tpu.memory_space<hbm>>, %arg5: memref<20480x16xf32, #tpu.memory_space<hbm>>, %arg6: memref<128x16xf32, #tpu.memory_space<vmem>>, %arg7: memref<40x128xi32, #tpu.memory_space<vmem>>, %arg8: memref<10240x16xf32, #tpu.memory_space<vmem_shared>>) attributes {dimension_semantics = [#tpu.dimension_semantics<core_parallel>, #tpu.dimension_semantics<subcore_parallel>], iteration_bounds = array<i64: 2, 16>, scalar_prefetch = 0 : i64, scratch_operands = 3 : i64, tpu.core_type = #tpu.core_type<sc_vector_subcore>, window_params = [{transform_indices = #map}, {transform_indices = #map}, {transform_indices = #map1}, {transform_indices = #map}]} {
    %mul3A = arith.constant 640 : i32
    %mul3A_0 = arith.muli %arg1, %mul3A : i32
    "tpu.region"() ({
      %run_scoped3A = tpu.sem_alloc : memref<!tpu.dma_semaphore, #tpu.memory_space<semaphore_mem>>
      %dma_start3A = arith.constant 0 : i32
      %dma_start3A_13 = tpu.memref_slice %arg8[%mul3A_0, %dma_start3A] : memref<10240x16xf32, #tpu.memory_space<vmem_shared>> -> memref<640x16xf32, #tpu.memory_space<vmem_shared>>
      tpu.enqueue_dma source(%arg2 : memref<640x16xf32, #tpu.memory_space<hbm>>) target(%dma_start3A_13 : memref<640x16xf32, #tpu.memory_space<vmem_shared>>) target_semaphore(%run_scoped3A : memref<!tpu.dma_semaphore, #tpu.memory_space<semaphore_mem>>)
      %dma_wait3A = arith.constant 0 : i32
      %dma_wait3A_14 = tpu.memref_slice %arg8[%mul3A_0, %dma_wait3A] : memref<10240x16xf32, #tpu.memory_space<vmem_shared>> -> memref<640x16xf32, #tpu.memory_space<vmem_shared>>
      tpu.wait_dma2 semaphore(%run_scoped3A : memref<!tpu.dma_semaphore, #tpu.memory_space<semaphore_mem>>) src(%arg2 : memref<640x16xf32, #tpu.memory_space<hbm>>) dst(%dma_wait3A_14 : memref<640x16xf32, #tpu.memory_space<vmem_shared>>)
      tpu.yield
    }) : () -> ()
    "tpu.region"() ({
      %run_scoped3A = tpu.sem_alloc : memref<!tpu.dma_semaphore, #tpu.memory_space<semaphore_mem>>
      tpu.enqueue_dma source(%arg3 : memref<128x16xf32, #tpu.memory_space<hbm>>) target(%arg6 : memref<128x16xf32, #tpu.memory_space<vmem>>) target_semaphore(%run_scoped3A : memref<!tpu.dma_semaphore, #tpu.memory_space<semaphore_mem>>)
      tpu.wait_dma2 semaphore(%run_scoped3A : memref<!tpu.dma_semaphore, #tpu.memory_space<semaphore_mem>>) src(%arg3 : memref<128x16xf32, #tpu.memory_space<hbm>>) dst(%arg6 : memref<128x16xf32, #tpu.memory_space<vmem>>)
      tpu.yield
    }) : () -> ()
    "tpu.region"() ({
      %run_scoped3A = tpu.sem_alloc : memref<!tpu.dma_semaphore, #tpu.memory_space<semaphore_mem>>
      %dma_start3A = arith.constant 0 : i32
      %dma_start3A_13 = arith.constant 0 : i32
      %dma_start3A_14 = tpu.memref_slice %arg4[%arg0, %arg1, %dma_start3A, %dma_start3A_13] : memref<2x16x40x128xi32, #tpu.memory_space<hbm>> -> memref<1x1x40x128xi32, #tpu.memory_space<hbm>>
      %dma_start3A_15 = tpu.memref_squeeze %dma_start3A_14 : memref<1x1x40x128xi32, #tpu.memory_space<hbm>> -> memref<40x128xi32, #tpu.memory_space<hbm>>
      %dma_start3A_16 = arith.constant 0 : i32
      %dma_start3A_17 = arith.constant 0 : i32
      %dma_start3A_18 = tpu.memref_slice %arg4[%arg0, %arg1, %dma_start3A_16, %dma_start3A_17] : memref<2x16x40x128xi32, #tpu.memory_space<hbm>> -> memref<1x1x40x128xi32, #tpu.memory_space<hbm>>
      %dma_start3A_19 = tpu.memref_squeeze %dma_start3A_18 : memref<1x1x40x128xi32, #tpu.memory_space<hbm>> -> memref<40x128xi32, #tpu.memory_space<hbm>>
      tpu.enqueue_dma source(%dma_start3A_19 : memref<40x128xi32, #tpu.memory_space<hbm>>) target(%arg7 : memref<40x128xi32, #tpu.memory_space<vmem>>) target_semaphore(%run_scoped3A : memref<!tpu.dma_semaphore, #tpu.memory_space<semaphore_mem>>)
      %dma_wait3A = arith.constant 0 : i32
      %dma_wait3A_20 = arith.constant 0 : i32
      %dma_wait3A_21 = tpu.memref_slice %arg4[%arg0, %arg1, %dma_wait3A, %dma_wait3A_20] : memref<2x16x40x128xi32, #tpu.memory_space<hbm>> -> memref<1x1x40x128xi32, #tpu.memory_space<hbm>>
      %dma_wait3A_22 = tpu.memref_squeeze %dma_wait3A_21 : memref<1x1x40x128xi32, #tpu.memory_space<hbm>> -> memref<40x128xi32, #tpu.memory_space<hbm>>
      %dma_wait3A_23 = arith.constant 0 : i32
      %dma_wait3A_24 = arith.constant 0 : i32
      %dma_wait3A_25 = tpu.memref_slice %arg4[%arg0, %arg1, %dma_wait3A_23, %dma_wait3A_24] : memref<2x16x40x128xi32, #tpu.memory_space<hbm>> -> memref<1x1x40x128xi32, #tpu.memory_space<hbm>>
      %dma_wait3A_26 = tpu.memref_squeeze %dma_wait3A_25 : memref<1x1x40x128xi32, #tpu.memory_space<hbm>> -> memref<40x128xi32, #tpu.memory_space<hbm>>
      tpu.wait_dma2 semaphore(%run_scoped3A : memref<!tpu.dma_semaphore, #tpu.memory_space<semaphore_mem>>) src(%dma_wait3A_26 : memref<40x128xi32, #tpu.memory_space<hbm>>) dst(%arg7 : memref<40x128xi32, #tpu.memory_space<vmem>>)
      tpu.yield
    }) : () -> ()
    %barrier3A = arith.constant 0 : index
    tpu.barrier barrier_id(%barrier3A)
    %scan3A = arith.constant 0 : i32
    %scan3A_1 = arith.constant 0 : i32
    %scan3A_2 = arith.constant 40 : i32
    %scan3A_3 = arith.addi %scan3A_1, %scan3A_2 : i32
    %scan3A_4 = arith.constant 1 : i32
    scf.for %scan3A_13 = %scan3A_1 to %scan3A_3 step %scan3A_4  : i32 {
      "tpu.region"() ({
        %run_scoped3A = tpu.sem_alloc : memref<!tpu.dma_semaphore, #tpu.memory_space<semaphore_mem>>
        %dma_start3A = arith.constant 0 : i32
        %dma_start3A_14 = tpu.memref_slice %arg7[%scan3A_13, %dma_start3A] : memref<40x128xi32, #tpu.memory_space<vmem>> -> memref<1x128xi32, #tpu.memory_space<vmem>>
        %dma_start3A_15 = tpu.memref_squeeze %dma_start3A_14 : memref<1x128xi32, #tpu.memory_space<vmem>> -> memref<128xi32, #tpu.memory_space<vmem>>
        %dma_start3A_16 = arith.constant 0 : i32
        %dma_start3A_17 = arith.constant 0 : i32
        %dma_start3A_18 = tpu.memref_slice %arg8[%dma_start3A_16, %dma_start3A_17] : memref<10240x16xf32, #tpu.memory_space<vmem_shared>> -> memref<10240x16xf32, #tpu.memory_space<vmem_shared>>
        tpu.enqueue_indirect_dma source(%arg6 : memref<128x16xf32, #tpu.memory_space<vmem>>) target(%dma_start3A_18 : memref<10240x16xf32, #tpu.memory_space<vmem_shared>>) offsets(%dma_start3A_15 : memref<128xi32, #tpu.memory_space<vmem>>) semaphore(%run_scoped3A : memref<!tpu.dma_semaphore, #tpu.memory_space<semaphore_mem>>) {add = true}
        %dma_wait3A = arith.constant 0 : i32
        %dma_wait3A_19 = tpu.memref_slice %arg7[%scan3A_13, %dma_wait3A] : memref<40x128xi32, #tpu.memory_space<vmem>> -> memref<1x128xi32, #tpu.memory_space<vmem>>
        %dma_wait3A_20 = tpu.memref_squeeze %dma_wait3A_19 : memref<1x128xi32, #tpu.memory_space<vmem>> -> memref<128xi32, #tpu.memory_space<vmem>>
        %dma_wait3A_21 = arith.constant 0 : i32
        %dma_wait3A_22 = arith.constant 0 : i32
        %dma_wait3A_23 = tpu.memref_slice %arg8[%dma_wait3A_21, %dma_wait3A_22] : memref<10240x16xf32, #tpu.memory_space<vmem_shared>> -> memref<10240x16xf32, #tpu.memory_space<vmem_shared>>
        tpu.wait_indirect_dma semaphore(%run_scoped3A : memref<!tpu.dma_semaphore, #tpu.memory_space<semaphore_mem>>) src(%arg6 : memref<128x16xf32, #tpu.memory_space<vmem>>) dst(%dma_wait3A_23 : memref<10240x16xf32, #tpu.memory_space<vmem_shared>>)
        tpu.yield
      }) : () -> ()
    }
    %scan3A_5 = arith.constant 40 : i32
    %barrier3A_6 = arith.constant 0 : index
    tpu.barrier barrier_id(%barrier3A_6)
    %mul3A_7 = arith.constant 640 : i32
    %mul3A_8 = arith.muli %arg1, %mul3A_7 : i32
    %mul3A_9 = arith.constant 10240 : i32
    %mul3A_10 = arith.muli %arg0, %mul3A_9 : i32
    %mul3A_11 = arith.constant 640 : i32
    %mul3A_12 = arith.muli %arg1, %mul3A_11 : i32
    %add3A = arith.addi %mul3A_10, %mul3A_12 : i32
    "tpu.region"() ({
      %run_scoped3A = tpu.sem_alloc : memref<!tpu.dma_semaphore, #tpu.memory_space<semaphore_mem>>
      %dma_start3A = arith.constant 0 : i32
      %dma_start3A_13 = tpu.memref_slice %arg5[%add3A, %dma_start3A] : memref<20480x16xf32, #tpu.memory_space<hbm>> -> memref<640x16xf32, #tpu.memory_space<hbm>>
      %dma_start3A_14 = arith.constant 0 : i32
      %dma_start3A_15 = tpu.memref_slice %arg8[%mul3A_8, %dma_start3A_14] : memref<10240x16xf32, #tpu.memory_space<vmem_shared>> -> memref<640x16xf32, #tpu.memory_space<vmem_shared>>
      tpu.enqueue_dma source(%dma_start3A_15 : memref<640x16xf32, #tpu.memory_space<vmem_shared>>) target(%dma_start3A_13 : memref<640x16xf32, #tpu.memory_space<hbm>>) target_semaphore(%run_scoped3A : memref<!tpu.dma_semaphore, #tpu.memory_space<semaphore_mem>>)
      %dma_wait3A = arith.constant 0 : i32
      %dma_wait3A_16 = tpu.memref_slice %arg5[%add3A, %dma_wait3A] : memref<20480x16xf32, #tpu.memory_space<hbm>> -> memref<640x16xf32, #tpu.memory_space<hbm>>
      %dma_wait3A_17 = arith.constant 0 : i32
      %dma_wait3A_18 = tpu.memref_slice %arg8[%mul3A_8, %dma_wait3A_17] : memref<10240x16xf32, #tpu.memory_space<vmem_shared>> -> memref<640x16xf32, #tpu.memory_space<vmem_shared>>
      tpu.wait_dma2 semaphore(%run_scoped3A : memref<!tpu.dma_semaphore, #tpu.memory_space<semaphore_mem>>) src(%dma_wait3A_18 : memref<640x16xf32, #tpu.memory_space<vmem_shared>>) dst(%dma_wait3A_16 : memref<640x16xf32, #tpu.memory_space<hbm>>)
      tpu.yield
    }) : () -> ()
    return
  }
}

#map = affine_map<(d0, d1) -> (0, 0)>
#map1 = affine_map<(d0, d1) -> (0, 0, 0, 0)>
#map2 = affine_map<(d0, d1) -> (0, 0, 0)>
module attributes {stable_mosaic.version = 14 : i64} {
  func.func @_spmm_body(%arg0: i32, %arg1: i32, %arg2: memref<40960x96xf32, #tpu.memory_space<hbm>>, %arg3: memref<4x16x80x128xi32, #tpu.memory_space<hbm>>, %arg4: memref<16x80x128xi32, #tpu.memory_space<hbm>>, %arg5: memref<40960x96xf32, #tpu.memory_space<hbm>>, %arg6: memref<80x128xi32, #tpu.memory_space<vmem>>, %arg7: memref<80x128xi32, #tpu.memory_space<vmem>>, %arg8: memref<128x96xf32, #tpu.memory_space<vmem>>, %arg9: memref<128x96xf32, #tpu.memory_space<vmem>>, %arg10: memref<128x96xf32, #tpu.memory_space<vmem>>, %arg11: memref<128x96xf32, #tpu.memory_space<vmem>>, %arg12: memref<!tpu.dma_semaphore, #tpu.memory_space<semaphore_mem>>, %arg13: memref<!tpu.dma_semaphore, #tpu.memory_space<semaphore_mem>>, %arg14: memref<!tpu.dma_semaphore, #tpu.memory_space<semaphore_mem>>, %arg15: memref<!tpu.dma_semaphore, #tpu.memory_space<semaphore_mem>>, %arg16: memref<10240x96xf32, #tpu.memory_space<vmem_shared>>) attributes {dimension_semantics = [#tpu.dimension_semantics<core_parallel>, #tpu.dimension_semantics<subcore_parallel>], iteration_bounds = array<i64: 2, 16>, scalar_prefetch = 0 : i64, scratch_operands = 11 : i64, tpu.core_type = #tpu.core_type<sc_vector_subcore>, window_params = [{transform_indices = #map}, {transform_indices = #map1}, {transform_indices = #map2}, {transform_indices = #map}]} {
    "tpu.region"() ({
      %run_scoped3A = tpu.sem_alloc : memref<!tpu.dma_semaphore, #tpu.memory_space<semaphore_mem>>
      %dma_start3A = arith.constant 0 : i32
      %dma_start3A_44 = arith.constant 0 : i32
      %dma_start3A_45 = tpu.memref_slice %arg4[%arg1, %dma_start3A, %dma_start3A_44] : memref<16x80x128xi32, #tpu.memory_space<hbm>> -> memref<1x80x128xi32, #tpu.memory_space<hbm>>
      %dma_start3A_46 = tpu.memref_squeeze %dma_start3A_45 : memref<1x80x128xi32, #tpu.memory_space<hbm>> -> memref<80x128xi32, #tpu.memory_space<hbm>>
      %dma_start3A_47 = arith.constant 0 : i32
      %dma_start3A_48 = arith.constant 0 : i32
      %dma_start3A_49 = tpu.memref_slice %arg4[%arg1, %dma_start3A_47, %dma_start3A_48] : memref<16x80x128xi32, #tpu.memory_space<hbm>> -> memref<1x80x128xi32, #tpu.memory_space<hbm>>
      %dma_start3A_50 = tpu.memref_squeeze %dma_start3A_49 : memref<1x80x128xi32, #tpu.memory_space<hbm>> -> memref<80x128xi32, #tpu.memory_space<hbm>>
      tpu.enqueue_dma source(%dma_start3A_50 : memref<80x128xi32, #tpu.memory_space<hbm>>) target(%arg7 : memref<80x128xi32, #tpu.memory_space<vmem>>) target_semaphore(%run_scoped3A : memref<!tpu.dma_semaphore, #tpu.memory_space<semaphore_mem>>)
      %dma_wait3A = arith.constant 0 : i32
      %dma_wait3A_51 = arith.constant 0 : i32
      %dma_wait3A_52 = tpu.memref_slice %arg4[%arg1, %dma_wait3A, %dma_wait3A_51] : memref<16x80x128xi32, #tpu.memory_space<hbm>> -> memref<1x80x128xi32, #tpu.memory_space<hbm>>
      %dma_wait3A_53 = tpu.memref_squeeze %dma_wait3A_52 : memref<1x80x128xi32, #tpu.memory_space<hbm>> -> memref<80x128xi32, #tpu.memory_space<hbm>>
      %dma_wait3A_54 = arith.constant 0 : i32
      %dma_wait3A_55 = arith.constant 0 : i32
      %dma_wait3A_56 = tpu.memref_slice %arg4[%arg1, %dma_wait3A_54, %dma_wait3A_55] : memref<16x80x128xi32, #tpu.memory_space<hbm>> -> memref<1x80x128xi32, #tpu.memory_space<hbm>>
      %dma_wait3A_57 = tpu.memref_squeeze %dma_wait3A_56 : memref<1x80x128xi32, #tpu.memory_space<hbm>> -> memref<80x128xi32, #tpu.memory_space<hbm>>
      tpu.wait_dma2 semaphore(%run_scoped3A : memref<!tpu.dma_semaphore, #tpu.memory_space<semaphore_mem>>) src(%dma_wait3A_57 : memref<80x128xi32, #tpu.memory_space<hbm>>) dst(%arg7 : memref<80x128xi32, #tpu.memory_space<vmem>>)
      tpu.yield
    }) : () -> ()
    %add3A = arith.constant 0 : i32
    %add3A_0 = arith.addi %add3A, %arg0 : i32
    %mul3A = arith.constant 10240 : i32
    %mul3A_1 = arith.muli %add3A_0, %mul3A : i32
    %mul3A_2 = arith.constant 640 : i32
    %mul3A_3 = arith.muli %arg1, %mul3A_2 : i32
    %add3A_4 = arith.addi %mul3A_1, %mul3A_3 : i32
    %mul3A_5 = arith.constant 640 : i32
    %mul3A_6 = arith.muli %arg1, %mul3A_5 : i32
    "tpu.region"() ({
      %run_scoped3A = tpu.sem_alloc : memref<!tpu.dma_semaphore, #tpu.memory_space<semaphore_mem>>
      %dma_start3A = arith.constant 0 : i32
      %dma_start3A_44 = tpu.memref_slice %arg16[%mul3A_6, %dma_start3A] : memref<10240x96xf32, #tpu.memory_space<vmem_shared>> -> memref<640x96xf32, #tpu.memory_space<vmem_shared>>
      %dma_start3A_45 = arith.constant 0 : i32
      %dma_start3A_46 = tpu.memref_slice %arg2[%add3A_4, %dma_start3A_45] : memref<40960x96xf32, #tpu.memory_space<hbm>> -> memref<640x96xf32, #tpu.memory_space<hbm>>
      tpu.enqueue_dma source(%dma_start3A_46 : memref<640x96xf32, #tpu.memory_space<hbm>>) target(%dma_start3A_44 : memref<640x96xf32, #tpu.memory_space<vmem_shared>>) target_semaphore(%run_scoped3A : memref<!tpu.dma_semaphore, #tpu.memory_space<semaphore_mem>>)
      %dma_wait3A = arith.constant 0 : i32
      %dma_wait3A_47 = tpu.memref_slice %arg16[%mul3A_6, %dma_wait3A] : memref<10240x96xf32, #tpu.memory_space<vmem_shared>> -> memref<640x96xf32, #tpu.memory_space<vmem_shared>>
      %dma_wait3A_48 = arith.constant 0 : i32
      %dma_wait3A_49 = tpu.memref_slice %arg2[%add3A_4, %dma_wait3A_48] : memref<40960x96xf32, #tpu.memory_space<hbm>> -> memref<640x96xf32, #tpu.memory_space<hbm>>
      tpu.wait_dma2 semaphore(%run_scoped3A : memref<!tpu.dma_semaphore, #tpu.memory_space<semaphore_mem>>) src(%dma_wait3A_49 : memref<640x96xf32, #tpu.memory_space<hbm>>) dst(%dma_wait3A_47 : memref<640x96xf32, #tpu.memory_space<vmem_shared>>)
      tpu.yield
    }) : () -> ()
    "tpu.region"() ({
      %run_scoped3A = tpu.sem_alloc : memref<!tpu.dma_semaphore, #tpu.memory_space<semaphore_mem>>
      %dma_start3A = arith.constant 0 : i32
      %dma_start3A_44 = arith.constant 0 : i32
      %dma_start3A_45 = tpu.memref_slice %arg3[%add3A_0, %arg1, %dma_start3A, %dma_start3A_44] : memref<4x16x80x128xi32, #tpu.memory_space<hbm>> -> memref<1x1x80x128xi32, #tpu.memory_space<hbm>>
      %dma_start3A_46 = tpu.memref_squeeze %dma_start3A_45 : memref<1x1x80x128xi32, #tpu.memory_space<hbm>> -> memref<80x128xi32, #tpu.memory_space<hbm>>
      %dma_start3A_47 = arith.constant 0 : i32
      %dma_start3A_48 = arith.constant 0 : i32
      %dma_start3A_49 = tpu.memref_slice %arg3[%add3A_0, %arg1, %dma_start3A_47, %dma_start3A_48] : memref<4x16x80x128xi32, #tpu.memory_space<hbm>> -> memref<1x1x80x128xi32, #tpu.memory_space<hbm>>
      %dma_start3A_50 = tpu.memref_squeeze %dma_start3A_49 : memref<1x1x80x128xi32, #tpu.memory_space<hbm>> -> memref<80x128xi32, #tpu.memory_space<hbm>>
      tpu.enqueue_dma source(%dma_start3A_50 : memref<80x128xi32, #tpu.memory_space<hbm>>) target(%arg6 : memref<80x128xi32, #tpu.memory_space<vmem>>) target_semaphore(%run_scoped3A : memref<!tpu.dma_semaphore, #tpu.memory_space<semaphore_mem>>)
      %dma_wait3A = arith.constant 0 : i32
      %dma_wait3A_51 = arith.constant 0 : i32
      %dma_wait3A_52 = tpu.memref_slice %arg3[%add3A_0, %arg1, %dma_wait3A, %dma_wait3A_51] : memref<4x16x80x128xi32, #tpu.memory_space<hbm>> -> memref<1x1x80x128xi32, #tpu.memory_space<hbm>>
      %dma_wait3A_53 = tpu.memref_squeeze %dma_wait3A_52 : memref<1x1x80x128xi32, #tpu.memory_space<hbm>> -> memref<80x128xi32, #tpu.memory_space<hbm>>
      %dma_wait3A_54 = arith.constant 0 : i32
      %dma_wait3A_55 = arith.constant 0 : i32
      %dma_wait3A_56 = tpu.memref_slice %arg3[%add3A_0, %arg1, %dma_wait3A_54, %dma_wait3A_55] : memref<4x16x80x128xi32, #tpu.memory_space<hbm>> -> memref<1x1x80x128xi32, #tpu.memory_space<hbm>>
      %dma_wait3A_57 = tpu.memref_squeeze %dma_wait3A_56 : memref<1x1x80x128xi32, #tpu.memory_space<hbm>> -> memref<80x128xi32, #tpu.memory_space<hbm>>
      tpu.wait_dma2 semaphore(%run_scoped3A : memref<!tpu.dma_semaphore, #tpu.memory_space<semaphore_mem>>) src(%dma_wait3A_57 : memref<80x128xi32, #tpu.memory_space<hbm>>) dst(%arg6 : memref<80x128xi32, #tpu.memory_space<vmem>>)
      tpu.yield
    }) : () -> ()
    %barrier3A = arith.constant 0 : index
    tpu.barrier barrier_id(%barrier3A)
    %scan3A = arith.constant 0 : i32
    %scan3A_7 = arith.constant 0 : i32
    %scan3A_8 = arith.constant 20 : i32
    %scan3A_9 = arith.addi %scan3A_7, %scan3A_8 : i32
    %scan3A_10 = arith.constant 1 : i32
    scf.for %scan3A_44 = %scan3A_7 to %scan3A_9 step %scan3A_10  : i32 {
      %mul3A_45 = arith.constant 4 : i32
      %mul3A_46 = arith.muli %mul3A_45, %scan3A_44 : i32
      %add3A_47 = arith.constant 0 : i32
      %add3A_48 = arith.addi %mul3A_46, %add3A_47 : i32
      %dma_start3A = arith.constant 0 : i32
      %dma_start3A_49 = tpu.memref_slice %arg6[%add3A_48, %dma_start3A] : memref<80x128xi32, #tpu.memory_space<vmem>> -> memref<1x128xi32, #tpu.memory_space<vmem>>
      %dma_start3A_50 = tpu.memref_squeeze %dma_start3A_49 : memref<1x128xi32, #tpu.memory_space<vmem>> -> memref<128xi32, #tpu.memory_space<vmem>>
      %dma_start3A_51 = arith.constant 0 : i32
      %dma_start3A_52 = arith.constant 0 : i32
      %dma_start3A_53 = tpu.memref_slice %arg2[%dma_start3A_51, %dma_start3A_52] : memref<40960x96xf32, #tpu.memory_space<hbm>> -> memref<40960x96xf32, #tpu.memory_space<hbm>>
      tpu.enqueue_indirect_dma source(%dma_start3A_53 : memref<40960x96xf32, #tpu.memory_space<hbm>>) target(%arg8 : memref<128x96xf32, #tpu.memory_space<vmem>>) offsets(%dma_start3A_50 : memref<128xi32, #tpu.memory_space<vmem>>) semaphore(%arg12 : memref<!tpu.dma_semaphore, #tpu.memory_space<semaphore_mem>>)
      %add3A_54 = arith.constant 1 : i32
      %add3A_55 = arith.addi %mul3A_46, %add3A_54 : i32
      %dma_start3A_56 = arith.constant 0 : i32
      %dma_start3A_57 = tpu.memref_slice %arg6[%add3A_55, %dma_start3A_56] : memref<80x128xi32, #tpu.memory_space<vmem>> -> memref<1x128xi32, #tpu.memory_space<vmem>>
      %dma_start3A_58 = tpu.memref_squeeze %dma_start3A_57 : memref<1x128xi32, #tpu.memory_space<vmem>> -> memref<128xi32, #tpu.memory_space<vmem>>
      %dma_start3A_59 = arith.constant 0 : i32
      %dma_start3A_60 = arith.constant 0 : i32
      %dma_start3A_61 = tpu.memref_slice %arg2[%dma_start3A_59, %dma_start3A_60] : memref<40960x96xf32, #tpu.memory_space<hbm>> -> memref<40960x96xf32, #tpu.memory_space<hbm>>
      tpu.enqueue_indirect_dma source(%dma_start3A_61 : memref<40960x96xf32, #tpu.memory_space<hbm>>) target(%arg9 : memref<128x96xf32, #tpu.memory_space<vmem>>) offsets(%dma_start3A_58 : memref<128xi32, #tpu.memory_space<vmem>>) semaphore(%arg13 : memref<!tpu.dma_semaphore, #tpu.memory_space<semaphore_mem>>)
      %add3A_62 = arith.constant 2 : i32
      %add3A_63 = arith.addi %mul3A_46, %add3A_62 : i32
      %dma_start3A_64 = arith.constant 0 : i32
      %dma_start3A_65 = tpu.memref_slice %arg6[%add3A_63, %dma_start3A_64] : memref<80x128xi32, #tpu.memory_space<vmem>> -> memref<1x128xi32, #tpu.memory_space<vmem>>
      %dma_start3A_66 = tpu.memref_squeeze %dma_start3A_65 : memref<1x128xi32, #tpu.memory_space<vmem>> -> memref<128xi32, #tpu.memory_space<vmem>>
      %dma_start3A_67 = arith.constant 0 : i32
      %dma_start3A_68 = arith.constant 0 : i32
      %dma_start3A_69 = tpu.memref_slice %arg2[%dma_start3A_67, %dma_start3A_68] : memref<40960x96xf32, #tpu.memory_space<hbm>> -> memref<40960x96xf32, #tpu.memory_space<hbm>>
      tpu.enqueue_indirect_dma source(%dma_start3A_69 : memref<40960x96xf32, #tpu.memory_space<hbm>>) target(%arg10 : memref<128x96xf32, #tpu.memory_space<vmem>>) offsets(%dma_start3A_66 : memref<128xi32, #tpu.memory_space<vmem>>) semaphore(%arg14 : memref<!tpu.dma_semaphore, #tpu.memory_space<semaphore_mem>>)
      %add3A_70 = arith.constant 3 : i32
      %add3A_71 = arith.addi %mul3A_46, %add3A_70 : i32
      %dma_start3A_72 = arith.constant 0 : i32
      %dma_start3A_73 = tpu.memref_slice %arg6[%add3A_71, %dma_start3A_72] : memref<80x128xi32, #tpu.memory_space<vmem>> -> memref<1x128xi32, #tpu.memory_space<vmem>>
      %dma_start3A_74 = tpu.memref_squeeze %dma_start3A_73 : memref<1x128xi32, #tpu.memory_space<vmem>> -> memref<128xi32, #tpu.memory_space<vmem>>
      %dma_start3A_75 = arith.constant 0 : i32
      %dma_start3A_76 = arith.constant 0 : i32
      %dma_start3A_77 = tpu.memref_slice %arg2[%dma_start3A_75, %dma_start3A_76] : memref<40960x96xf32, #tpu.memory_space<hbm>> -> memref<40960x96xf32, #tpu.memory_space<hbm>>
      tpu.enqueue_indirect_dma source(%dma_start3A_77 : memref<40960x96xf32, #tpu.memory_space<hbm>>) target(%arg11 : memref<128x96xf32, #tpu.memory_space<vmem>>) offsets(%dma_start3A_74 : memref<128xi32, #tpu.memory_space<vmem>>) semaphore(%arg15 : memref<!tpu.dma_semaphore, #tpu.memory_space<semaphore_mem>>)
      %dma_wait3A = arith.constant 0 : i32
      %dma_wait3A_78 = tpu.memref_slice %arg6[%add3A_48, %dma_wait3A] : memref<80x128xi32, #tpu.memory_space<vmem>> -> memref<1x128xi32, #tpu.memory_space<vmem>>
      %dma_wait3A_79 = tpu.memref_squeeze %dma_wait3A_78 : memref<1x128xi32, #tpu.memory_space<vmem>> -> memref<128xi32, #tpu.memory_space<vmem>>
      %dma_wait3A_80 = arith.constant 0 : i32
      %dma_wait3A_81 = arith.constant 0 : i32
      %dma_wait3A_82 = tpu.memref_slice %arg2[%dma_wait3A_80, %dma_wait3A_81] : memref<40960x96xf32, #tpu.memory_space<hbm>> -> memref<40960x96xf32, #tpu.memory_space<hbm>>
      tpu.wait_indirect_dma semaphore(%arg12 : memref<!tpu.dma_semaphore, #tpu.memory_space<semaphore_mem>>) src(%dma_wait3A_82 : memref<40960x96xf32, #tpu.memory_space<hbm>>) dst(%arg8 : memref<128x96xf32, #tpu.memory_space<vmem>>)
      %add3A_83 = arith.constant 0 : i32
      %add3A_84 = arith.addi %mul3A_46, %add3A_83 : i32
      "tpu.region"() ({
        %run_scoped3A = tpu.sem_alloc : memref<!tpu.dma_semaphore, #tpu.memory_space<semaphore_mem>>
        %dma_start3A_109 = arith.constant 0 : i32
        %dma_start3A_110 = tpu.memref_slice %arg7[%add3A_84, %dma_start3A_109] : memref<80x128xi32, #tpu.memory_space<vmem>> -> memref<1x128xi32, #tpu.memory_space<vmem>>
        %dma_start3A_111 = tpu.memref_squeeze %dma_start3A_110 : memref<1x128xi32, #tpu.memory_space<vmem>> -> memref<128xi32, #tpu.memory_space<vmem>>
        %dma_start3A_112 = arith.constant 0 : i32
        %dma_start3A_113 = arith.constant 0 : i32
        %dma_start3A_114 = tpu.memref_slice %arg16[%dma_start3A_112, %dma_start3A_113] : memref<10240x96xf32, #tpu.memory_space<vmem_shared>> -> memref<10240x96xf32, #tpu.memory_space<vmem_shared>>
        tpu.enqueue_indirect_dma source(%arg8 : memref<128x96xf32, #tpu.memory_space<vmem>>) target(%dma_start3A_114 : memref<10240x96xf32, #tpu.memory_space<vmem_shared>>) offsets(%dma_start3A_111 : memref<128xi32, #tpu.memory_space<vmem>>) semaphore(%run_scoped3A : memref<!tpu.dma_semaphore, #tpu.memory_space<semaphore_mem>>) {add = true}
        %dma_wait3A_115 = arith.constant 0 : i32
        %dma_wait3A_116 = tpu.memref_slice %arg7[%add3A_84, %dma_wait3A_115] : memref<80x128xi32, #tpu.memory_space<vmem>> -> memref<1x128xi32, #tpu.memory_space<vmem>>
        %dma_wait3A_117 = tpu.memref_squeeze %dma_wait3A_116 : memref<1x128xi32, #tpu.memory_space<vmem>> -> memref<128xi32, #tpu.memory_space<vmem>>
        %dma_wait3A_118 = arith.constant 0 : i32
        %dma_wait3A_119 = arith.constant 0 : i32
        %dma_wait3A_120 = tpu.memref_slice %arg16[%dma_wait3A_118, %dma_wait3A_119] : memref<10240x96xf32, #tpu.memory_space<vmem_shared>> -> memref<10240x96xf32, #tpu.memory_space<vmem_shared>>
        tpu.wait_indirect_dma semaphore(%run_scoped3A : memref<!tpu.dma_semaphore, #tpu.memory_space<semaphore_mem>>) src(%arg8 : memref<128x96xf32, #tpu.memory_space<vmem>>) dst(%dma_wait3A_120 : memref<10240x96xf32, #tpu.memory_space<vmem_shared>>)
        tpu.yield
      }) : () -> ()
      %dma_wait3A_85 = arith.constant 0 : i32
      %dma_wait3A_86 = tpu.memref_slice %arg6[%add3A_55, %dma_wait3A_85] : memref<80x128xi32, #tpu.memory_space<vmem>> -> memref<1x128xi32, #tpu.memory_space<vmem>>
      %dma_wait3A_87 = tpu.memref_squeeze %dma_wait3A_86 : memref<1x128xi32, #tpu.memory_space<vmem>> -> memref<128xi32, #tpu.memory_space<vmem>>
      %dma_wait3A_88 = arith.constant 0 : i32
      %dma_wait3A_89 = arith.constant 0 : i32
      %dma_wait3A_90 = tpu.memref_slice %arg2[%dma_wait3A_88, %dma_wait3A_89] : memref<40960x96xf32, #tpu.memory_space<hbm>> -> memref<40960x96xf32, #tpu.memory_space<hbm>>
      tpu.wait_indirect_dma semaphore(%arg13 : memref<!tpu.dma_semaphore, #tpu.memory_space<semaphore_mem>>) src(%dma_wait3A_90 : memref<40960x96xf32, #tpu.memory_space<hbm>>) dst(%arg9 : memref<128x96xf32, #tpu.memory_space<vmem>>)
      %add3A_91 = arith.constant 1 : i32
      %add3A_92 = arith.addi %mul3A_46, %add3A_91 : i32
      "tpu.region"() ({
        %run_scoped3A = tpu.sem_alloc : memref<!tpu.dma_semaphore, #tpu.memory_space<semaphore_mem>>
        %dma_start3A_109 = arith.constant 0 : i32
        %dma_start3A_110 = tpu.memref_slice %arg7[%add3A_92, %dma_start3A_109] : memref<80x128xi32, #tpu.memory_space<vmem>> -> memref<1x128xi32, #tpu.memory_space<vmem>>
        %dma_start3A_111 = tpu.memref_squeeze %dma_start3A_110 : memref<1x128xi32, #tpu.memory_space<vmem>> -> memref<128xi32, #tpu.memory_space<vmem>>
        %dma_start3A_112 = arith.constant 0 : i32
        %dma_start3A_113 = arith.constant 0 : i32
        %dma_start3A_114 = tpu.memref_slice %arg16[%dma_start3A_112, %dma_start3A_113] : memref<10240x96xf32, #tpu.memory_space<vmem_shared>> -> memref<10240x96xf32, #tpu.memory_space<vmem_shared>>
        tpu.enqueue_indirect_dma source(%arg9 : memref<128x96xf32, #tpu.memory_space<vmem>>) target(%dma_start3A_114 : memref<10240x96xf32, #tpu.memory_space<vmem_shared>>) offsets(%dma_start3A_111 : memref<128xi32, #tpu.memory_space<vmem>>) semaphore(%run_scoped3A : memref<!tpu.dma_semaphore, #tpu.memory_space<semaphore_mem>>) {add = true}
        %dma_wait3A_115 = arith.constant 0 : i32
        %dma_wait3A_116 = tpu.memref_slice %arg7[%add3A_92, %dma_wait3A_115] : memref<80x128xi32, #tpu.memory_space<vmem>> -> memref<1x128xi32, #tpu.memory_space<vmem>>
        %dma_wait3A_117 = tpu.memref_squeeze %dma_wait3A_116 : memref<1x128xi32, #tpu.memory_space<vmem>> -> memref<128xi32, #tpu.memory_space<vmem>>
        %dma_wait3A_118 = arith.constant 0 : i32
        %dma_wait3A_119 = arith.constant 0 : i32
        %dma_wait3A_120 = tpu.memref_slice %arg16[%dma_wait3A_118, %dma_wait3A_119] : memref<10240x96xf32, #tpu.memory_space<vmem_shared>> -> memref<10240x96xf32, #tpu.memory_space<vmem_shared>>
        tpu.wait_indirect_dma semaphore(%run_scoped3A : memref<!tpu.dma_semaphore, #tpu.memory_space<semaphore_mem>>) src(%arg9 : memref<128x96xf32, #tpu.memory_space<vmem>>) dst(%dma_wait3A_120 : memref<10240x96xf32, #tpu.memory_space<vmem_shared>>)
        tpu.yield
      }) : () -> ()
      %dma_wait3A_93 = arith.constant 0 : i32
      %dma_wait3A_94 = tpu.memref_slice %arg6[%add3A_63, %dma_wait3A_93] : memref<80x128xi32, #tpu.memory_space<vmem>> -> memref<1x128xi32, #tpu.memory_space<vmem>>
      %dma_wait3A_95 = tpu.memref_squeeze %dma_wait3A_94 : memref<1x128xi32, #tpu.memory_space<vmem>> -> memref<128xi32, #tpu.memory_space<vmem>>
      %dma_wait3A_96 = arith.constant 0 : i32
      %dma_wait3A_97 = arith.constant 0 : i32
      %dma_wait3A_98 = tpu.memref_slice %arg2[%dma_wait3A_96, %dma_wait3A_97] : memref<40960x96xf32, #tpu.memory_space<hbm>> -> memref<40960x96xf32, #tpu.memory_space<hbm>>
      tpu.wait_indirect_dma semaphore(%arg14 : memref<!tpu.dma_semaphore, #tpu.memory_space<semaphore_mem>>) src(%dma_wait3A_98 : memref<40960x96xf32, #tpu.memory_space<hbm>>) dst(%arg10 : memref<128x96xf32, #tpu.memory_space<vmem>>)
      %add3A_99 = arith.constant 2 : i32
      %add3A_100 = arith.addi %mul3A_46, %add3A_99 : i32
      "tpu.region"() ({
        %run_scoped3A = tpu.sem_alloc : memref<!tpu.dma_semaphore, #tpu.memory_space<semaphore_mem>>
        %dma_start3A_109 = arith.constant 0 : i32
        %dma_start3A_110 = tpu.memref_slice %arg7[%add3A_100, %dma_start3A_109] : memref<80x128xi32, #tpu.memory_space<vmem>> -> memref<1x128xi32, #tpu.memory_space<vmem>>
        %dma_start3A_111 = tpu.memref_squeeze %dma_start3A_110 : memref<1x128xi32, #tpu.memory_space<vmem>> -> memref<128xi32, #tpu.memory_space<vmem>>
        %dma_start3A_112 = arith.constant 0 : i32
        %dma_start3A_113 = arith.constant 0 : i32
        %dma_start3A_114 = tpu.memref_slice %arg16[%dma_start3A_112, %dma_start3A_113] : memref<10240x96xf32, #tpu.memory_space<vmem_shared>> -> memref<10240x96xf32, #tpu.memory_space<vmem_shared>>
        tpu.enqueue_indirect_dma source(%arg10 : memref<128x96xf32, #tpu.memory_space<vmem>>) target(%dma_start3A_114 : memref<10240x96xf32, #tpu.memory_space<vmem_shared>>) offsets(%dma_start3A_111 : memref<128xi32, #tpu.memory_space<vmem>>) semaphore(%run_scoped3A : memref<!tpu.dma_semaphore, #tpu.memory_space<semaphore_mem>>) {add = true}
        %dma_wait3A_115 = arith.constant 0 : i32
        %dma_wait3A_116 = tpu.memref_slice %arg7[%add3A_100, %dma_wait3A_115] : memref<80x128xi32, #tpu.memory_space<vmem>> -> memref<1x128xi32, #tpu.memory_space<vmem>>
        %dma_wait3A_117 = tpu.memref_squeeze %dma_wait3A_116 : memref<1x128xi32, #tpu.memory_space<vmem>> -> memref<128xi32, #tpu.memory_space<vmem>>
        %dma_wait3A_118 = arith.constant 0 : i32
        %dma_wait3A_119 = arith.constant 0 : i32
        %dma_wait3A_120 = tpu.memref_slice %arg16[%dma_wait3A_118, %dma_wait3A_119] : memref<10240x96xf32, #tpu.memory_space<vmem_shared>> -> memref<10240x96xf32, #tpu.memory_space<vmem_shared>>
        tpu.wait_indirect_dma semaphore(%run_scoped3A : memref<!tpu.dma_semaphore, #tpu.memory_space<semaphore_mem>>) src(%arg10 : memref<128x96xf32, #tpu.memory_space<vmem>>) dst(%dma_wait3A_120 : memref<10240x96xf32, #tpu.memory_space<vmem_shared>>)
        tpu.yield
      }) : () -> ()
      %dma_wait3A_101 = arith.constant 0 : i32
      %dma_wait3A_102 = tpu.memref_slice %arg6[%add3A_71, %dma_wait3A_101] : memref<80x128xi32, #tpu.memory_space<vmem>> -> memref<1x128xi32, #tpu.memory_space<vmem>>
      %dma_wait3A_103 = tpu.memref_squeeze %dma_wait3A_102 : memref<1x128xi32, #tpu.memory_space<vmem>> -> memref<128xi32, #tpu.memory_space<vmem>>
      %dma_wait3A_104 = arith.constant 0 : i32
      %dma_wait3A_105 = arith.constant 0 : i32
      %dma_wait3A_106 = tpu.memref_slice %arg2[%dma_wait3A_104, %dma_wait3A_105] : memref<40960x96xf32, #tpu.memory_space<hbm>> -> memref<40960x96xf32, #tpu.memory_space<hbm>>
      tpu.wait_indirect_dma semaphore(%arg15 : memref<!tpu.dma_semaphore, #tpu.memory_space<semaphore_mem>>) src(%dma_wait3A_106 : memref<40960x96xf32, #tpu.memory_space<hbm>>) dst(%arg11 : memref<128x96xf32, #tpu.memory_space<vmem>>)
      %add3A_107 = arith.constant 3 : i32
      %add3A_108 = arith.addi %mul3A_46, %add3A_107 : i32
      "tpu.region"() ({
        %run_scoped3A = tpu.sem_alloc : memref<!tpu.dma_semaphore, #tpu.memory_space<semaphore_mem>>
        %dma_start3A_109 = arith.constant 0 : i32
        %dma_start3A_110 = tpu.memref_slice %arg7[%add3A_108, %dma_start3A_109] : memref<80x128xi32, #tpu.memory_space<vmem>> -> memref<1x128xi32, #tpu.memory_space<vmem>>
        %dma_start3A_111 = tpu.memref_squeeze %dma_start3A_110 : memref<1x128xi32, #tpu.memory_space<vmem>> -> memref<128xi32, #tpu.memory_space<vmem>>
        %dma_start3A_112 = arith.constant 0 : i32
        %dma_start3A_113 = arith.constant 0 : i32
        %dma_start3A_114 = tpu.memref_slice %arg16[%dma_start3A_112, %dma_start3A_113] : memref<10240x96xf32, #tpu.memory_space<vmem_shared>> -> memref<10240x96xf32, #tpu.memory_space<vmem_shared>>
        tpu.enqueue_indirect_dma source(%arg11 : memref<128x96xf32, #tpu.memory_space<vmem>>) target(%dma_start3A_114 : memref<10240x96xf32, #tpu.memory_space<vmem_shared>>) offsets(%dma_start3A_111 : memref<128xi32, #tpu.memory_space<vmem>>) semaphore(%run_scoped3A : memref<!tpu.dma_semaphore, #tpu.memory_space<semaphore_mem>>) {add = true}
        %dma_wait3A_115 = arith.constant 0 : i32
        %dma_wait3A_116 = tpu.memref_slice %arg7[%add3A_108, %dma_wait3A_115] : memref<80x128xi32, #tpu.memory_space<vmem>> -> memref<1x128xi32, #tpu.memory_space<vmem>>
        %dma_wait3A_117 = tpu.memref_squeeze %dma_wait3A_116 : memref<1x128xi32, #tpu.memory_space<vmem>> -> memref<128xi32, #tpu.memory_space<vmem>>
        %dma_wait3A_118 = arith.constant 0 : i32
        %dma_wait3A_119 = arith.constant 0 : i32
        %dma_wait3A_120 = tpu.memref_slice %arg16[%dma_wait3A_118, %dma_wait3A_119] : memref<10240x96xf32, #tpu.memory_space<vmem_shared>> -> memref<10240x96xf32, #tpu.memory_space<vmem_shared>>
        tpu.wait_indirect_dma semaphore(%run_scoped3A : memref<!tpu.dma_semaphore, #tpu.memory_space<semaphore_mem>>) src(%arg11 : memref<128x96xf32, #tpu.memory_space<vmem>>) dst(%dma_wait3A_120 : memref<10240x96xf32, #tpu.memory_space<vmem_shared>>)
        tpu.yield
      }) : () -> ()
    }
    %scan3A_11 = arith.constant 20 : i32
    %barrier3A_12 = arith.constant 0 : index
    tpu.barrier barrier_id(%barrier3A_12)
    %mul3A_13 = arith.constant 640 : i32
    %mul3A_14 = arith.muli %arg1, %mul3A_13 : i32
    %mul3A_15 = arith.constant 10240 : i32
    %mul3A_16 = arith.muli %add3A_0, %mul3A_15 : i32
    %mul3A_17 = arith.constant 640 : i32
    %mul3A_18 = arith.muli %arg1, %mul3A_17 : i32
    %add3A_19 = arith.addi %mul3A_16, %mul3A_18 : i32
    "tpu.region"() ({
      %run_scoped3A = tpu.sem_alloc : memref<!tpu.dma_semaphore, #tpu.memory_space<semaphore_mem>>
      %dma_start3A = arith.constant 0 : i32
      %dma_start3A_44 = tpu.memref_slice %arg5[%add3A_19, %dma_start3A] : memref<40960x96xf32, #tpu.memory_space<hbm>> -> memref<640x96xf32, #tpu.memory_space<hbm>>
      %dma_start3A_45 = arith.constant 0 : i32
      %dma_start3A_46 = tpu.memref_slice %arg16[%mul3A_14, %dma_start3A_45] : memref<10240x96xf32, #tpu.memory_space<vmem_shared>> -> memref<640x96xf32, #tpu.memory_space<vmem_shared>>
      tpu.enqueue_dma source(%dma_start3A_46 : memref<640x96xf32, #tpu.memory_space<vmem_shared>>) target(%dma_start3A_44 : memref<640x96xf32, #tpu.memory_space<hbm>>) target_semaphore(%run_scoped3A : memref<!tpu.dma_semaphore, #tpu.memory_space<semaphore_mem>>)
      %dma_wait3A = arith.constant 0 : i32
      %dma_wait3A_47 = tpu.memref_slice %arg5[%add3A_19, %dma_wait3A] : memref<40960x96xf32, #tpu.memory_space<hbm>> -> memref<640x96xf32, #tpu.memory_space<hbm>>
      %dma_wait3A_48 = arith.constant 0 : i32
      %dma_wait3A_49 = tpu.memref_slice %arg16[%mul3A_14, %dma_wait3A_48] : memref<10240x96xf32, #tpu.memory_space<vmem_shared>> -> memref<640x96xf32, #tpu.memory_space<vmem_shared>>
      tpu.wait_dma2 semaphore(%run_scoped3A : memref<!tpu.dma_semaphore, #tpu.memory_space<semaphore_mem>>) src(%dma_wait3A_49 : memref<640x96xf32, #tpu.memory_space<vmem_shared>>) dst(%dma_wait3A_47 : memref<640x96xf32, #tpu.memory_space<hbm>>)
      tpu.yield
    }) : () -> ()
    %add3A_20 = arith.constant 2 : i32
    %add3A_21 = arith.addi %add3A_20, %arg0 : i32
    %mul3A_22 = arith.constant 10240 : i32
    %mul3A_23 = arith.muli %add3A_21, %mul3A_22 : i32
    %mul3A_24 = arith.constant 640 : i32
    %mul3A_25 = arith.muli %arg1, %mul3A_24 : i32
    %add3A_26 = arith.addi %mul3A_23, %mul3A_25 : i32
    %mul3A_27 = arith.constant 640 : i32
    %mul3A_28 = arith.muli %arg1, %mul3A_27 : i32
    "tpu.region"() ({
      %run_scoped3A = tpu.sem_alloc : memref<!tpu.dma_semaphore, #tpu.memory_space<semaphore_mem>>
      %dma_start3A = arith.constant 0 : i32
      %dma_start3A_44 = tpu.memref_slice %arg16[%mul3A_28, %dma_start3A] : memref<10240x96xf32, #tpu.memory_space<vmem_shared>> -> memref<640x96xf32, #tpu.memory_space<vmem_shared>>
      %dma_start3A_45 = arith.constant 0 : i32
      %dma_start3A_46 = tpu.memref_slice %arg2[%add3A_26, %dma_start3A_45] : memref<40960x96xf32, #tpu.memory_space<hbm>> -> memref<640x96xf32, #tpu.memory_space<hbm>>
      tpu.enqueue_dma source(%dma_start3A_46 : memref<640x96xf32, #tpu.memory_space<hbm>>) target(%dma_start3A_44 : memref<640x96xf32, #tpu.memory_space<vmem_shared>>) target_semaphore(%run_scoped3A : memref<!tpu.dma_semaphore, #tpu.memory_space<semaphore_mem>>)
      %dma_wait3A = arith.constant 0 : i32
      %dma_wait3A_47 = tpu.memref_slice %arg16[%mul3A_28, %dma_wait3A] : memref<10240x96xf32, #tpu.memory_space<vmem_shared>> -> memref<640x96xf32, #tpu.memory_space<vmem_shared>>
      %dma_wait3A_48 = arith.constant 0 : i32
      %dma_wait3A_49 = tpu.memref_slice %arg2[%add3A_26, %dma_wait3A_48] : memref<40960x96xf32, #tpu.memory_space<hbm>> -> memref<640x96xf32, #tpu.memory_space<hbm>>
      tpu.wait_dma2 semaphore(%run_scoped3A : memref<!tpu.dma_semaphore, #tpu.memory_space<semaphore_mem>>) src(%dma_wait3A_49 : memref<640x96xf32, #tpu.memory_space<hbm>>) dst(%dma_wait3A_47 : memref<640x96xf32, #tpu.memory_space<vmem_shared>>)
      tpu.yield
    }) : () -> ()
    "tpu.region"() ({
      %run_scoped3A = tpu.sem_alloc : memref<!tpu.dma_semaphore, #tpu.memory_space<semaphore_mem>>
      %dma_start3A = arith.constant 0 : i32
      %dma_start3A_44 = arith.constant 0 : i32
      %dma_start3A_45 = tpu.memref_slice %arg3[%add3A_21, %arg1, %dma_start3A, %dma_start3A_44] : memref<4x16x80x128xi32, #tpu.memory_space<hbm>> -> memref<1x1x80x128xi32, #tpu.memory_space<hbm>>
      %dma_start3A_46 = tpu.memref_squeeze %dma_start3A_45 : memref<1x1x80x128xi32, #tpu.memory_space<hbm>> -> memref<80x128xi32, #tpu.memory_space<hbm>>
      %dma_start3A_47 = arith.constant 0 : i32
      %dma_start3A_48 = arith.constant 0 : i32
      %dma_start3A_49 = tpu.memref_slice %arg3[%add3A_21, %arg1, %dma_start3A_47, %dma_start3A_48] : memref<4x16x80x128xi32, #tpu.memory_space<hbm>> -> memref<1x1x80x128xi32, #tpu.memory_space<hbm>>
      %dma_start3A_50 = tpu.memref_squeeze %dma_start3A_49 : memref<1x1x80x128xi32, #tpu.memory_space<hbm>> -> memref<80x128xi32, #tpu.memory_space<hbm>>
      tpu.enqueue_dma source(%dma_start3A_50 : memref<80x128xi32, #tpu.memory_space<hbm>>) target(%arg6 : memref<80x128xi32, #tpu.memory_space<vmem>>) target_semaphore(%run_scoped3A : memref<!tpu.dma_semaphore, #tpu.memory_space<semaphore_mem>>)
      %dma_wait3A = arith.constant 0 : i32
      %dma_wait3A_51 = arith.constant 0 : i32
      %dma_wait3A_52 = tpu.memref_slice %arg3[%add3A_21, %arg1, %dma_wait3A, %dma_wait3A_51] : memref<4x16x80x128xi32, #tpu.memory_space<hbm>> -> memref<1x1x80x128xi32, #tpu.memory_space<hbm>>
      %dma_wait3A_53 = tpu.memref_squeeze %dma_wait3A_52 : memref<1x1x80x128xi32, #tpu.memory_space<hbm>> -> memref<80x128xi32, #tpu.memory_space<hbm>>
      %dma_wait3A_54 = arith.constant 0 : i32
      %dma_wait3A_55 = arith.constant 0 : i32
      %dma_wait3A_56 = tpu.memref_slice %arg3[%add3A_21, %arg1, %dma_wait3A_54, %dma_wait3A_55] : memref<4x16x80x128xi32, #tpu.memory_space<hbm>> -> memref<1x1x80x128xi32, #tpu.memory_space<hbm>>
      %dma_wait3A_57 = tpu.memref_squeeze %dma_wait3A_56 : memref<1x1x80x128xi32, #tpu.memory_space<hbm>> -> memref<80x128xi32, #tpu.memory_space<hbm>>
      tpu.wait_dma2 semaphore(%run_scoped3A : memref<!tpu.dma_semaphore, #tpu.memory_space<semaphore_mem>>) src(%dma_wait3A_57 : memref<80x128xi32, #tpu.memory_space<hbm>>) dst(%arg6 : memref<80x128xi32, #tpu.memory_space<vmem>>)
      tpu.yield
    }) : () -> ()
    %barrier3A_29 = arith.constant 0 : index
    tpu.barrier barrier_id(%barrier3A_29)
    %scan3A_30 = arith.constant 0 : i32
    %scan3A_31 = arith.constant 0 : i32
    %scan3A_32 = arith.constant 20 : i32
    %scan3A_33 = arith.addi %scan3A_31, %scan3A_32 : i32
    %scan3A_34 = arith.constant 1 : i32
    scf.for %scan3A_44 = %scan3A_31 to %scan3A_33 step %scan3A_34  : i32 {
      %mul3A_45 = arith.constant 4 : i32
      %mul3A_46 = arith.muli %mul3A_45, %scan3A_44 : i32
      %add3A_47 = arith.constant 0 : i32
      %add3A_48 = arith.addi %mul3A_46, %add3A_47 : i32
      %dma_start3A = arith.constant 0 : i32
      %dma_start3A_49 = tpu.memref_slice %arg6[%add3A_48, %dma_start3A] : memref<80x128xi32, #tpu.memory_space<vmem>> -> memref<1x128xi32, #tpu.memory_space<vmem>>
      %dma_start3A_50 = tpu.memref_squeeze %dma_start3A_49 : memref<1x128xi32, #tpu.memory_space<vmem>> -> memref<128xi32, #tpu.memory_space<vmem>>
      %dma_start3A_51 = arith.constant 0 : i32
      %dma_start3A_52 = arith.constant 0 : i32
      %dma_start3A_53 = tpu.memref_slice %arg2[%dma_start3A_51, %dma_start3A_52] : memref<40960x96xf32, #tpu.memory_space<hbm>> -> memref<40960x96xf32, #tpu.memory_space<hbm>>
      tpu.enqueue_indirect_dma source(%dma_start3A_53 : memref<40960x96xf32, #tpu.memory_space<hbm>>) target(%arg8 : memref<128x96xf32, #tpu.memory_space<vmem>>) offsets(%dma_start3A_50 : memref<128xi32, #tpu.memory_space<vmem>>) semaphore(%arg12 : memref<!tpu.dma_semaphore, #tpu.memory_space<semaphore_mem>>)
      %add3A_54 = arith.constant 1 : i32
      %add3A_55 = arith.addi %mul3A_46, %add3A_54 : i32
      %dma_start3A_56 = arith.constant 0 : i32
      %dma_start3A_57 = tpu.memref_slice %arg6[%add3A_55, %dma_start3A_56] : memref<80x128xi32, #tpu.memory_space<vmem>> -> memref<1x128xi32, #tpu.memory_space<vmem>>
      %dma_start3A_58 = tpu.memref_squeeze %dma_start3A_57 : memref<1x128xi32, #tpu.memory_space<vmem>> -> memref<128xi32, #tpu.memory_space<vmem>>
      %dma_start3A_59 = arith.constant 0 : i32
      %dma_start3A_60 = arith.constant 0 : i32
      %dma_start3A_61 = tpu.memref_slice %arg2[%dma_start3A_59, %dma_start3A_60] : memref<40960x96xf32, #tpu.memory_space<hbm>> -> memref<40960x96xf32, #tpu.memory_space<hbm>>
      tpu.enqueue_indirect_dma source(%dma_start3A_61 : memref<40960x96xf32, #tpu.memory_space<hbm>>) target(%arg9 : memref<128x96xf32, #tpu.memory_space<vmem>>) offsets(%dma_start3A_58 : memref<128xi32, #tpu.memory_space<vmem>>) semaphore(%arg13 : memref<!tpu.dma_semaphore, #tpu.memory_space<semaphore_mem>>)
      %add3A_62 = arith.constant 2 : i32
      %add3A_63 = arith.addi %mul3A_46, %add3A_62 : i32
      %dma_start3A_64 = arith.constant 0 : i32
      %dma_start3A_65 = tpu.memref_slice %arg6[%add3A_63, %dma_start3A_64] : memref<80x128xi32, #tpu.memory_space<vmem>> -> memref<1x128xi32, #tpu.memory_space<vmem>>
      %dma_start3A_66 = tpu.memref_squeeze %dma_start3A_65 : memref<1x128xi32, #tpu.memory_space<vmem>> -> memref<128xi32, #tpu.memory_space<vmem>>
      %dma_start3A_67 = arith.constant 0 : i32
      %dma_start3A_68 = arith.constant 0 : i32
      %dma_start3A_69 = tpu.memref_slice %arg2[%dma_start3A_67, %dma_start3A_68] : memref<40960x96xf32, #tpu.memory_space<hbm>> -> memref<40960x96xf32, #tpu.memory_space<hbm>>
      tpu.enqueue_indirect_dma source(%dma_start3A_69 : memref<40960x96xf32, #tpu.memory_space<hbm>>) target(%arg10 : memref<128x96xf32, #tpu.memory_space<vmem>>) offsets(%dma_start3A_66 : memref<128xi32, #tpu.memory_space<vmem>>) semaphore(%arg14 : memref<!tpu.dma_semaphore, #tpu.memory_space<semaphore_mem>>)
      %add3A_70 = arith.constant 3 : i32
      %add3A_71 = arith.addi %mul3A_46, %add3A_70 : i32
      %dma_start3A_72 = arith.constant 0 : i32
      %dma_start3A_73 = tpu.memref_slice %arg6[%add3A_71, %dma_start3A_72] : memref<80x128xi32, #tpu.memory_space<vmem>> -> memref<1x128xi32, #tpu.memory_space<vmem>>
      %dma_start3A_74 = tpu.memref_squeeze %dma_start3A_73 : memref<1x128xi32, #tpu.memory_space<vmem>> -> memref<128xi32, #tpu.memory_space<vmem>>
      %dma_start3A_75 = arith.constant 0 : i32
      %dma_start3A_76 = arith.constant 0 : i32
      %dma_start3A_77 = tpu.memref_slice %arg2[%dma_start3A_75, %dma_start3A_76] : memref<40960x96xf32, #tpu.memory_space<hbm>> -> memref<40960x96xf32, #tpu.memory_space<hbm>>
      tpu.enqueue_indirect_dma source(%dma_start3A_77 : memref<40960x96xf32, #tpu.memory_space<hbm>>) target(%arg11 : memref<128x96xf32, #tpu.memory_space<vmem>>) offsets(%dma_start3A_74 : memref<128xi32, #tpu.memory_space<vmem>>) semaphore(%arg15 : memref<!tpu.dma_semaphore, #tpu.memory_space<semaphore_mem>>)
      %dma_wait3A = arith.constant 0 : i32
      %dma_wait3A_78 = tpu.memref_slice %arg6[%add3A_48, %dma_wait3A] : memref<80x128xi32, #tpu.memory_space<vmem>> -> memref<1x128xi32, #tpu.memory_space<vmem>>
      %dma_wait3A_79 = tpu.memref_squeeze %dma_wait3A_78 : memref<1x128xi32, #tpu.memory_space<vmem>> -> memref<128xi32, #tpu.memory_space<vmem>>
      %dma_wait3A_80 = arith.constant 0 : i32
      %dma_wait3A_81 = arith.constant 0 : i32
      %dma_wait3A_82 = tpu.memref_slice %arg2[%dma_wait3A_80, %dma_wait3A_81] : memref<40960x96xf32, #tpu.memory_space<hbm>> -> memref<40960x96xf32, #tpu.memory_space<hbm>>
      tpu.wait_indirect_dma semaphore(%arg12 : memref<!tpu.dma_semaphore, #tpu.memory_space<semaphore_mem>>) src(%dma_wait3A_82 : memref<40960x96xf32, #tpu.memory_space<hbm>>) dst(%arg8 : memref<128x96xf32, #tpu.memory_space<vmem>>)
      %add3A_83 = arith.constant 0 : i32
      %add3A_84 = arith.addi %mul3A_46, %add3A_83 : i32
      "tpu.region"() ({
        %run_scoped3A = tpu.sem_alloc : memref<!tpu.dma_semaphore, #tpu.memory_space<semaphore_mem>>
        %dma_start3A_109 = arith.constant 0 : i32
        %dma_start3A_110 = tpu.memref_slice %arg7[%add3A_84, %dma_start3A_109] : memref<80x128xi32, #tpu.memory_space<vmem>> -> memref<1x128xi32, #tpu.memory_space<vmem>>
        %dma_start3A_111 = tpu.memref_squeeze %dma_start3A_110 : memref<1x128xi32, #tpu.memory_space<vmem>> -> memref<128xi32, #tpu.memory_space<vmem>>
        %dma_start3A_112 = arith.constant 0 : i32
        %dma_start3A_113 = arith.constant 0 : i32
        %dma_start3A_114 = tpu.memref_slice %arg16[%dma_start3A_112, %dma_start3A_113] : memref<10240x96xf32, #tpu.memory_space<vmem_shared>> -> memref<10240x96xf32, #tpu.memory_space<vmem_shared>>
        tpu.enqueue_indirect_dma source(%arg8 : memref<128x96xf32, #tpu.memory_space<vmem>>) target(%dma_start3A_114 : memref<10240x96xf32, #tpu.memory_space<vmem_shared>>) offsets(%dma_start3A_111 : memref<128xi32, #tpu.memory_space<vmem>>) semaphore(%run_scoped3A : memref<!tpu.dma_semaphore, #tpu.memory_space<semaphore_mem>>) {add = true}
        %dma_wait3A_115 = arith.constant 0 : i32
        %dma_wait3A_116 = tpu.memref_slice %arg7[%add3A_84, %dma_wait3A_115] : memref<80x128xi32, #tpu.memory_space<vmem>> -> memref<1x128xi32, #tpu.memory_space<vmem>>
        %dma_wait3A_117 = tpu.memref_squeeze %dma_wait3A_116 : memref<1x128xi32, #tpu.memory_space<vmem>> -> memref<128xi32, #tpu.memory_space<vmem>>
        %dma_wait3A_118 = arith.constant 0 : i32
        %dma_wait3A_119 = arith.constant 0 : i32
        %dma_wait3A_120 = tpu.memref_slice %arg16[%dma_wait3A_118, %dma_wait3A_119] : memref<10240x96xf32, #tpu.memory_space<vmem_shared>> -> memref<10240x96xf32, #tpu.memory_space<vmem_shared>>
        tpu.wait_indirect_dma semaphore(%run_scoped3A : memref<!tpu.dma_semaphore, #tpu.memory_space<semaphore_mem>>) src(%arg8 : memref<128x96xf32, #tpu.memory_space<vmem>>) dst(%dma_wait3A_120 : memref<10240x96xf32, #tpu.memory_space<vmem_shared>>)
        tpu.yield
      }) : () -> ()
      %dma_wait3A_85 = arith.constant 0 : i32
      %dma_wait3A_86 = tpu.memref_slice %arg6[%add3A_55, %dma_wait3A_85] : memref<80x128xi32, #tpu.memory_space<vmem>> -> memref<1x128xi32, #tpu.memory_space<vmem>>
      %dma_wait3A_87 = tpu.memref_squeeze %dma_wait3A_86 : memref<1x128xi32, #tpu.memory_space<vmem>> -> memref<128xi32, #tpu.memory_space<vmem>>
      %dma_wait3A_88 = arith.constant 0 : i32
      %dma_wait3A_89 = arith.constant 0 : i32
      %dma_wait3A_90 = tpu.memref_slice %arg2[%dma_wait3A_88, %dma_wait3A_89] : memref<40960x96xf32, #tpu.memory_space<hbm>> -> memref<40960x96xf32, #tpu.memory_space<hbm>>
      tpu.wait_indirect_dma semaphore(%arg13 : memref<!tpu.dma_semaphore, #tpu.memory_space<semaphore_mem>>) src(%dma_wait3A_90 : memref<40960x96xf32, #tpu.memory_space<hbm>>) dst(%arg9 : memref<128x96xf32, #tpu.memory_space<vmem>>)
      %add3A_91 = arith.constant 1 : i32
      %add3A_92 = arith.addi %mul3A_46, %add3A_91 : i32
      "tpu.region"() ({
        %run_scoped3A = tpu.sem_alloc : memref<!tpu.dma_semaphore, #tpu.memory_space<semaphore_mem>>
        %dma_start3A_109 = arith.constant 0 : i32
        %dma_start3A_110 = tpu.memref_slice %arg7[%add3A_92, %dma_start3A_109] : memref<80x128xi32, #tpu.memory_space<vmem>> -> memref<1x128xi32, #tpu.memory_space<vmem>>
        %dma_start3A_111 = tpu.memref_squeeze %dma_start3A_110 : memref<1x128xi32, #tpu.memory_space<vmem>> -> memref<128xi32, #tpu.memory_space<vmem>>
        %dma_start3A_112 = arith.constant 0 : i32
        %dma_start3A_113 = arith.constant 0 : i32
        %dma_start3A_114 = tpu.memref_slice %arg16[%dma_start3A_112, %dma_start3A_113] : memref<10240x96xf32, #tpu.memory_space<vmem_shared>> -> memref<10240x96xf32, #tpu.memory_space<vmem_shared>>
        tpu.enqueue_indirect_dma source(%arg9 : memref<128x96xf32, #tpu.memory_space<vmem>>) target(%dma_start3A_114 : memref<10240x96xf32, #tpu.memory_space<vmem_shared>>) offsets(%dma_start3A_111 : memref<128xi32, #tpu.memory_space<vmem>>) semaphore(%run_scoped3A : memref<!tpu.dma_semaphore, #tpu.memory_space<semaphore_mem>>) {add = true}
        %dma_wait3A_115 = arith.constant 0 : i32
        %dma_wait3A_116 = tpu.memref_slice %arg7[%add3A_92, %dma_wait3A_115] : memref<80x128xi32, #tpu.memory_space<vmem>> -> memref<1x128xi32, #tpu.memory_space<vmem>>
        %dma_wait3A_117 = tpu.memref_squeeze %dma_wait3A_116 : memref<1x128xi32, #tpu.memory_space<vmem>> -> memref<128xi32, #tpu.memory_space<vmem>>
        %dma_wait3A_118 = arith.constant 0 : i32
        %dma_wait3A_119 = arith.constant 0 : i32
        %dma_wait3A_120 = tpu.memref_slice %arg16[%dma_wait3A_118, %dma_wait3A_119] : memref<10240x96xf32, #tpu.memory_space<vmem_shared>> -> memref<10240x96xf32, #tpu.memory_space<vmem_shared>>
        tpu.wait_indirect_dma semaphore(%run_scoped3A : memref<!tpu.dma_semaphore, #tpu.memory_space<semaphore_mem>>) src(%arg9 : memref<128x96xf32, #tpu.memory_space<vmem>>) dst(%dma_wait3A_120 : memref<10240x96xf32, #tpu.memory_space<vmem_shared>>)
        tpu.yield
      }) : () -> ()
      %dma_wait3A_93 = arith.constant 0 : i32
      %dma_wait3A_94 = tpu.memref_slice %arg6[%add3A_63, %dma_wait3A_93] : memref<80x128xi32, #tpu.memory_space<vmem>> -> memref<1x128xi32, #tpu.memory_space<vmem>>
      %dma_wait3A_95 = tpu.memref_squeeze %dma_wait3A_94 : memref<1x128xi32, #tpu.memory_space<vmem>> -> memref<128xi32, #tpu.memory_space<vmem>>
      %dma_wait3A_96 = arith.constant 0 : i32
      %dma_wait3A_97 = arith.constant 0 : i32
      %dma_wait3A_98 = tpu.memref_slice %arg2[%dma_wait3A_96, %dma_wait3A_97] : memref<40960x96xf32, #tpu.memory_space<hbm>> -> memref<40960x96xf32, #tpu.memory_space<hbm>>
      tpu.wait_indirect_dma semaphore(%arg14 : memref<!tpu.dma_semaphore, #tpu.memory_space<semaphore_mem>>) src(%dma_wait3A_98 : memref<40960x96xf32, #tpu.memory_space<hbm>>) dst(%arg10 : memref<128x96xf32, #tpu.memory_space<vmem>>)
      %add3A_99 = arith.constant 2 : i32
      %add3A_100 = arith.addi %mul3A_46, %add3A_99 : i32
      "tpu.region"() ({
        %run_scoped3A = tpu.sem_alloc : memref<!tpu.dma_semaphore, #tpu.memory_space<semaphore_mem>>
        %dma_start3A_109 = arith.constant 0 : i32
        %dma_start3A_110 = tpu.memref_slice %arg7[%add3A_100, %dma_start3A_109] : memref<80x128xi32, #tpu.memory_space<vmem>> -> memref<1x128xi32, #tpu.memory_space<vmem>>
        %dma_start3A_111 = tpu.memref_squeeze %dma_start3A_110 : memref<1x128xi32, #tpu.memory_space<vmem>> -> memref<128xi32, #tpu.memory_space<vmem>>
        %dma_start3A_112 = arith.constant 0 : i32
        %dma_start3A_113 = arith.constant 0 : i32
        %dma_start3A_114 = tpu.memref_slice %arg16[%dma_start3A_112, %dma_start3A_113] : memref<10240x96xf32, #tpu.memory_space<vmem_shared>> -> memref<10240x96xf32, #tpu.memory_space<vmem_shared>>
        tpu.enqueue_indirect_dma source(%arg10 : memref<128x96xf32, #tpu.memory_space<vmem>>) target(%dma_start3A_114 : memref<10240x96xf32, #tpu.memory_space<vmem_shared>>) offsets(%dma_start3A_111 : memref<128xi32, #tpu.memory_space<vmem>>) semaphore(%run_scoped3A : memref<!tpu.dma_semaphore, #tpu.memory_space<semaphore_mem>>) {add = true}
        %dma_wait3A_115 = arith.constant 0 : i32
        %dma_wait3A_116 = tpu.memref_slice %arg7[%add3A_100, %dma_wait3A_115] : memref<80x128xi32, #tpu.memory_space<vmem>> -> memref<1x128xi32, #tpu.memory_space<vmem>>
        %dma_wait3A_117 = tpu.memref_squeeze %dma_wait3A_116 : memref<1x128xi32, #tpu.memory_space<vmem>> -> memref<128xi32, #tpu.memory_space<vmem>>
        %dma_wait3A_118 = arith.constant 0 : i32
        %dma_wait3A_119 = arith.constant 0 : i32
        %dma_wait3A_120 = tpu.memref_slice %arg16[%dma_wait3A_118, %dma_wait3A_119] : memref<10240x96xf32, #tpu.memory_space<vmem_shared>> -> memref<10240x96xf32, #tpu.memory_space<vmem_shared>>
        tpu.wait_indirect_dma semaphore(%run_scoped3A : memref<!tpu.dma_semaphore, #tpu.memory_space<semaphore_mem>>) src(%arg10 : memref<128x96xf32, #tpu.memory_space<vmem>>) dst(%dma_wait3A_120 : memref<10240x96xf32, #tpu.memory_space<vmem_shared>>)
        tpu.yield
      }) : () -> ()
      %dma_wait3A_101 = arith.constant 0 : i32
      %dma_wait3A_102 = tpu.memref_slice %arg6[%add3A_71, %dma_wait3A_101] : memref<80x128xi32, #tpu.memory_space<vmem>> -> memref<1x128xi32, #tpu.memory_space<vmem>>
      %dma_wait3A_103 = tpu.memref_squeeze %dma_wait3A_102 : memref<1x128xi32, #tpu.memory_space<vmem>> -> memref<128xi32, #tpu.memory_space<vmem>>
      %dma_wait3A_104 = arith.constant 0 : i32
      %dma_wait3A_105 = arith.constant 0 : i32
      %dma_wait3A_106 = tpu.memref_slice %arg2[%dma_wait3A_104, %dma_wait3A_105] : memref<40960x96xf32, #tpu.memory_space<hbm>> -> memref<40960x96xf32, #tpu.memory_space<hbm>>
      tpu.wait_indirect_dma semaphore(%arg15 : memref<!tpu.dma_semaphore, #tpu.memory_space<semaphore_mem>>) src(%dma_wait3A_106 : memref<40960x96xf32, #tpu.memory_space<hbm>>) dst(%arg11 : memref<128x96xf32, #tpu.memory_space<vmem>>)
      %add3A_107 = arith.constant 3 : i32
      %add3A_108 = arith.addi %mul3A_46, %add3A_107 : i32
      "tpu.region"() ({
        %run_scoped3A = tpu.sem_alloc : memref<!tpu.dma_semaphore, #tpu.memory_space<semaphore_mem>>
        %dma_start3A_109 = arith.constant 0 : i32
        %dma_start3A_110 = tpu.memref_slice %arg7[%add3A_108, %dma_start3A_109] : memref<80x128xi32, #tpu.memory_space<vmem>> -> memref<1x128xi32, #tpu.memory_space<vmem>>
        %dma_start3A_111 = tpu.memref_squeeze %dma_start3A_110 : memref<1x128xi32, #tpu.memory_space<vmem>> -> memref<128xi32, #tpu.memory_space<vmem>>
        %dma_start3A_112 = arith.constant 0 : i32
        %dma_start3A_113 = arith.constant 0 : i32
        %dma_start3A_114 = tpu.memref_slice %arg16[%dma_start3A_112, %dma_start3A_113] : memref<10240x96xf32, #tpu.memory_space<vmem_shared>> -> memref<10240x96xf32, #tpu.memory_space<vmem_shared>>
        tpu.enqueue_indirect_dma source(%arg11 : memref<128x96xf32, #tpu.memory_space<vmem>>) target(%dma_start3A_114 : memref<10240x96xf32, #tpu.memory_space<vmem_shared>>) offsets(%dma_start3A_111 : memref<128xi32, #tpu.memory_space<vmem>>) semaphore(%run_scoped3A : memref<!tpu.dma_semaphore, #tpu.memory_space<semaphore_mem>>) {add = true}
        %dma_wait3A_115 = arith.constant 0 : i32
        %dma_wait3A_116 = tpu.memref_slice %arg7[%add3A_108, %dma_wait3A_115] : memref<80x128xi32, #tpu.memory_space<vmem>> -> memref<1x128xi32, #tpu.memory_space<vmem>>
        %dma_wait3A_117 = tpu.memref_squeeze %dma_wait3A_116 : memref<1x128xi32, #tpu.memory_space<vmem>> -> memref<128xi32, #tpu.memory_space<vmem>>
        %dma_wait3A_118 = arith.constant 0 : i32
        %dma_wait3A_119 = arith.constant 0 : i32
        %dma_wait3A_120 = tpu.memref_slice %arg16[%dma_wait3A_118, %dma_wait3A_119] : memref<10240x96xf32, #tpu.memory_space<vmem_shared>> -> memref<10240x96xf32, #tpu.memory_space<vmem_shared>>
        tpu.wait_indirect_dma semaphore(%run_scoped3A : memref<!tpu.dma_semaphore, #tpu.memory_space<semaphore_mem>>) src(%arg11 : memref<128x96xf32, #tpu.memory_space<vmem>>) dst(%dma_wait3A_120 : memref<10240x96xf32, #tpu.memory_space<vmem_shared>>)
        tpu.yield
      }) : () -> ()
    }
    %scan3A_35 = arith.constant 20 : i32
    %barrier3A_36 = arith.constant 0 : index
    tpu.barrier barrier_id(%barrier3A_36)
    %mul3A_37 = arith.constant 640 : i32
    %mul3A_38 = arith.muli %arg1, %mul3A_37 : i32
    %mul3A_39 = arith.constant 10240 : i32
    %mul3A_40 = arith.muli %add3A_21, %mul3A_39 : i32
    %mul3A_41 = arith.constant 640 : i32
    %mul3A_42 = arith.muli %arg1, %mul3A_41 : i32
    %add3A_43 = arith.addi %mul3A_40, %mul3A_42 : i32
    "tpu.region"() ({
      %run_scoped3A = tpu.sem_alloc : memref<!tpu.dma_semaphore, #tpu.memory_space<semaphore_mem>>
      %dma_start3A = arith.constant 0 : i32
      %dma_start3A_44 = tpu.memref_slice %arg5[%add3A_43, %dma_start3A] : memref<40960x96xf32, #tpu.memory_space<hbm>> -> memref<640x96xf32, #tpu.memory_space<hbm>>
      %dma_start3A_45 = arith.constant 0 : i32
      %dma_start3A_46 = tpu.memref_slice %arg16[%mul3A_38, %dma_start3A_45] : memref<10240x96xf32, #tpu.memory_space<vmem_shared>> -> memref<640x96xf32, #tpu.memory_space<vmem_shared>>
      tpu.enqueue_dma source(%dma_start3A_46 : memref<640x96xf32, #tpu.memory_space<vmem_shared>>) target(%dma_start3A_44 : memref<640x96xf32, #tpu.memory_space<hbm>>) target_semaphore(%run_scoped3A : memref<!tpu.dma_semaphore, #tpu.memory_space<semaphore_mem>>)
      %dma_wait3A = arith.constant 0 : i32
      %dma_wait3A_47 = tpu.memref_slice %arg5[%add3A_43, %dma_wait3A] : memref<40960x96xf32, #tpu.memory_space<hbm>> -> memref<640x96xf32, #tpu.memory_space<hbm>>
      %dma_wait3A_48 = arith.constant 0 : i32
      %dma_wait3A_49 = tpu.memref_slice %arg16[%mul3A_38, %dma_wait3A_48] : memref<10240x96xf32, #tpu.memory_space<vmem_shared>> -> memref<640x96xf32, #tpu.memory_space<vmem_shared>>
      tpu.wait_dma2 semaphore(%run_scoped3A : memref<!tpu.dma_semaphore, #tpu.memory_space<semaphore_mem>>) src(%dma_wait3A_49 : memref<640x96xf32, #tpu.memory_space<vmem_shared>>) dst(%dma_wait3A_47 : memref<640x96xf32, #tpu.memory_space<hbm>>)
      tpu.yield
    }) : () -> ()
    return
  }
}

#map = affine_map<(d0, d1) -> (0, 0)>
#map1 = affine_map<(d0, d1) -> (0, 0, 0, 0)>
#map2 = affine_map<(d0, d1) -> (0, 0, 0)>
module attributes {stable_mosaic.version = 14 : i64} {
  func.func @_spmm_body(%arg0: i32, %arg1: i32, %arg2: memref<20480x96xf32, #tpu.memory_space<hbm>>, %arg3: memref<2x16x80x128xi32, #tpu.memory_space<hbm>>, %arg4: memref<16x80x128xi32, #tpu.memory_space<hbm>>, %arg5: memref<20480x96xf32, #tpu.memory_space<hbm>>, %arg6: memref<80x128xi32, #tpu.memory_space<vmem>>, %arg7: memref<80x128xi32, #tpu.memory_space<vmem>>, %arg8: memref<128x96xf32, #tpu.memory_space<vmem>>, %arg9: memref<128x96xf32, #tpu.memory_space<vmem>>, %arg10: memref<128x96xf32, #tpu.memory_space<vmem>>, %arg11: memref<128x96xf32, #tpu.memory_space<vmem>>, %arg12: memref<!tpu.dma_semaphore, #tpu.memory_space<semaphore_mem>>, %arg13: memref<!tpu.dma_semaphore, #tpu.memory_space<semaphore_mem>>, %arg14: memref<!tpu.dma_semaphore, #tpu.memory_space<semaphore_mem>>, %arg15: memref<!tpu.dma_semaphore, #tpu.memory_space<semaphore_mem>>, %arg16: memref<10240x96xf32, #tpu.memory_space<vmem_shared>>) attributes {dimension_semantics = [#tpu.dimension_semantics<core_parallel>, #tpu.dimension_semantics<subcore_parallel>], iteration_bounds = array<i64: 2, 16>, scalar_prefetch = 0 : i64, scratch_operands = 11 : i64, tpu.core_type = #tpu.core_type<sc_vector_subcore>, window_params = [{transform_indices = #map}, {transform_indices = #map1}, {transform_indices = #map2}, {transform_indices = #map}]} {
    "tpu.region"() ({
      %run_scoped3A = tpu.sem_alloc : memref<!tpu.dma_semaphore, #tpu.memory_space<semaphore_mem>>
      %dma_start3A = arith.constant 0 : i32
      %dma_start3A_20 = arith.constant 0 : i32
      %dma_start3A_21 = tpu.memref_slice %arg4[%arg1, %dma_start3A, %dma_start3A_20] : memref<16x80x128xi32, #tpu.memory_space<hbm>> -> memref<1x80x128xi32, #tpu.memory_space<hbm>>
      %dma_start3A_22 = tpu.memref_squeeze %dma_start3A_21 : memref<1x80x128xi32, #tpu.memory_space<hbm>> -> memref<80x128xi32, #tpu.memory_space<hbm>>
      %dma_start3A_23 = arith.constant 0 : i32
      %dma_start3A_24 = arith.constant 0 : i32
      %dma_start3A_25 = tpu.memref_slice %arg4[%arg1, %dma_start3A_23, %dma_start3A_24] : memref<16x80x128xi32, #tpu.memory_space<hbm>> -> memref<1x80x128xi32, #tpu.memory_space<hbm>>
      %dma_start3A_26 = tpu.memref_squeeze %dma_start3A_25 : memref<1x80x128xi32, #tpu.memory_space<hbm>> -> memref<80x128xi32, #tpu.memory_space<hbm>>
      tpu.enqueue_dma source(%dma_start3A_26 : memref<80x128xi32, #tpu.memory_space<hbm>>) target(%arg7 : memref<80x128xi32, #tpu.memory_space<vmem>>) target_semaphore(%run_scoped3A : memref<!tpu.dma_semaphore, #tpu.memory_space<semaphore_mem>>)
      %dma_wait3A = arith.constant 0 : i32
      %dma_wait3A_27 = arith.constant 0 : i32
      %dma_wait3A_28 = tpu.memref_slice %arg4[%arg1, %dma_wait3A, %dma_wait3A_27] : memref<16x80x128xi32, #tpu.memory_space<hbm>> -> memref<1x80x128xi32, #tpu.memory_space<hbm>>
      %dma_wait3A_29 = tpu.memref_squeeze %dma_wait3A_28 : memref<1x80x128xi32, #tpu.memory_space<hbm>> -> memref<80x128xi32, #tpu.memory_space<hbm>>
      %dma_wait3A_30 = arith.constant 0 : i32
      %dma_wait3A_31 = arith.constant 0 : i32
      %dma_wait3A_32 = tpu.memref_slice %arg4[%arg1, %dma_wait3A_30, %dma_wait3A_31] : memref<16x80x128xi32, #tpu.memory_space<hbm>> -> memref<1x80x128xi32, #tpu.memory_space<hbm>>
      %dma_wait3A_33 = tpu.memref_squeeze %dma_wait3A_32 : memref<1x80x128xi32, #tpu.memory_space<hbm>> -> memref<80x128xi32, #tpu.memory_space<hbm>>
      tpu.wait_dma2 semaphore(%run_scoped3A : memref<!tpu.dma_semaphore, #tpu.memory_space<semaphore_mem>>) src(%dma_wait3A_33 : memref<80x128xi32, #tpu.memory_space<hbm>>) dst(%arg7 : memref<80x128xi32, #tpu.memory_space<vmem>>)
      tpu.yield
    }) : () -> ()
    %add3A = arith.constant 0 : i32
    %add3A_0 = arith.addi %add3A, %arg0 : i32
    %mul3A = arith.constant 10240 : i32
    %mul3A_1 = arith.muli %add3A_0, %mul3A : i32
    %mul3A_2 = arith.constant 640 : i32
    %mul3A_3 = arith.muli %arg1, %mul3A_2 : i32
    %add3A_4 = arith.addi %mul3A_1, %mul3A_3 : i32
    %mul3A_5 = arith.constant 640 : i32
    %mul3A_6 = arith.muli %arg1, %mul3A_5 : i32
    "tpu.region"() ({
      %run_scoped3A = tpu.sem_alloc : memref<!tpu.dma_semaphore, #tpu.memory_space<semaphore_mem>>
      %dma_start3A = arith.constant 0 : i32
      %dma_start3A_20 = tpu.memref_slice %arg16[%mul3A_6, %dma_start3A] : memref<10240x96xf32, #tpu.memory_space<vmem_shared>> -> memref<640x96xf32, #tpu.memory_space<vmem_shared>>
      %dma_start3A_21 = arith.constant 0 : i32
      %dma_start3A_22 = tpu.memref_slice %arg2[%add3A_4, %dma_start3A_21] : memref<20480x96xf32, #tpu.memory_space<hbm>> -> memref<640x96xf32, #tpu.memory_space<hbm>>
      tpu.enqueue_dma source(%dma_start3A_22 : memref<640x96xf32, #tpu.memory_space<hbm>>) target(%dma_start3A_20 : memref<640x96xf32, #tpu.memory_space<vmem_shared>>) target_semaphore(%run_scoped3A : memref<!tpu.dma_semaphore, #tpu.memory_space<semaphore_mem>>)
      %dma_wait3A = arith.constant 0 : i32
      %dma_wait3A_23 = tpu.memref_slice %arg16[%mul3A_6, %dma_wait3A] : memref<10240x96xf32, #tpu.memory_space<vmem_shared>> -> memref<640x96xf32, #tpu.memory_space<vmem_shared>>
      %dma_wait3A_24 = arith.constant 0 : i32
      %dma_wait3A_25 = tpu.memref_slice %arg2[%add3A_4, %dma_wait3A_24] : memref<20480x96xf32, #tpu.memory_space<hbm>> -> memref<640x96xf32, #tpu.memory_space<hbm>>
      tpu.wait_dma2 semaphore(%run_scoped3A : memref<!tpu.dma_semaphore, #tpu.memory_space<semaphore_mem>>) src(%dma_wait3A_25 : memref<640x96xf32, #tpu.memory_space<hbm>>) dst(%dma_wait3A_23 : memref<640x96xf32, #tpu.memory_space<vmem_shared>>)
      tpu.yield
    }) : () -> ()
    "tpu.region"() ({
      %run_scoped3A = tpu.sem_alloc : memref<!tpu.dma_semaphore, #tpu.memory_space<semaphore_mem>>
      %dma_start3A = arith.constant 0 : i32
      %dma_start3A_20 = arith.constant 0 : i32
      %dma_start3A_21 = tpu.memref_slice %arg3[%add3A_0, %arg1, %dma_start3A, %dma_start3A_20] : memref<2x16x80x128xi32, #tpu.memory_space<hbm>> -> memref<1x1x80x128xi32, #tpu.memory_space<hbm>>
      %dma_start3A_22 = tpu.memref_squeeze %dma_start3A_21 : memref<1x1x80x128xi32, #tpu.memory_space<hbm>> -> memref<80x128xi32, #tpu.memory_space<hbm>>
      %dma_start3A_23 = arith.constant 0 : i32
      %dma_start3A_24 = arith.constant 0 : i32
      %dma_start3A_25 = tpu.memref_slice %arg3[%add3A_0, %arg1, %dma_start3A_23, %dma_start3A_24] : memref<2x16x80x128xi32, #tpu.memory_space<hbm>> -> memref<1x1x80x128xi32, #tpu.memory_space<hbm>>
      %dma_start3A_26 = tpu.memref_squeeze %dma_start3A_25 : memref<1x1x80x128xi32, #tpu.memory_space<hbm>> -> memref<80x128xi32, #tpu.memory_space<hbm>>
      tpu.enqueue_dma source(%dma_start3A_26 : memref<80x128xi32, #tpu.memory_space<hbm>>) target(%arg6 : memref<80x128xi32, #tpu.memory_space<vmem>>) target_semaphore(%run_scoped3A : memref<!tpu.dma_semaphore, #tpu.memory_space<semaphore_mem>>)
      %dma_wait3A = arith.constant 0 : i32
      %dma_wait3A_27 = arith.constant 0 : i32
      %dma_wait3A_28 = tpu.memref_slice %arg3[%add3A_0, %arg1, %dma_wait3A, %dma_wait3A_27] : memref<2x16x80x128xi32, #tpu.memory_space<hbm>> -> memref<1x1x80x128xi32, #tpu.memory_space<hbm>>
      %dma_wait3A_29 = tpu.memref_squeeze %dma_wait3A_28 : memref<1x1x80x128xi32, #tpu.memory_space<hbm>> -> memref<80x128xi32, #tpu.memory_space<hbm>>
      %dma_wait3A_30 = arith.constant 0 : i32
      %dma_wait3A_31 = arith.constant 0 : i32
      %dma_wait3A_32 = tpu.memref_slice %arg3[%add3A_0, %arg1, %dma_wait3A_30, %dma_wait3A_31] : memref<2x16x80x128xi32, #tpu.memory_space<hbm>> -> memref<1x1x80x128xi32, #tpu.memory_space<hbm>>
      %dma_wait3A_33 = tpu.memref_squeeze %dma_wait3A_32 : memref<1x1x80x128xi32, #tpu.memory_space<hbm>> -> memref<80x128xi32, #tpu.memory_space<hbm>>
      tpu.wait_dma2 semaphore(%run_scoped3A : memref<!tpu.dma_semaphore, #tpu.memory_space<semaphore_mem>>) src(%dma_wait3A_33 : memref<80x128xi32, #tpu.memory_space<hbm>>) dst(%arg6 : memref<80x128xi32, #tpu.memory_space<vmem>>)
      tpu.yield
    }) : () -> ()
    %barrier3A = arith.constant 0 : index
    tpu.barrier barrier_id(%barrier3A)
    %scan3A = arith.constant 0 : i32
    %scan3A_7 = arith.constant 0 : i32
    %scan3A_8 = arith.constant 20 : i32
    %scan3A_9 = arith.addi %scan3A_7, %scan3A_8 : i32
    %scan3A_10 = arith.constant 1 : i32
    scf.for %scan3A_20 = %scan3A_7 to %scan3A_9 step %scan3A_10  : i32 {
      %mul3A_21 = arith.constant 4 : i32
      %mul3A_22 = arith.muli %mul3A_21, %scan3A_20 : i32
      %add3A_23 = arith.constant 0 : i32
      %add3A_24 = arith.addi %mul3A_22, %add3A_23 : i32
      %dma_start3A = arith.constant 0 : i32
      %dma_start3A_25 = tpu.memref_slice %arg6[%add3A_24, %dma_start3A] : memref<80x128xi32, #tpu.memory_space<vmem>> -> memref<1x128xi32, #tpu.memory_space<vmem>>
      %dma_start3A_26 = tpu.memref_squeeze %dma_start3A_25 : memref<1x128xi32, #tpu.memory_space<vmem>> -> memref<128xi32, #tpu.memory_space<vmem>>
      %dma_start3A_27 = arith.constant 0 : i32
      %dma_start3A_28 = arith.constant 0 : i32
      %dma_start3A_29 = tpu.memref_slice %arg2[%dma_start3A_27, %dma_start3A_28] : memref<20480x96xf32, #tpu.memory_space<hbm>> -> memref<20480x96xf32, #tpu.memory_space<hbm>>
      tpu.enqueue_indirect_dma source(%dma_start3A_29 : memref<20480x96xf32, #tpu.memory_space<hbm>>) target(%arg8 : memref<128x96xf32, #tpu.memory_space<vmem>>) offsets(%dma_start3A_26 : memref<128xi32, #tpu.memory_space<vmem>>) semaphore(%arg12 : memref<!tpu.dma_semaphore, #tpu.memory_space<semaphore_mem>>)
      %add3A_30 = arith.constant 1 : i32
      %add3A_31 = arith.addi %mul3A_22, %add3A_30 : i32
      %dma_start3A_32 = arith.constant 0 : i32
      %dma_start3A_33 = tpu.memref_slice %arg6[%add3A_31, %dma_start3A_32] : memref<80x128xi32, #tpu.memory_space<vmem>> -> memref<1x128xi32, #tpu.memory_space<vmem>>
      %dma_start3A_34 = tpu.memref_squeeze %dma_start3A_33 : memref<1x128xi32, #tpu.memory_space<vmem>> -> memref<128xi32, #tpu.memory_space<vmem>>
      %dma_start3A_35 = arith.constant 0 : i32
      %dma_start3A_36 = arith.constant 0 : i32
      %dma_start3A_37 = tpu.memref_slice %arg2[%dma_start3A_35, %dma_start3A_36] : memref<20480x96xf32, #tpu.memory_space<hbm>> -> memref<20480x96xf32, #tpu.memory_space<hbm>>
      tpu.enqueue_indirect_dma source(%dma_start3A_37 : memref<20480x96xf32, #tpu.memory_space<hbm>>) target(%arg9 : memref<128x96xf32, #tpu.memory_space<vmem>>) offsets(%dma_start3A_34 : memref<128xi32, #tpu.memory_space<vmem>>) semaphore(%arg13 : memref<!tpu.dma_semaphore, #tpu.memory_space<semaphore_mem>>)
      %add3A_38 = arith.constant 2 : i32
      %add3A_39 = arith.addi %mul3A_22, %add3A_38 : i32
      %dma_start3A_40 = arith.constant 0 : i32
      %dma_start3A_41 = tpu.memref_slice %arg6[%add3A_39, %dma_start3A_40] : memref<80x128xi32, #tpu.memory_space<vmem>> -> memref<1x128xi32, #tpu.memory_space<vmem>>
      %dma_start3A_42 = tpu.memref_squeeze %dma_start3A_41 : memref<1x128xi32, #tpu.memory_space<vmem>> -> memref<128xi32, #tpu.memory_space<vmem>>
      %dma_start3A_43 = arith.constant 0 : i32
      %dma_start3A_44 = arith.constant 0 : i32
      %dma_start3A_45 = tpu.memref_slice %arg2[%dma_start3A_43, %dma_start3A_44] : memref<20480x96xf32, #tpu.memory_space<hbm>> -> memref<20480x96xf32, #tpu.memory_space<hbm>>
      tpu.enqueue_indirect_dma source(%dma_start3A_45 : memref<20480x96xf32, #tpu.memory_space<hbm>>) target(%arg10 : memref<128x96xf32, #tpu.memory_space<vmem>>) offsets(%dma_start3A_42 : memref<128xi32, #tpu.memory_space<vmem>>) semaphore(%arg14 : memref<!tpu.dma_semaphore, #tpu.memory_space<semaphore_mem>>)
      %add3A_46 = arith.constant 3 : i32
      %add3A_47 = arith.addi %mul3A_22, %add3A_46 : i32
      %dma_start3A_48 = arith.constant 0 : i32
      %dma_start3A_49 = tpu.memref_slice %arg6[%add3A_47, %dma_start3A_48] : memref<80x128xi32, #tpu.memory_space<vmem>> -> memref<1x128xi32, #tpu.memory_space<vmem>>
      %dma_start3A_50 = tpu.memref_squeeze %dma_start3A_49 : memref<1x128xi32, #tpu.memory_space<vmem>> -> memref<128xi32, #tpu.memory_space<vmem>>
      %dma_start3A_51 = arith.constant 0 : i32
      %dma_start3A_52 = arith.constant 0 : i32
      %dma_start3A_53 = tpu.memref_slice %arg2[%dma_start3A_51, %dma_start3A_52] : memref<20480x96xf32, #tpu.memory_space<hbm>> -> memref<20480x96xf32, #tpu.memory_space<hbm>>
      tpu.enqueue_indirect_dma source(%dma_start3A_53 : memref<20480x96xf32, #tpu.memory_space<hbm>>) target(%arg11 : memref<128x96xf32, #tpu.memory_space<vmem>>) offsets(%dma_start3A_50 : memref<128xi32, #tpu.memory_space<vmem>>) semaphore(%arg15 : memref<!tpu.dma_semaphore, #tpu.memory_space<semaphore_mem>>)
      %dma_wait3A = arith.constant 0 : i32
      %dma_wait3A_54 = tpu.memref_slice %arg6[%add3A_24, %dma_wait3A] : memref<80x128xi32, #tpu.memory_space<vmem>> -> memref<1x128xi32, #tpu.memory_space<vmem>>
      %dma_wait3A_55 = tpu.memref_squeeze %dma_wait3A_54 : memref<1x128xi32, #tpu.memory_space<vmem>> -> memref<128xi32, #tpu.memory_space<vmem>>
      %dma_wait3A_56 = arith.constant 0 : i32
      %dma_wait3A_57 = arith.constant 0 : i32
      %dma_wait3A_58 = tpu.memref_slice %arg2[%dma_wait3A_56, %dma_wait3A_57] : memref<20480x96xf32, #tpu.memory_space<hbm>> -> memref<20480x96xf32, #tpu.memory_space<hbm>>
      tpu.wait_indirect_dma semaphore(%arg12 : memref<!tpu.dma_semaphore, #tpu.memory_space<semaphore_mem>>) src(%dma_wait3A_58 : memref<20480x96xf32, #tpu.memory_space<hbm>>) dst(%arg8 : memref<128x96xf32, #tpu.memory_space<vmem>>)
      %add3A_59 = arith.constant 0 : i32
      %add3A_60 = arith.addi %mul3A_22, %add3A_59 : i32
      "tpu.region"() ({
        %run_scoped3A = tpu.sem_alloc : memref<!tpu.dma_semaphore, #tpu.memory_space<semaphore_mem>>
        %dma_start3A_85 = arith.constant 0 : i32
        %dma_start3A_86 = tpu.memref_slice %arg7[%add3A_60, %dma_start3A_85] : memref<80x128xi32, #tpu.memory_space<vmem>> -> memref<1x128xi32, #tpu.memory_space<vmem>>
        %dma_start3A_87 = tpu.memref_squeeze %dma_start3A_86 : memref<1x128xi32, #tpu.memory_space<vmem>> -> memref<128xi32, #tpu.memory_space<vmem>>
        %dma_start3A_88 = arith.constant 0 : i32
        %dma_start3A_89 = arith.constant 0 : i32
        %dma_start3A_90 = tpu.memref_slice %arg16[%dma_start3A_88, %dma_start3A_89] : memref<10240x96xf32, #tpu.memory_space<vmem_shared>> -> memref<10240x96xf32, #tpu.memory_space<vmem_shared>>
        tpu.enqueue_indirect_dma source(%arg8 : memref<128x96xf32, #tpu.memory_space<vmem>>) target(%dma_start3A_90 : memref<10240x96xf32, #tpu.memory_space<vmem_shared>>) offsets(%dma_start3A_87 : memref<128xi32, #tpu.memory_space<vmem>>) semaphore(%run_scoped3A : memref<!tpu.dma_semaphore, #tpu.memory_space<semaphore_mem>>) {add = true}
        %dma_wait3A_91 = arith.constant 0 : i32
        %dma_wait3A_92 = tpu.memref_slice %arg7[%add3A_60, %dma_wait3A_91] : memref<80x128xi32, #tpu.memory_space<vmem>> -> memref<1x128xi32, #tpu.memory_space<vmem>>
        %dma_wait3A_93 = tpu.memref_squeeze %dma_wait3A_92 : memref<1x128xi32, #tpu.memory_space<vmem>> -> memref<128xi32, #tpu.memory_space<vmem>>
        %dma_wait3A_94 = arith.constant 0 : i32
        %dma_wait3A_95 = arith.constant 0 : i32
        %dma_wait3A_96 = tpu.memref_slice %arg16[%dma_wait3A_94, %dma_wait3A_95] : memref<10240x96xf32, #tpu.memory_space<vmem_shared>> -> memref<10240x96xf32, #tpu.memory_space<vmem_shared>>
        tpu.wait_indirect_dma semaphore(%run_scoped3A : memref<!tpu.dma_semaphore, #tpu.memory_space<semaphore_mem>>) src(%arg8 : memref<128x96xf32, #tpu.memory_space<vmem>>) dst(%dma_wait3A_96 : memref<10240x96xf32, #tpu.memory_space<vmem_shared>>)
        tpu.yield
      }) : () -> ()
      %dma_wait3A_61 = arith.constant 0 : i32
      %dma_wait3A_62 = tpu.memref_slice %arg6[%add3A_31, %dma_wait3A_61] : memref<80x128xi32, #tpu.memory_space<vmem>> -> memref<1x128xi32, #tpu.memory_space<vmem>>
      %dma_wait3A_63 = tpu.memref_squeeze %dma_wait3A_62 : memref<1x128xi32, #tpu.memory_space<vmem>> -> memref<128xi32, #tpu.memory_space<vmem>>
      %dma_wait3A_64 = arith.constant 0 : i32
      %dma_wait3A_65 = arith.constant 0 : i32
      %dma_wait3A_66 = tpu.memref_slice %arg2[%dma_wait3A_64, %dma_wait3A_65] : memref<20480x96xf32, #tpu.memory_space<hbm>> -> memref<20480x96xf32, #tpu.memory_space<hbm>>
      tpu.wait_indirect_dma semaphore(%arg13 : memref<!tpu.dma_semaphore, #tpu.memory_space<semaphore_mem>>) src(%dma_wait3A_66 : memref<20480x96xf32, #tpu.memory_space<hbm>>) dst(%arg9 : memref<128x96xf32, #tpu.memory_space<vmem>>)
      %add3A_67 = arith.constant 1 : i32
      %add3A_68 = arith.addi %mul3A_22, %add3A_67 : i32
      "tpu.region"() ({
        %run_scoped3A = tpu.sem_alloc : memref<!tpu.dma_semaphore, #tpu.memory_space<semaphore_mem>>
        %dma_start3A_85 = arith.constant 0 : i32
        %dma_start3A_86 = tpu.memref_slice %arg7[%add3A_68, %dma_start3A_85] : memref<80x128xi32, #tpu.memory_space<vmem>> -> memref<1x128xi32, #tpu.memory_space<vmem>>
        %dma_start3A_87 = tpu.memref_squeeze %dma_start3A_86 : memref<1x128xi32, #tpu.memory_space<vmem>> -> memref<128xi32, #tpu.memory_space<vmem>>
        %dma_start3A_88 = arith.constant 0 : i32
        %dma_start3A_89 = arith.constant 0 : i32
        %dma_start3A_90 = tpu.memref_slice %arg16[%dma_start3A_88, %dma_start3A_89] : memref<10240x96xf32, #tpu.memory_space<vmem_shared>> -> memref<10240x96xf32, #tpu.memory_space<vmem_shared>>
        tpu.enqueue_indirect_dma source(%arg9 : memref<128x96xf32, #tpu.memory_space<vmem>>) target(%dma_start3A_90 : memref<10240x96xf32, #tpu.memory_space<vmem_shared>>) offsets(%dma_start3A_87 : memref<128xi32, #tpu.memory_space<vmem>>) semaphore(%run_scoped3A : memref<!tpu.dma_semaphore, #tpu.memory_space<semaphore_mem>>) {add = true}
        %dma_wait3A_91 = arith.constant 0 : i32
        %dma_wait3A_92 = tpu.memref_slice %arg7[%add3A_68, %dma_wait3A_91] : memref<80x128xi32, #tpu.memory_space<vmem>> -> memref<1x128xi32, #tpu.memory_space<vmem>>
        %dma_wait3A_93 = tpu.memref_squeeze %dma_wait3A_92 : memref<1x128xi32, #tpu.memory_space<vmem>> -> memref<128xi32, #tpu.memory_space<vmem>>
        %dma_wait3A_94 = arith.constant 0 : i32
        %dma_wait3A_95 = arith.constant 0 : i32
        %dma_wait3A_96 = tpu.memref_slice %arg16[%dma_wait3A_94, %dma_wait3A_95] : memref<10240x96xf32, #tpu.memory_space<vmem_shared>> -> memref<10240x96xf32, #tpu.memory_space<vmem_shared>>
        tpu.wait_indirect_dma semaphore(%run_scoped3A : memref<!tpu.dma_semaphore, #tpu.memory_space<semaphore_mem>>) src(%arg9 : memref<128x96xf32, #tpu.memory_space<vmem>>) dst(%dma_wait3A_96 : memref<10240x96xf32, #tpu.memory_space<vmem_shared>>)
        tpu.yield
      }) : () -> ()
      %dma_wait3A_69 = arith.constant 0 : i32
      %dma_wait3A_70 = tpu.memref_slice %arg6[%add3A_39, %dma_wait3A_69] : memref<80x128xi32, #tpu.memory_space<vmem>> -> memref<1x128xi32, #tpu.memory_space<vmem>>
      %dma_wait3A_71 = tpu.memref_squeeze %dma_wait3A_70 : memref<1x128xi32, #tpu.memory_space<vmem>> -> memref<128xi32, #tpu.memory_space<vmem>>
      %dma_wait3A_72 = arith.constant 0 : i32
      %dma_wait3A_73 = arith.constant 0 : i32
      %dma_wait3A_74 = tpu.memref_slice %arg2[%dma_wait3A_72, %dma_wait3A_73] : memref<20480x96xf32, #tpu.memory_space<hbm>> -> memref<20480x96xf32, #tpu.memory_space<hbm>>
      tpu.wait_indirect_dma semaphore(%arg14 : memref<!tpu.dma_semaphore, #tpu.memory_space<semaphore_mem>>) src(%dma_wait3A_74 : memref<20480x96xf32, #tpu.memory_space<hbm>>) dst(%arg10 : memref<128x96xf32, #tpu.memory_space<vmem>>)
      %add3A_75 = arith.constant 2 : i32
      %add3A_76 = arith.addi %mul3A_22, %add3A_75 : i32
      "tpu.region"() ({
        %run_scoped3A = tpu.sem_alloc : memref<!tpu.dma_semaphore, #tpu.memory_space<semaphore_mem>>
        %dma_start3A_85 = arith.constant 0 : i32
        %dma_start3A_86 = tpu.memref_slice %arg7[%add3A_76, %dma_start3A_85] : memref<80x128xi32, #tpu.memory_space<vmem>> -> memref<1x128xi32, #tpu.memory_space<vmem>>
        %dma_start3A_87 = tpu.memref_squeeze %dma_start3A_86 : memref<1x128xi32, #tpu.memory_space<vmem>> -> memref<128xi32, #tpu.memory_space<vmem>>
        %dma_start3A_88 = arith.constant 0 : i32
        %dma_start3A_89 = arith.constant 0 : i32
        %dma_start3A_90 = tpu.memref_slice %arg16[%dma_start3A_88, %dma_start3A_89] : memref<10240x96xf32, #tpu.memory_space<vmem_shared>> -> memref<10240x96xf32, #tpu.memory_space<vmem_shared>>
        tpu.enqueue_indirect_dma source(%arg10 : memref<128x96xf32, #tpu.memory_space<vmem>>) target(%dma_start3A_90 : memref<10240x96xf32, #tpu.memory_space<vmem_shared>>) offsets(%dma_start3A_87 : memref<128xi32, #tpu.memory_space<vmem>>) semaphore(%run_scoped3A : memref<!tpu.dma_semaphore, #tpu.memory_space<semaphore_mem>>) {add = true}
        %dma_wait3A_91 = arith.constant 0 : i32
        %dma_wait3A_92 = tpu.memref_slice %arg7[%add3A_76, %dma_wait3A_91] : memref<80x128xi32, #tpu.memory_space<vmem>> -> memref<1x128xi32, #tpu.memory_space<vmem>>
        %dma_wait3A_93 = tpu.memref_squeeze %dma_wait3A_92 : memref<1x128xi32, #tpu.memory_space<vmem>> -> memref<128xi32, #tpu.memory_space<vmem>>
        %dma_wait3A_94 = arith.constant 0 : i32
        %dma_wait3A_95 = arith.constant 0 : i32
        %dma_wait3A_96 = tpu.memref_slice %arg16[%dma_wait3A_94, %dma_wait3A_95] : memref<10240x96xf32, #tpu.memory_space<vmem_shared>> -> memref<10240x96xf32, #tpu.memory_space<vmem_shared>>
        tpu.wait_indirect_dma semaphore(%run_scoped3A : memref<!tpu.dma_semaphore, #tpu.memory_space<semaphore_mem>>) src(%arg10 : memref<128x96xf32, #tpu.memory_space<vmem>>) dst(%dma_wait3A_96 : memref<10240x96xf32, #tpu.memory_space<vmem_shared>>)
        tpu.yield
      }) : () -> ()
      %dma_wait3A_77 = arith.constant 0 : i32
      %dma_wait3A_78 = tpu.memref_slice %arg6[%add3A_47, %dma_wait3A_77] : memref<80x128xi32, #tpu.memory_space<vmem>> -> memref<1x128xi32, #tpu.memory_space<vmem>>
      %dma_wait3A_79 = tpu.memref_squeeze %dma_wait3A_78 : memref<1x128xi32, #tpu.memory_space<vmem>> -> memref<128xi32, #tpu.memory_space<vmem>>
      %dma_wait3A_80 = arith.constant 0 : i32
      %dma_wait3A_81 = arith.constant 0 : i32
      %dma_wait3A_82 = tpu.memref_slice %arg2[%dma_wait3A_80, %dma_wait3A_81] : memref<20480x96xf32, #tpu.memory_space<hbm>> -> memref<20480x96xf32, #tpu.memory_space<hbm>>
      tpu.wait_indirect_dma semaphore(%arg15 : memref<!tpu.dma_semaphore, #tpu.memory_space<semaphore_mem>>) src(%dma_wait3A_82 : memref<20480x96xf32, #tpu.memory_space<hbm>>) dst(%arg11 : memref<128x96xf32, #tpu.memory_space<vmem>>)
      %add3A_83 = arith.constant 3 : i32
      %add3A_84 = arith.addi %mul3A_22, %add3A_83 : i32
      "tpu.region"() ({
        %run_scoped3A = tpu.sem_alloc : memref<!tpu.dma_semaphore, #tpu.memory_space<semaphore_mem>>
        %dma_start3A_85 = arith.constant 0 : i32
        %dma_start3A_86 = tpu.memref_slice %arg7[%add3A_84, %dma_start3A_85] : memref<80x128xi32, #tpu.memory_space<vmem>> -> memref<1x128xi32, #tpu.memory_space<vmem>>
        %dma_start3A_87 = tpu.memref_squeeze %dma_start3A_86 : memref<1x128xi32, #tpu.memory_space<vmem>> -> memref<128xi32, #tpu.memory_space<vmem>>
        %dma_start3A_88 = arith.constant 0 : i32
        %dma_start3A_89 = arith.constant 0 : i32
        %dma_start3A_90 = tpu.memref_slice %arg16[%dma_start3A_88, %dma_start3A_89] : memref<10240x96xf32, #tpu.memory_space<vmem_shared>> -> memref<10240x96xf32, #tpu.memory_space<vmem_shared>>
        tpu.enqueue_indirect_dma source(%arg11 : memref<128x96xf32, #tpu.memory_space<vmem>>) target(%dma_start3A_90 : memref<10240x96xf32, #tpu.memory_space<vmem_shared>>) offsets(%dma_start3A_87 : memref<128xi32, #tpu.memory_space<vmem>>) semaphore(%run_scoped3A : memref<!tpu.dma_semaphore, #tpu.memory_space<semaphore_mem>>) {add = true}
        %dma_wait3A_91 = arith.constant 0 : i32
        %dma_wait3A_92 = tpu.memref_slice %arg7[%add3A_84, %dma_wait3A_91] : memref<80x128xi32, #tpu.memory_space<vmem>> -> memref<1x128xi32, #tpu.memory_space<vmem>>
        %dma_wait3A_93 = tpu.memref_squeeze %dma_wait3A_92 : memref<1x128xi32, #tpu.memory_space<vmem>> -> memref<128xi32, #tpu.memory_space<vmem>>
        %dma_wait3A_94 = arith.constant 0 : i32
        %dma_wait3A_95 = arith.constant 0 : i32
        %dma_wait3A_96 = tpu.memref_slice %arg16[%dma_wait3A_94, %dma_wait3A_95] : memref<10240x96xf32, #tpu.memory_space<vmem_shared>> -> memref<10240x96xf32, #tpu.memory_space<vmem_shared>>
        tpu.wait_indirect_dma semaphore(%run_scoped3A : memref<!tpu.dma_semaphore, #tpu.memory_space<semaphore_mem>>) src(%arg11 : memref<128x96xf32, #tpu.memory_space<vmem>>) dst(%dma_wait3A_96 : memref<10240x96xf32, #tpu.memory_space<vmem_shared>>)
        tpu.yield
      }) : () -> ()
    }
    %scan3A_11 = arith.constant 20 : i32
    %barrier3A_12 = arith.constant 0 : index
    tpu.barrier barrier_id(%barrier3A_12)
    %mul3A_13 = arith.constant 640 : i32
    %mul3A_14 = arith.muli %arg1, %mul3A_13 : i32
    %mul3A_15 = arith.constant 10240 : i32
    %mul3A_16 = arith.muli %add3A_0, %mul3A_15 : i32
    %mul3A_17 = arith.constant 640 : i32
    %mul3A_18 = arith.muli %arg1, %mul3A_17 : i32
    %add3A_19 = arith.addi %mul3A_16, %mul3A_18 : i32
    "tpu.region"() ({
      %run_scoped3A = tpu.sem_alloc : memref<!tpu.dma_semaphore, #tpu.memory_space<semaphore_mem>>
      %dma_start3A = arith.constant 0 : i32
      %dma_start3A_20 = tpu.memref_slice %arg5[%add3A_19, %dma_start3A] : memref<20480x96xf32, #tpu.memory_space<hbm>> -> memref<640x96xf32, #tpu.memory_space<hbm>>
      %dma_start3A_21 = arith.constant 0 : i32
      %dma_start3A_22 = tpu.memref_slice %arg16[%mul3A_14, %dma_start3A_21] : memref<10240x96xf32, #tpu.memory_space<vmem_shared>> -> memref<640x96xf32, #tpu.memory_space<vmem_shared>>
      tpu.enqueue_dma source(%dma_start3A_22 : memref<640x96xf32, #tpu.memory_space<vmem_shared>>) target(%dma_start3A_20 : memref<640x96xf32, #tpu.memory_space<hbm>>) target_semaphore(%run_scoped3A : memref<!tpu.dma_semaphore, #tpu.memory_space<semaphore_mem>>)
      %dma_wait3A = arith.constant 0 : i32
      %dma_wait3A_23 = tpu.memref_slice %arg5[%add3A_19, %dma_wait3A] : memref<20480x96xf32, #tpu.memory_space<hbm>> -> memref<640x96xf32, #tpu.memory_space<hbm>>
      %dma_wait3A_24 = arith.constant 0 : i32
      %dma_wait3A_25 = tpu.memref_slice %arg16[%mul3A_14, %dma_wait3A_24] : memref<10240x96xf32, #tpu.memory_space<vmem_shared>> -> memref<640x96xf32, #tpu.memory_space<vmem_shared>>
      tpu.wait_dma2 semaphore(%run_scoped3A : memref<!tpu.dma_semaphore, #tpu.memory_space<semaphore_mem>>) src(%dma_wait3A_25 : memref<640x96xf32, #tpu.memory_space<vmem_shared>>) dst(%dma_wait3A_23 : memref<640x96xf32, #tpu.memory_space<hbm>>)
      tpu.yield
    }) : () -> ()
    return
  }
}

#map = affine_map<(d0, d1) -> (0, 0)>
#map1 = affine_map<(d0, d1) -> (0, 0, 0, 0)>
#map2 = affine_map<(d0, d1) -> (0, 0, 0)>
module attributes {stable_mosaic.version = 14 : i64} {
  func.func @_spmm_body(%arg0: i32, %arg1: i32, %arg2: memref<40960x96xf32, #tpu.memory_space<hbm>>, %arg3: memref<4x16x80x128xi32, #tpu.memory_space<hbm>>, %arg4: memref<16x80x128xi32, #tpu.memory_space<hbm>>, %arg5: memref<40960x96xf32, #tpu.memory_space<hbm>>, %arg6: memref<80x128xi32, #tpu.memory_space<vmem>>, %arg7: memref<80x128xi32, #tpu.memory_space<vmem>>, %arg8: memref<128x96xf32, #tpu.memory_space<vmem>>, %arg9: memref<128x96xf32, #tpu.memory_space<vmem>>, %arg10: memref<128x96xf32, #tpu.memory_space<vmem>>, %arg11: memref<128x96xf32, #tpu.memory_space<vmem>>, %arg12: memref<!tpu.dma_semaphore, #tpu.memory_space<semaphore_mem>>, %arg13: memref<!tpu.dma_semaphore, #tpu.memory_space<semaphore_mem>>, %arg14: memref<!tpu.dma_semaphore, #tpu.memory_space<semaphore_mem>>, %arg15: memref<!tpu.dma_semaphore, #tpu.memory_space<semaphore_mem>>, %arg16: memref<10240x96xf32, #tpu.memory_space<vmem_shared>>) attributes {dimension_semantics = [#tpu.dimension_semantics<core_parallel>, #tpu.dimension_semantics<subcore_parallel>], iteration_bounds = array<i64: 2, 16>, scalar_prefetch = 0 : i64, scratch_operands = 11 : i64, tpu.core_type = #tpu.core_type<sc_vector_subcore>, window_params = [{transform_indices = #map}, {transform_indices = #map1}, {transform_indices = #map2}, {transform_indices = #map}]} {
    "tpu.region"() ({
      %run_scoped3A = tpu.sem_alloc : memref<!tpu.dma_semaphore, #tpu.memory_space<semaphore_mem>>
      %dma_start3A = arith.constant 0 : i32
      %dma_start3A_44 = arith.constant 0 : i32
      %dma_start3A_45 = tpu.memref_slice %arg4[%arg1, %dma_start3A, %dma_start3A_44] : memref<16x80x128xi32, #tpu.memory_space<hbm>> -> memref<1x80x128xi32, #tpu.memory_space<hbm>>
      %dma_start3A_46 = tpu.memref_squeeze %dma_start3A_45 : memref<1x80x128xi32, #tpu.memory_space<hbm>> -> memref<80x128xi32, #tpu.memory_space<hbm>>
      %dma_start3A_47 = arith.constant 0 : i32
      %dma_start3A_48 = arith.constant 0 : i32
      %dma_start3A_49 = tpu.memref_slice %arg4[%arg1, %dma_start3A_47, %dma_start3A_48] : memref<16x80x128xi32, #tpu.memory_space<hbm>> -> memref<1x80x128xi32, #tpu.memory_space<hbm>>
      %dma_start3A_50 = tpu.memref_squeeze %dma_start3A_49 : memref<1x80x128xi32, #tpu.memory_space<hbm>> -> memref<80x128xi32, #tpu.memory_space<hbm>>
      tpu.enqueue_dma source(%dma_start3A_50 : memref<80x128xi32, #tpu.memory_space<hbm>>) target(%arg7 : memref<80x128xi32, #tpu.memory_space<vmem>>) target_semaphore(%run_scoped3A : memref<!tpu.dma_semaphore, #tpu.memory_space<semaphore_mem>>)
      %dma_wait3A = arith.constant 0 : i32
      %dma_wait3A_51 = arith.constant 0 : i32
      %dma_wait3A_52 = tpu.memref_slice %arg4[%arg1, %dma_wait3A, %dma_wait3A_51] : memref<16x80x128xi32, #tpu.memory_space<hbm>> -> memref<1x80x128xi32, #tpu.memory_space<hbm>>
      %dma_wait3A_53 = tpu.memref_squeeze %dma_wait3A_52 : memref<1x80x128xi32, #tpu.memory_space<hbm>> -> memref<80x128xi32, #tpu.memory_space<hbm>>
      %dma_wait3A_54 = arith.constant 0 : i32
      %dma_wait3A_55 = arith.constant 0 : i32
      %dma_wait3A_56 = tpu.memref_slice %arg4[%arg1, %dma_wait3A_54, %dma_wait3A_55] : memref<16x80x128xi32, #tpu.memory_space<hbm>> -> memref<1x80x128xi32, #tpu.memory_space<hbm>>
      %dma_wait3A_57 = tpu.memref_squeeze %dma_wait3A_56 : memref<1x80x128xi32, #tpu.memory_space<hbm>> -> memref<80x128xi32, #tpu.memory_space<hbm>>
      tpu.wait_dma2 semaphore(%run_scoped3A : memref<!tpu.dma_semaphore, #tpu.memory_space<semaphore_mem>>) src(%dma_wait3A_57 : memref<80x128xi32, #tpu.memory_space<hbm>>) dst(%arg7 : memref<80x128xi32, #tpu.memory_space<vmem>>)
      tpu.yield
    }) : () -> ()
    %add3A = arith.constant 0 : i32
    %add3A_0 = arith.addi %add3A, %arg0 : i32
    %mul3A = arith.constant 10240 : i32
    %mul3A_1 = arith.muli %add3A_0, %mul3A : i32
    %mul3A_2 = arith.constant 640 : i32
    %mul3A_3 = arith.muli %arg1, %mul3A_2 : i32
    %add3A_4 = arith.addi %mul3A_1, %mul3A_3 : i32
    %mul3A_5 = arith.constant 640 : i32
    %mul3A_6 = arith.muli %arg1, %mul3A_5 : i32
    "tpu.region"() ({
      %run_scoped3A = tpu.sem_alloc : memref<!tpu.dma_semaphore, #tpu.memory_space<semaphore_mem>>
      %dma_start3A = arith.constant 0 : i32
      %dma_start3A_44 = tpu.memref_slice %arg16[%mul3A_6, %dma_start3A] : memref<10240x96xf32, #tpu.memory_space<vmem_shared>> -> memref<640x96xf32, #tpu.memory_space<vmem_shared>>
      %dma_start3A_45 = arith.constant 0 : i32
      %dma_start3A_46 = tpu.memref_slice %arg2[%add3A_4, %dma_start3A_45] : memref<40960x96xf32, #tpu.memory_space<hbm>> -> memref<640x96xf32, #tpu.memory_space<hbm>>
      tpu.enqueue_dma source(%dma_start3A_46 : memref<640x96xf32, #tpu.memory_space<hbm>>) target(%dma_start3A_44 : memref<640x96xf32, #tpu.memory_space<vmem_shared>>) target_semaphore(%run_scoped3A : memref<!tpu.dma_semaphore, #tpu.memory_space<semaphore_mem>>)
      %dma_wait3A = arith.constant 0 : i32
      %dma_wait3A_47 = tpu.memref_slice %arg16[%mul3A_6, %dma_wait3A] : memref<10240x96xf32, #tpu.memory_space<vmem_shared>> -> memref<640x96xf32, #tpu.memory_space<vmem_shared>>
      %dma_wait3A_48 = arith.constant 0 : i32
      %dma_wait3A_49 = tpu.memref_slice %arg2[%add3A_4, %dma_wait3A_48] : memref<40960x96xf32, #tpu.memory_space<hbm>> -> memref<640x96xf32, #tpu.memory_space<hbm>>
      tpu.wait_dma2 semaphore(%run_scoped3A : memref<!tpu.dma_semaphore, #tpu.memory_space<semaphore_mem>>) src(%dma_wait3A_49 : memref<640x96xf32, #tpu.memory_space<hbm>>) dst(%dma_wait3A_47 : memref<640x96xf32, #tpu.memory_space<vmem_shared>>)
      tpu.yield
    }) : () -> ()
    "tpu.region"() ({
      %run_scoped3A = tpu.sem_alloc : memref<!tpu.dma_semaphore, #tpu.memory_space<semaphore_mem>>
      %dma_start3A = arith.constant 0 : i32
      %dma_start3A_44 = arith.constant 0 : i32
      %dma_start3A_45 = tpu.memref_slice %arg3[%add3A_0, %arg1, %dma_start3A, %dma_start3A_44] : memref<4x16x80x128xi32, #tpu.memory_space<hbm>> -> memref<1x1x80x128xi32, #tpu.memory_space<hbm>>
      %dma_start3A_46 = tpu.memref_squeeze %dma_start3A_45 : memref<1x1x80x128xi32, #tpu.memory_space<hbm>> -> memref<80x128xi32, #tpu.memory_space<hbm>>
      %dma_start3A_47 = arith.constant 0 : i32
      %dma_start3A_48 = arith.constant 0 : i32
      %dma_start3A_49 = tpu.memref_slice %arg3[%add3A_0, %arg1, %dma_start3A_47, %dma_start3A_48] : memref<4x16x80x128xi32, #tpu.memory_space<hbm>> -> memref<1x1x80x128xi32, #tpu.memory_space<hbm>>
      %dma_start3A_50 = tpu.memref_squeeze %dma_start3A_49 : memref<1x1x80x128xi32, #tpu.memory_space<hbm>> -> memref<80x128xi32, #tpu.memory_space<hbm>>
      tpu.enqueue_dma source(%dma_start3A_50 : memref<80x128xi32, #tpu.memory_space<hbm>>) target(%arg6 : memref<80x128xi32, #tpu.memory_space<vmem>>) target_semaphore(%run_scoped3A : memref<!tpu.dma_semaphore, #tpu.memory_space<semaphore_mem>>)
      %dma_wait3A = arith.constant 0 : i32
      %dma_wait3A_51 = arith.constant 0 : i32
      %dma_wait3A_52 = tpu.memref_slice %arg3[%add3A_0, %arg1, %dma_wait3A, %dma_wait3A_51] : memref<4x16x80x128xi32, #tpu.memory_space<hbm>> -> memref<1x1x80x128xi32, #tpu.memory_space<hbm>>
      %dma_wait3A_53 = tpu.memref_squeeze %dma_wait3A_52 : memref<1x1x80x128xi32, #tpu.memory_space<hbm>> -> memref<80x128xi32, #tpu.memory_space<hbm>>
      %dma_wait3A_54 = arith.constant 0 : i32
      %dma_wait3A_55 = arith.constant 0 : i32
      %dma_wait3A_56 = tpu.memref_slice %arg3[%add3A_0, %arg1, %dma_wait3A_54, %dma_wait3A_55] : memref<4x16x80x128xi32, #tpu.memory_space<hbm>> -> memref<1x1x80x128xi32, #tpu.memory_space<hbm>>
      %dma_wait3A_57 = tpu.memref_squeeze %dma_wait3A_56 : memref<1x1x80x128xi32, #tpu.memory_space<hbm>> -> memref<80x128xi32, #tpu.memory_space<hbm>>
      tpu.wait_dma2 semaphore(%run_scoped3A : memref<!tpu.dma_semaphore, #tpu.memory_space<semaphore_mem>>) src(%dma_wait3A_57 : memref<80x128xi32, #tpu.memory_space<hbm>>) dst(%arg6 : memref<80x128xi32, #tpu.memory_space<vmem>>)
      tpu.yield
    }) : () -> ()
    %barrier3A = arith.constant 0 : index
    tpu.barrier barrier_id(%barrier3A)
    %scan3A = arith.constant 0 : i32
    %scan3A_7 = arith.constant 0 : i32
    %scan3A_8 = arith.constant 20 : i32
    %scan3A_9 = arith.addi %scan3A_7, %scan3A_8 : i32
    %scan3A_10 = arith.constant 1 : i32
    scf.for %scan3A_44 = %scan3A_7 to %scan3A_9 step %scan3A_10  : i32 {
      %mul3A_45 = arith.constant 4 : i32
      %mul3A_46 = arith.muli %mul3A_45, %scan3A_44 : i32
      %add3A_47 = arith.constant 0 : i32
      %add3A_48 = arith.addi %mul3A_46, %add3A_47 : i32
      %dma_start3A = arith.constant 0 : i32
      %dma_start3A_49 = tpu.memref_slice %arg6[%add3A_48, %dma_start3A] : memref<80x128xi32, #tpu.memory_space<vmem>> -> memref<1x128xi32, #tpu.memory_space<vmem>>
      %dma_start3A_50 = tpu.memref_squeeze %dma_start3A_49 : memref<1x128xi32, #tpu.memory_space<vmem>> -> memref<128xi32, #tpu.memory_space<vmem>>
      %dma_start3A_51 = arith.constant 0 : i32
      %dma_start3A_52 = arith.constant 0 : i32
      %dma_start3A_53 = tpu.memref_slice %arg2[%dma_start3A_51, %dma_start3A_52] : memref<40960x96xf32, #tpu.memory_space<hbm>> -> memref<40960x96xf32, #tpu.memory_space<hbm>>
      tpu.enqueue_indirect_dma source(%dma_start3A_53 : memref<40960x96xf32, #tpu.memory_space<hbm>>) target(%arg8 : memref<128x96xf32, #tpu.memory_space<vmem>>) offsets(%dma_start3A_50 : memref<128xi32, #tpu.memory_space<vmem>>) semaphore(%arg12 : memref<!tpu.dma_semaphore, #tpu.memory_space<semaphore_mem>>)
      %add3A_54 = arith.constant 1 : i32
      %add3A_55 = arith.addi %mul3A_46, %add3A_54 : i32
      %dma_start3A_56 = arith.constant 0 : i32
      %dma_start3A_57 = tpu.memref_slice %arg6[%add3A_55, %dma_start3A_56] : memref<80x128xi32, #tpu.memory_space<vmem>> -> memref<1x128xi32, #tpu.memory_space<vmem>>
      %dma_start3A_58 = tpu.memref_squeeze %dma_start3A_57 : memref<1x128xi32, #tpu.memory_space<vmem>> -> memref<128xi32, #tpu.memory_space<vmem>>
      %dma_start3A_59 = arith.constant 0 : i32
      %dma_start3A_60 = arith.constant 0 : i32
      %dma_start3A_61 = tpu.memref_slice %arg2[%dma_start3A_59, %dma_start3A_60] : memref<40960x96xf32, #tpu.memory_space<hbm>> -> memref<40960x96xf32, #tpu.memory_space<hbm>>
      tpu.enqueue_indirect_dma source(%dma_start3A_61 : memref<40960x96xf32, #tpu.memory_space<hbm>>) target(%arg9 : memref<128x96xf32, #tpu.memory_space<vmem>>) offsets(%dma_start3A_58 : memref<128xi32, #tpu.memory_space<vmem>>) semaphore(%arg13 : memref<!tpu.dma_semaphore, #tpu.memory_space<semaphore_mem>>)
      %add3A_62 = arith.constant 2 : i32
      %add3A_63 = arith.addi %mul3A_46, %add3A_62 : i32
      %dma_start3A_64 = arith.constant 0 : i32
      %dma_start3A_65 = tpu.memref_slice %arg6[%add3A_63, %dma_start3A_64] : memref<80x128xi32, #tpu.memory_space<vmem>> -> memref<1x128xi32, #tpu.memory_space<vmem>>
      %dma_start3A_66 = tpu.memref_squeeze %dma_start3A_65 : memref<1x128xi32, #tpu.memory_space<vmem>> -> memref<128xi32, #tpu.memory_space<vmem>>
      %dma_start3A_67 = arith.constant 0 : i32
      %dma_start3A_68 = arith.constant 0 : i32
      %dma_start3A_69 = tpu.memref_slice %arg2[%dma_start3A_67, %dma_start3A_68] : memref<40960x96xf32, #tpu.memory_space<hbm>> -> memref<40960x96xf32, #tpu.memory_space<hbm>>
      tpu.enqueue_indirect_dma source(%dma_start3A_69 : memref<40960x96xf32, #tpu.memory_space<hbm>>) target(%arg10 : memref<128x96xf32, #tpu.memory_space<vmem>>) offsets(%dma_start3A_66 : memref<128xi32, #tpu.memory_space<vmem>>) semaphore(%arg14 : memref<!tpu.dma_semaphore, #tpu.memory_space<semaphore_mem>>)
      %add3A_70 = arith.constant 3 : i32
      %add3A_71 = arith.addi %mul3A_46, %add3A_70 : i32
      %dma_start3A_72 = arith.constant 0 : i32
      %dma_start3A_73 = tpu.memref_slice %arg6[%add3A_71, %dma_start3A_72] : memref<80x128xi32, #tpu.memory_space<vmem>> -> memref<1x128xi32, #tpu.memory_space<vmem>>
      %dma_start3A_74 = tpu.memref_squeeze %dma_start3A_73 : memref<1x128xi32, #tpu.memory_space<vmem>> -> memref<128xi32, #tpu.memory_space<vmem>>
      %dma_start3A_75 = arith.constant 0 : i32
      %dma_start3A_76 = arith.constant 0 : i32
      %dma_start3A_77 = tpu.memref_slice %arg2[%dma_start3A_75, %dma_start3A_76] : memref<40960x96xf32, #tpu.memory_space<hbm>> -> memref<40960x96xf32, #tpu.memory_space<hbm>>
      tpu.enqueue_indirect_dma source(%dma_start3A_77 : memref<40960x96xf32, #tpu.memory_space<hbm>>) target(%arg11 : memref<128x96xf32, #tpu.memory_space<vmem>>) offsets(%dma_start3A_74 : memref<128xi32, #tpu.memory_space<vmem>>) semaphore(%arg15 : memref<!tpu.dma_semaphore, #tpu.memory_space<semaphore_mem>>)
      %dma_wait3A = arith.constant 0 : i32
      %dma_wait3A_78 = tpu.memref_slice %arg6[%add3A_48, %dma_wait3A] : memref<80x128xi32, #tpu.memory_space<vmem>> -> memref<1x128xi32, #tpu.memory_space<vmem>>
      %dma_wait3A_79 = tpu.memref_squeeze %dma_wait3A_78 : memref<1x128xi32, #tpu.memory_space<vmem>> -> memref<128xi32, #tpu.memory_space<vmem>>
      %dma_wait3A_80 = arith.constant 0 : i32
      %dma_wait3A_81 = arith.constant 0 : i32
      %dma_wait3A_82 = tpu.memref_slice %arg2[%dma_wait3A_80, %dma_wait3A_81] : memref<40960x96xf32, #tpu.memory_space<hbm>> -> memref<40960x96xf32, #tpu.memory_space<hbm>>
      tpu.wait_indirect_dma semaphore(%arg12 : memref<!tpu.dma_semaphore, #tpu.memory_space<semaphore_mem>>) src(%dma_wait3A_82 : memref<40960x96xf32, #tpu.memory_space<hbm>>) dst(%arg8 : memref<128x96xf32, #tpu.memory_space<vmem>>)
      %add3A_83 = arith.constant 0 : i32
      %add3A_84 = arith.addi %mul3A_46, %add3A_83 : i32
      "tpu.region"() ({
        %run_scoped3A = tpu.sem_alloc : memref<!tpu.dma_semaphore, #tpu.memory_space<semaphore_mem>>
        %dma_start3A_109 = arith.constant 0 : i32
        %dma_start3A_110 = tpu.memref_slice %arg7[%add3A_84, %dma_start3A_109] : memref<80x128xi32, #tpu.memory_space<vmem>> -> memref<1x128xi32, #tpu.memory_space<vmem>>
        %dma_start3A_111 = tpu.memref_squeeze %dma_start3A_110 : memref<1x128xi32, #tpu.memory_space<vmem>> -> memref<128xi32, #tpu.memory_space<vmem>>
        %dma_start3A_112 = arith.constant 0 : i32
        %dma_start3A_113 = arith.constant 0 : i32
        %dma_start3A_114 = tpu.memref_slice %arg16[%dma_start3A_112, %dma_start3A_113] : memref<10240x96xf32, #tpu.memory_space<vmem_shared>> -> memref<10240x96xf32, #tpu.memory_space<vmem_shared>>
        tpu.enqueue_indirect_dma source(%arg8 : memref<128x96xf32, #tpu.memory_space<vmem>>) target(%dma_start3A_114 : memref<10240x96xf32, #tpu.memory_space<vmem_shared>>) offsets(%dma_start3A_111 : memref<128xi32, #tpu.memory_space<vmem>>) semaphore(%run_scoped3A : memref<!tpu.dma_semaphore, #tpu.memory_space<semaphore_mem>>) {add = true}
        %dma_wait3A_115 = arith.constant 0 : i32
        %dma_wait3A_116 = tpu.memref_slice %arg7[%add3A_84, %dma_wait3A_115] : memref<80x128xi32, #tpu.memory_space<vmem>> -> memref<1x128xi32, #tpu.memory_space<vmem>>
        %dma_wait3A_117 = tpu.memref_squeeze %dma_wait3A_116 : memref<1x128xi32, #tpu.memory_space<vmem>> -> memref<128xi32, #tpu.memory_space<vmem>>
        %dma_wait3A_118 = arith.constant 0 : i32
        %dma_wait3A_119 = arith.constant 0 : i32
        %dma_wait3A_120 = tpu.memref_slice %arg16[%dma_wait3A_118, %dma_wait3A_119] : memref<10240x96xf32, #tpu.memory_space<vmem_shared>> -> memref<10240x96xf32, #tpu.memory_space<vmem_shared>>
        tpu.wait_indirect_dma semaphore(%run_scoped3A : memref<!tpu.dma_semaphore, #tpu.memory_space<semaphore_mem>>) src(%arg8 : memref<128x96xf32, #tpu.memory_space<vmem>>) dst(%dma_wait3A_120 : memref<10240x96xf32, #tpu.memory_space<vmem_shared>>)
        tpu.yield
      }) : () -> ()
      %dma_wait3A_85 = arith.constant 0 : i32
      %dma_wait3A_86 = tpu.memref_slice %arg6[%add3A_55, %dma_wait3A_85] : memref<80x128xi32, #tpu.memory_space<vmem>> -> memref<1x128xi32, #tpu.memory_space<vmem>>
      %dma_wait3A_87 = tpu.memref_squeeze %dma_wait3A_86 : memref<1x128xi32, #tpu.memory_space<vmem>> -> memref<128xi32, #tpu.memory_space<vmem>>
      %dma_wait3A_88 = arith.constant 0 : i32
      %dma_wait3A_89 = arith.constant 0 : i32
      %dma_wait3A_90 = tpu.memref_slice %arg2[%dma_wait3A_88, %dma_wait3A_89] : memref<40960x96xf32, #tpu.memory_space<hbm>> -> memref<40960x96xf32, #tpu.memory_space<hbm>>
      tpu.wait_indirect_dma semaphore(%arg13 : memref<!tpu.dma_semaphore, #tpu.memory_space<semaphore_mem>>) src(%dma_wait3A_90 : memref<40960x96xf32, #tpu.memory_space<hbm>>) dst(%arg9 : memref<128x96xf32, #tpu.memory_space<vmem>>)
      %add3A_91 = arith.constant 1 : i32
      %add3A_92 = arith.addi %mul3A_46, %add3A_91 : i32
      "tpu.region"() ({
        %run_scoped3A = tpu.sem_alloc : memref<!tpu.dma_semaphore, #tpu.memory_space<semaphore_mem>>
        %dma_start3A_109 = arith.constant 0 : i32
        %dma_start3A_110 = tpu.memref_slice %arg7[%add3A_92, %dma_start3A_109] : memref<80x128xi32, #tpu.memory_space<vmem>> -> memref<1x128xi32, #tpu.memory_space<vmem>>
        %dma_start3A_111 = tpu.memref_squeeze %dma_start3A_110 : memref<1x128xi32, #tpu.memory_space<vmem>> -> memref<128xi32, #tpu.memory_space<vmem>>
        %dma_start3A_112 = arith.constant 0 : i32
        %dma_start3A_113 = arith.constant 0 : i32
        %dma_start3A_114 = tpu.memref_slice %arg16[%dma_start3A_112, %dma_start3A_113] : memref<10240x96xf32, #tpu.memory_space<vmem_shared>> -> memref<10240x96xf32, #tpu.memory_space<vmem_shared>>
        tpu.enqueue_indirect_dma source(%arg9 : memref<128x96xf32, #tpu.memory_space<vmem>>) target(%dma_start3A_114 : memref<10240x96xf32, #tpu.memory_space<vmem_shared>>) offsets(%dma_start3A_111 : memref<128xi32, #tpu.memory_space<vmem>>) semaphore(%run_scoped3A : memref<!tpu.dma_semaphore, #tpu.memory_space<semaphore_mem>>) {add = true}
        %dma_wait3A_115 = arith.constant 0 : i32
        %dma_wait3A_116 = tpu.memref_slice %arg7[%add3A_92, %dma_wait3A_115] : memref<80x128xi32, #tpu.memory_space<vmem>> -> memref<1x128xi32, #tpu.memory_space<vmem>>
        %dma_wait3A_117 = tpu.memref_squeeze %dma_wait3A_116 : memref<1x128xi32, #tpu.memory_space<vmem>> -> memref<128xi32, #tpu.memory_space<vmem>>
        %dma_wait3A_118 = arith.constant 0 : i32
        %dma_wait3A_119 = arith.constant 0 : i32
        %dma_wait3A_120 = tpu.memref_slice %arg16[%dma_wait3A_118, %dma_wait3A_119] : memref<10240x96xf32, #tpu.memory_space<vmem_shared>> -> memref<10240x96xf32, #tpu.memory_space<vmem_shared>>
        tpu.wait_indirect_dma semaphore(%run_scoped3A : memref<!tpu.dma_semaphore, #tpu.memory_space<semaphore_mem>>) src(%arg9 : memref<128x96xf32, #tpu.memory_space<vmem>>) dst(%dma_wait3A_120 : memref<10240x96xf32, #tpu.memory_space<vmem_shared>>)
        tpu.yield
      }) : () -> ()
      %dma_wait3A_93 = arith.constant 0 : i32
      %dma_wait3A_94 = tpu.memref_slice %arg6[%add3A_63, %dma_wait3A_93] : memref<80x128xi32, #tpu.memory_space<vmem>> -> memref<1x128xi32, #tpu.memory_space<vmem>>
      %dma_wait3A_95 = tpu.memref_squeeze %dma_wait3A_94 : memref<1x128xi32, #tpu.memory_space<vmem>> -> memref<128xi32, #tpu.memory_space<vmem>>
      %dma_wait3A_96 = arith.constant 0 : i32
      %dma_wait3A_97 = arith.constant 0 : i32
      %dma_wait3A_98 = tpu.memref_slice %arg2[%dma_wait3A_96, %dma_wait3A_97] : memref<40960x96xf32, #tpu.memory_space<hbm>> -> memref<40960x96xf32, #tpu.memory_space<hbm>>
      tpu.wait_indirect_dma semaphore(%arg14 : memref<!tpu.dma_semaphore, #tpu.memory_space<semaphore_mem>>) src(%dma_wait3A_98 : memref<40960x96xf32, #tpu.memory_space<hbm>>) dst(%arg10 : memref<128x96xf32, #tpu.memory_space<vmem>>)
      %add3A_99 = arith.constant 2 : i32
      %add3A_100 = arith.addi %mul3A_46, %add3A_99 : i32
      "tpu.region"() ({
        %run_scoped3A = tpu.sem_alloc : memref<!tpu.dma_semaphore, #tpu.memory_space<semaphore_mem>>
        %dma_start3A_109 = arith.constant 0 : i32
        %dma_start3A_110 = tpu.memref_slice %arg7[%add3A_100, %dma_start3A_109] : memref<80x128xi32, #tpu.memory_space<vmem>> -> memref<1x128xi32, #tpu.memory_space<vmem>>
        %dma_start3A_111 = tpu.memref_squeeze %dma_start3A_110 : memref<1x128xi32, #tpu.memory_space<vmem>> -> memref<128xi32, #tpu.memory_space<vmem>>
        %dma_start3A_112 = arith.constant 0 : i32
        %dma_start3A_113 = arith.constant 0 : i32
        %dma_start3A_114 = tpu.memref_slice %arg16[%dma_start3A_112, %dma_start3A_113] : memref<10240x96xf32, #tpu.memory_space<vmem_shared>> -> memref<10240x96xf32, #tpu.memory_space<vmem_shared>>
        tpu.enqueue_indirect_dma source(%arg10 : memref<128x96xf32, #tpu.memory_space<vmem>>) target(%dma_start3A_114 : memref<10240x96xf32, #tpu.memory_space<vmem_shared>>) offsets(%dma_start3A_111 : memref<128xi32, #tpu.memory_space<vmem>>) semaphore(%run_scoped3A : memref<!tpu.dma_semaphore, #tpu.memory_space<semaphore_mem>>) {add = true}
        %dma_wait3A_115 = arith.constant 0 : i32
        %dma_wait3A_116 = tpu.memref_slice %arg7[%add3A_100, %dma_wait3A_115] : memref<80x128xi32, #tpu.memory_space<vmem>> -> memref<1x128xi32, #tpu.memory_space<vmem>>
        %dma_wait3A_117 = tpu.memref_squeeze %dma_wait3A_116 : memref<1x128xi32, #tpu.memory_space<vmem>> -> memref<128xi32, #tpu.memory_space<vmem>>
        %dma_wait3A_118 = arith.constant 0 : i32
        %dma_wait3A_119 = arith.constant 0 : i32
        %dma_wait3A_120 = tpu.memref_slice %arg16[%dma_wait3A_118, %dma_wait3A_119] : memref<10240x96xf32, #tpu.memory_space<vmem_shared>> -> memref<10240x96xf32, #tpu.memory_space<vmem_shared>>
        tpu.wait_indirect_dma semaphore(%run_scoped3A : memref<!tpu.dma_semaphore, #tpu.memory_space<semaphore_mem>>) src(%arg10 : memref<128x96xf32, #tpu.memory_space<vmem>>) dst(%dma_wait3A_120 : memref<10240x96xf32, #tpu.memory_space<vmem_shared>>)
        tpu.yield
      }) : () -> ()
      %dma_wait3A_101 = arith.constant 0 : i32
      %dma_wait3A_102 = tpu.memref_slice %arg6[%add3A_71, %dma_wait3A_101] : memref<80x128xi32, #tpu.memory_space<vmem>> -> memref<1x128xi32, #tpu.memory_space<vmem>>
      %dma_wait3A_103 = tpu.memref_squeeze %dma_wait3A_102 : memref<1x128xi32, #tpu.memory_space<vmem>> -> memref<128xi32, #tpu.memory_space<vmem>>
      %dma_wait3A_104 = arith.constant 0 : i32
      %dma_wait3A_105 = arith.constant 0 : i32
      %dma_wait3A_106 = tpu.memref_slice %arg2[%dma_wait3A_104, %dma_wait3A_105] : memref<40960x96xf32, #tpu.memory_space<hbm>> -> memref<40960x96xf32, #tpu.memory_space<hbm>>
      tpu.wait_indirect_dma semaphore(%arg15 : memref<!tpu.dma_semaphore, #tpu.memory_space<semaphore_mem>>) src(%dma_wait3A_106 : memref<40960x96xf32, #tpu.memory_space<hbm>>) dst(%arg11 : memref<128x96xf32, #tpu.memory_space<vmem>>)
      %add3A_107 = arith.constant 3 : i32
      %add3A_108 = arith.addi %mul3A_46, %add3A_107 : i32
      "tpu.region"() ({
        %run_scoped3A = tpu.sem_alloc : memref<!tpu.dma_semaphore, #tpu.memory_space<semaphore_mem>>
        %dma_start3A_109 = arith.constant 0 : i32
        %dma_start3A_110 = tpu.memref_slice %arg7[%add3A_108, %dma_start3A_109] : memref<80x128xi32, #tpu.memory_space<vmem>> -> memref<1x128xi32, #tpu.memory_space<vmem>>
        %dma_start3A_111 = tpu.memref_squeeze %dma_start3A_110 : memref<1x128xi32, #tpu.memory_space<vmem>> -> memref<128xi32, #tpu.memory_space<vmem>>
        %dma_start3A_112 = arith.constant 0 : i32
        %dma_start3A_113 = arith.constant 0 : i32
        %dma_start3A_114 = tpu.memref_slice %arg16[%dma_start3A_112, %dma_start3A_113] : memref<10240x96xf32, #tpu.memory_space<vmem_shared>> -> memref<10240x96xf32, #tpu.memory_space<vmem_shared>>
        tpu.enqueue_indirect_dma source(%arg11 : memref<128x96xf32, #tpu.memory_space<vmem>>) target(%dma_start3A_114 : memref<10240x96xf32, #tpu.memory_space<vmem_shared>>) offsets(%dma_start3A_111 : memref<128xi32, #tpu.memory_space<vmem>>) semaphore(%run_scoped3A : memref<!tpu.dma_semaphore, #tpu.memory_space<semaphore_mem>>) {add = true}
        %dma_wait3A_115 = arith.constant 0 : i32
        %dma_wait3A_116 = tpu.memref_slice %arg7[%add3A_108, %dma_wait3A_115] : memref<80x128xi32, #tpu.memory_space<vmem>> -> memref<1x128xi32, #tpu.memory_space<vmem>>
        %dma_wait3A_117 = tpu.memref_squeeze %dma_wait3A_116 : memref<1x128xi32, #tpu.memory_space<vmem>> -> memref<128xi32, #tpu.memory_space<vmem>>
        %dma_wait3A_118 = arith.constant 0 : i32
        %dma_wait3A_119 = arith.constant 0 : i32
        %dma_wait3A_120 = tpu.memref_slice %arg16[%dma_wait3A_118, %dma_wait3A_119] : memref<10240x96xf32, #tpu.memory_space<vmem_shared>> -> memref<10240x96xf32, #tpu.memory_space<vmem_shared>>
        tpu.wait_indirect_dma semaphore(%run_scoped3A : memref<!tpu.dma_semaphore, #tpu.memory_space<semaphore_mem>>) src(%arg11 : memref<128x96xf32, #tpu.memory_space<vmem>>) dst(%dma_wait3A_120 : memref<10240x96xf32, #tpu.memory_space<vmem_shared>>)
        tpu.yield
      }) : () -> ()
    }
    %scan3A_11 = arith.constant 20 : i32
    %barrier3A_12 = arith.constant 0 : index
    tpu.barrier barrier_id(%barrier3A_12)
    %mul3A_13 = arith.constant 640 : i32
    %mul3A_14 = arith.muli %arg1, %mul3A_13 : i32
    %mul3A_15 = arith.constant 10240 : i32
    %mul3A_16 = arith.muli %add3A_0, %mul3A_15 : i32
    %mul3A_17 = arith.constant 640 : i32
    %mul3A_18 = arith.muli %arg1, %mul3A_17 : i32
    %add3A_19 = arith.addi %mul3A_16, %mul3A_18 : i32
    "tpu.region"() ({
      %run_scoped3A = tpu.sem_alloc : memref<!tpu.dma_semaphore, #tpu.memory_space<semaphore_mem>>
      %dma_start3A = arith.constant 0 : i32
      %dma_start3A_44 = tpu.memref_slice %arg5[%add3A_19, %dma_start3A] : memref<40960x96xf32, #tpu.memory_space<hbm>> -> memref<640x96xf32, #tpu.memory_space<hbm>>
      %dma_start3A_45 = arith.constant 0 : i32
      %dma_start3A_46 = tpu.memref_slice %arg16[%mul3A_14, %dma_start3A_45] : memref<10240x96xf32, #tpu.memory_space<vmem_shared>> -> memref<640x96xf32, #tpu.memory_space<vmem_shared>>
      tpu.enqueue_dma source(%dma_start3A_46 : memref<640x96xf32, #tpu.memory_space<vmem_shared>>) target(%dma_start3A_44 : memref<640x96xf32, #tpu.memory_space<hbm>>) target_semaphore(%run_scoped3A : memref<!tpu.dma_semaphore, #tpu.memory_space<semaphore_mem>>)
      %dma_wait3A = arith.constant 0 : i32
      %dma_wait3A_47 = tpu.memref_slice %arg5[%add3A_19, %dma_wait3A] : memref<40960x96xf32, #tpu.memory_space<hbm>> -> memref<640x96xf32, #tpu.memory_space<hbm>>
      %dma_wait3A_48 = arith.constant 0 : i32
      %dma_wait3A_49 = tpu.memref_slice %arg16[%mul3A_14, %dma_wait3A_48] : memref<10240x96xf32, #tpu.memory_space<vmem_shared>> -> memref<640x96xf32, #tpu.memory_space<vmem_shared>>
      tpu.wait_dma2 semaphore(%run_scoped3A : memref<!tpu.dma_semaphore, #tpu.memory_space<semaphore_mem>>) src(%dma_wait3A_49 : memref<640x96xf32, #tpu.memory_space<vmem_shared>>) dst(%dma_wait3A_47 : memref<640x96xf32, #tpu.memory_space<hbm>>)
      tpu.yield
    }) : () -> ()
    %add3A_20 = arith.constant 2 : i32
    %add3A_21 = arith.addi %add3A_20, %arg0 : i32
    %mul3A_22 = arith.constant 10240 : i32
    %mul3A_23 = arith.muli %add3A_21, %mul3A_22 : i32
    %mul3A_24 = arith.constant 640 : i32
    %mul3A_25 = arith.muli %arg1, %mul3A_24 : i32
    %add3A_26 = arith.addi %mul3A_23, %mul3A_25 : i32
    %mul3A_27 = arith.constant 640 : i32
    %mul3A_28 = arith.muli %arg1, %mul3A_27 : i32
    "tpu.region"() ({
      %run_scoped3A = tpu.sem_alloc : memref<!tpu.dma_semaphore, #tpu.memory_space<semaphore_mem>>
      %dma_start3A = arith.constant 0 : i32
      %dma_start3A_44 = tpu.memref_slice %arg16[%mul3A_28, %dma_start3A] : memref<10240x96xf32, #tpu.memory_space<vmem_shared>> -> memref<640x96xf32, #tpu.memory_space<vmem_shared>>
      %dma_start3A_45 = arith.constant 0 : i32
      %dma_start3A_46 = tpu.memref_slice %arg2[%add3A_26, %dma_start3A_45] : memref<40960x96xf32, #tpu.memory_space<hbm>> -> memref<640x96xf32, #tpu.memory_space<hbm>>
      tpu.enqueue_dma source(%dma_start3A_46 : memref<640x96xf32, #tpu.memory_space<hbm>>) target(%dma_start3A_44 : memref<640x96xf32, #tpu.memory_space<vmem_shared>>) target_semaphore(%run_scoped3A : memref<!tpu.dma_semaphore, #tpu.memory_space<semaphore_mem>>)
      %dma_wait3A = arith.constant 0 : i32
      %dma_wait3A_47 = tpu.memref_slice %arg16[%mul3A_28, %dma_wait3A] : memref<10240x96xf32, #tpu.memory_space<vmem_shared>> -> memref<640x96xf32, #tpu.memory_space<vmem_shared>>
      %dma_wait3A_48 = arith.constant 0 : i32
      %dma_wait3A_49 = tpu.memref_slice %arg2[%add3A_26, %dma_wait3A_48] : memref<40960x96xf32, #tpu.memory_space<hbm>> -> memref<640x96xf32, #tpu.memory_space<hbm>>
      tpu.wait_dma2 semaphore(%run_scoped3A : memref<!tpu.dma_semaphore, #tpu.memory_space<semaphore_mem>>) src(%dma_wait3A_49 : memref<640x96xf32, #tpu.memory_space<hbm>>) dst(%dma_wait3A_47 : memref<640x96xf32, #tpu.memory_space<vmem_shared>>)
      tpu.yield
    }) : () -> ()
    "tpu.region"() ({
      %run_scoped3A = tpu.sem_alloc : memref<!tpu.dma_semaphore, #tpu.memory_space<semaphore_mem>>
      %dma_start3A = arith.constant 0 : i32
      %dma_start3A_44 = arith.constant 0 : i32
      %dma_start3A_45 = tpu.memref_slice %arg3[%add3A_21, %arg1, %dma_start3A, %dma_start3A_44] : memref<4x16x80x128xi32, #tpu.memory_space<hbm>> -> memref<1x1x80x128xi32, #tpu.memory_space<hbm>>
      %dma_start3A_46 = tpu.memref_squeeze %dma_start3A_45 : memref<1x1x80x128xi32, #tpu.memory_space<hbm>> -> memref<80x128xi32, #tpu.memory_space<hbm>>
      %dma_start3A_47 = arith.constant 0 : i32
      %dma_start3A_48 = arith.constant 0 : i32
      %dma_start3A_49 = tpu.memref_slice %arg3[%add3A_21, %arg1, %dma_start3A_47, %dma_start3A_48] : memref<4x16x80x128xi32, #tpu.memory_space<hbm>> -> memref<1x1x80x128xi32, #tpu.memory_space<hbm>>
      %dma_start3A_50 = tpu.memref_squeeze %dma_start3A_49 : memref<1x1x80x128xi32, #tpu.memory_space<hbm>> -> memref<80x128xi32, #tpu.memory_space<hbm>>
      tpu.enqueue_dma source(%dma_start3A_50 : memref<80x128xi32, #tpu.memory_space<hbm>>) target(%arg6 : memref<80x128xi32, #tpu.memory_space<vmem>>) target_semaphore(%run_scoped3A : memref<!tpu.dma_semaphore, #tpu.memory_space<semaphore_mem>>)
      %dma_wait3A = arith.constant 0 : i32
      %dma_wait3A_51 = arith.constant 0 : i32
      %dma_wait3A_52 = tpu.memref_slice %arg3[%add3A_21, %arg1, %dma_wait3A, %dma_wait3A_51] : memref<4x16x80x128xi32, #tpu.memory_space<hbm>> -> memref<1x1x80x128xi32, #tpu.memory_space<hbm>>
      %dma_wait3A_53 = tpu.memref_squeeze %dma_wait3A_52 : memref<1x1x80x128xi32, #tpu.memory_space<hbm>> -> memref<80x128xi32, #tpu.memory_space<hbm>>
      %dma_wait3A_54 = arith.constant 0 : i32
      %dma_wait3A_55 = arith.constant 0 : i32
      %dma_wait3A_56 = tpu.memref_slice %arg3[%add3A_21, %arg1, %dma_wait3A_54, %dma_wait3A_55] : memref<4x16x80x128xi32, #tpu.memory_space<hbm>> -> memref<1x1x80x128xi32, #tpu.memory_space<hbm>>
      %dma_wait3A_57 = tpu.memref_squeeze %dma_wait3A_56 : memref<1x1x80x128xi32, #tpu.memory_space<hbm>> -> memref<80x128xi32, #tpu.memory_space<hbm>>
      tpu.wait_dma2 semaphore(%run_scoped3A : memref<!tpu.dma_semaphore, #tpu.memory_space<semaphore_mem>>) src(%dma_wait3A_57 : memref<80x128xi32, #tpu.memory_space<hbm>>) dst(%arg6 : memref<80x128xi32, #tpu.memory_space<vmem>>)
      tpu.yield
    }) : () -> ()
    %barrier3A_29 = arith.constant 0 : index
    tpu.barrier barrier_id(%barrier3A_29)
    %scan3A_30 = arith.constant 0 : i32
    %scan3A_31 = arith.constant 0 : i32
    %scan3A_32 = arith.constant 20 : i32
    %scan3A_33 = arith.addi %scan3A_31, %scan3A_32 : i32
    %scan3A_34 = arith.constant 1 : i32
    scf.for %scan3A_44 = %scan3A_31 to %scan3A_33 step %scan3A_34  : i32 {
      %mul3A_45 = arith.constant 4 : i32
      %mul3A_46 = arith.muli %mul3A_45, %scan3A_44 : i32
      %add3A_47 = arith.constant 0 : i32
      %add3A_48 = arith.addi %mul3A_46, %add3A_47 : i32
      %dma_start3A = arith.constant 0 : i32
      %dma_start3A_49 = tpu.memref_slice %arg6[%add3A_48, %dma_start3A] : memref<80x128xi32, #tpu.memory_space<vmem>> -> memref<1x128xi32, #tpu.memory_space<vmem>>
      %dma_start3A_50 = tpu.memref_squeeze %dma_start3A_49 : memref<1x128xi32, #tpu.memory_space<vmem>> -> memref<128xi32, #tpu.memory_space<vmem>>
      %dma_start3A_51 = arith.constant 0 : i32
      %dma_start3A_52 = arith.constant 0 : i32
      %dma_start3A_53 = tpu.memref_slice %arg2[%dma_start3A_51, %dma_start3A_52] : memref<40960x96xf32, #tpu.memory_space<hbm>> -> memref<40960x96xf32, #tpu.memory_space<hbm>>
      tpu.enqueue_indirect_dma source(%dma_start3A_53 : memref<40960x96xf32, #tpu.memory_space<hbm>>) target(%arg8 : memref<128x96xf32, #tpu.memory_space<vmem>>) offsets(%dma_start3A_50 : memref<128xi32, #tpu.memory_space<vmem>>) semaphore(%arg12 : memref<!tpu.dma_semaphore, #tpu.memory_space<semaphore_mem>>)
      %add3A_54 = arith.constant 1 : i32
      %add3A_55 = arith.addi %mul3A_46, %add3A_54 : i32
      %dma_start3A_56 = arith.constant 0 : i32
      %dma_start3A_57 = tpu.memref_slice %arg6[%add3A_55, %dma_start3A_56] : memref<80x128xi32, #tpu.memory_space<vmem>> -> memref<1x128xi32, #tpu.memory_space<vmem>>
      %dma_start3A_58 = tpu.memref_squeeze %dma_start3A_57 : memref<1x128xi32, #tpu.memory_space<vmem>> -> memref<128xi32, #tpu.memory_space<vmem>>
      %dma_start3A_59 = arith.constant 0 : i32
      %dma_start3A_60 = arith.constant 0 : i32
      %dma_start3A_61 = tpu.memref_slice %arg2[%dma_start3A_59, %dma_start3A_60] : memref<40960x96xf32, #tpu.memory_space<hbm>> -> memref<40960x96xf32, #tpu.memory_space<hbm>>
      tpu.enqueue_indirect_dma source(%dma_start3A_61 : memref<40960x96xf32, #tpu.memory_space<hbm>>) target(%arg9 : memref<128x96xf32, #tpu.memory_space<vmem>>) offsets(%dma_start3A_58 : memref<128xi32, #tpu.memory_space<vmem>>) semaphore(%arg13 : memref<!tpu.dma_semaphore, #tpu.memory_space<semaphore_mem>>)
      %add3A_62 = arith.constant 2 : i32
      %add3A_63 = arith.addi %mul3A_46, %add3A_62 : i32
      %dma_start3A_64 = arith.constant 0 : i32
      %dma_start3A_65 = tpu.memref_slice %arg6[%add3A_63, %dma_start3A_64] : memref<80x128xi32, #tpu.memory_space<vmem>> -> memref<1x128xi32, #tpu.memory_space<vmem>>
      %dma_start3A_66 = tpu.memref_squeeze %dma_start3A_65 : memref<1x128xi32, #tpu.memory_space<vmem>> -> memref<128xi32, #tpu.memory_space<vmem>>
      %dma_start3A_67 = arith.constant 0 : i32
      %dma_start3A_68 = arith.constant 0 : i32
      %dma_start3A_69 = tpu.memref_slice %arg2[%dma_start3A_67, %dma_start3A_68] : memref<40960x96xf32, #tpu.memory_space<hbm>> -> memref<40960x96xf32, #tpu.memory_space<hbm>>
      tpu.enqueue_indirect_dma source(%dma_start3A_69 : memref<40960x96xf32, #tpu.memory_space<hbm>>) target(%arg10 : memref<128x96xf32, #tpu.memory_space<vmem>>) offsets(%dma_start3A_66 : memref<128xi32, #tpu.memory_space<vmem>>) semaphore(%arg14 : memref<!tpu.dma_semaphore, #tpu.memory_space<semaphore_mem>>)
      %add3A_70 = arith.constant 3 : i32
      %add3A_71 = arith.addi %mul3A_46, %add3A_70 : i32
      %dma_start3A_72 = arith.constant 0 : i32
      %dma_start3A_73 = tpu.memref_slice %arg6[%add3A_71, %dma_start3A_72] : memref<80x128xi32, #tpu.memory_space<vmem>> -> memref<1x128xi32, #tpu.memory_space<vmem>>
      %dma_start3A_74 = tpu.memref_squeeze %dma_start3A_73 : memref<1x128xi32, #tpu.memory_space<vmem>> -> memref<128xi32, #tpu.memory_space<vmem>>
      %dma_start3A_75 = arith.constant 0 : i32
      %dma_start3A_76 = arith.constant 0 : i32
      %dma_start3A_77 = tpu.memref_slice %arg2[%dma_start3A_75, %dma_start3A_76] : memref<40960x96xf32, #tpu.memory_space<hbm>> -> memref<40960x96xf32, #tpu.memory_space<hbm>>
      tpu.enqueue_indirect_dma source(%dma_start3A_77 : memref<40960x96xf32, #tpu.memory_space<hbm>>) target(%arg11 : memref<128x96xf32, #tpu.memory_space<vmem>>) offsets(%dma_start3A_74 : memref<128xi32, #tpu.memory_space<vmem>>) semaphore(%arg15 : memref<!tpu.dma_semaphore, #tpu.memory_space<semaphore_mem>>)
      %dma_wait3A = arith.constant 0 : i32
      %dma_wait3A_78 = tpu.memref_slice %arg6[%add3A_48, %dma_wait3A] : memref<80x128xi32, #tpu.memory_space<vmem>> -> memref<1x128xi32, #tpu.memory_space<vmem>>
      %dma_wait3A_79 = tpu.memref_squeeze %dma_wait3A_78 : memref<1x128xi32, #tpu.memory_space<vmem>> -> memref<128xi32, #tpu.memory_space<vmem>>
      %dma_wait3A_80 = arith.constant 0 : i32
      %dma_wait3A_81 = arith.constant 0 : i32
      %dma_wait3A_82 = tpu.memref_slice %arg2[%dma_wait3A_80, %dma_wait3A_81] : memref<40960x96xf32, #tpu.memory_space<hbm>> -> memref<40960x96xf32, #tpu.memory_space<hbm>>
      tpu.wait_indirect_dma semaphore(%arg12 : memref<!tpu.dma_semaphore, #tpu.memory_space<semaphore_mem>>) src(%dma_wait3A_82 : memref<40960x96xf32, #tpu.memory_space<hbm>>) dst(%arg8 : memref<128x96xf32, #tpu.memory_space<vmem>>)
      %add3A_83 = arith.constant 0 : i32
      %add3A_84 = arith.addi %mul3A_46, %add3A_83 : i32
      "tpu.region"() ({
        %run_scoped3A = tpu.sem_alloc : memref<!tpu.dma_semaphore, #tpu.memory_space<semaphore_mem>>
        %dma_start3A_109 = arith.constant 0 : i32
        %dma_start3A_110 = tpu.memref_slice %arg7[%add3A_84, %dma_start3A_109] : memref<80x128xi32, #tpu.memory_space<vmem>> -> memref<1x128xi32, #tpu.memory_space<vmem>>
        %dma_start3A_111 = tpu.memref_squeeze %dma_start3A_110 : memref<1x128xi32, #tpu.memory_space<vmem>> -> memref<128xi32, #tpu.memory_space<vmem>>
        %dma_start3A_112 = arith.constant 0 : i32
        %dma_start3A_113 = arith.constant 0 : i32
        %dma_start3A_114 = tpu.memref_slice %arg16[%dma_start3A_112, %dma_start3A_113] : memref<10240x96xf32, #tpu.memory_space<vmem_shared>> -> memref<10240x96xf32, #tpu.memory_space<vmem_shared>>
        tpu.enqueue_indirect_dma source(%arg8 : memref<128x96xf32, #tpu.memory_space<vmem>>) target(%dma_start3A_114 : memref<10240x96xf32, #tpu.memory_space<vmem_shared>>) offsets(%dma_start3A_111 : memref<128xi32, #tpu.memory_space<vmem>>) semaphore(%run_scoped3A : memref<!tpu.dma_semaphore, #tpu.memory_space<semaphore_mem>>) {add = true}
        %dma_wait3A_115 = arith.constant 0 : i32
        %dma_wait3A_116 = tpu.memref_slice %arg7[%add3A_84, %dma_wait3A_115] : memref<80x128xi32, #tpu.memory_space<vmem>> -> memref<1x128xi32, #tpu.memory_space<vmem>>
        %dma_wait3A_117 = tpu.memref_squeeze %dma_wait3A_116 : memref<1x128xi32, #tpu.memory_space<vmem>> -> memref<128xi32, #tpu.memory_space<vmem>>
        %dma_wait3A_118 = arith.constant 0 : i32
        %dma_wait3A_119 = arith.constant 0 : i32
        %dma_wait3A_120 = tpu.memref_slice %arg16[%dma_wait3A_118, %dma_wait3A_119] : memref<10240x96xf32, #tpu.memory_space<vmem_shared>> -> memref<10240x96xf32, #tpu.memory_space<vmem_shared>>
        tpu.wait_indirect_dma semaphore(%run_scoped3A : memref<!tpu.dma_semaphore, #tpu.memory_space<semaphore_mem>>) src(%arg8 : memref<128x96xf32, #tpu.memory_space<vmem>>) dst(%dma_wait3A_120 : memref<10240x96xf32, #tpu.memory_space<vmem_shared>>)
        tpu.yield
      }) : () -> ()
      %dma_wait3A_85 = arith.constant 0 : i32
      %dma_wait3A_86 = tpu.memref_slice %arg6[%add3A_55, %dma_wait3A_85] : memref<80x128xi32, #tpu.memory_space<vmem>> -> memref<1x128xi32, #tpu.memory_space<vmem>>
      %dma_wait3A_87 = tpu.memref_squeeze %dma_wait3A_86 : memref<1x128xi32, #tpu.memory_space<vmem>> -> memref<128xi32, #tpu.memory_space<vmem>>
      %dma_wait3A_88 = arith.constant 0 : i32
      %dma_wait3A_89 = arith.constant 0 : i32
      %dma_wait3A_90 = tpu.memref_slice %arg2[%dma_wait3A_88, %dma_wait3A_89] : memref<40960x96xf32, #tpu.memory_space<hbm>> -> memref<40960x96xf32, #tpu.memory_space<hbm>>
      tpu.wait_indirect_dma semaphore(%arg13 : memref<!tpu.dma_semaphore, #tpu.memory_space<semaphore_mem>>) src(%dma_wait3A_90 : memref<40960x96xf32, #tpu.memory_space<hbm>>) dst(%arg9 : memref<128x96xf32, #tpu.memory_space<vmem>>)
      %add3A_91 = arith.constant 1 : i32
      %add3A_92 = arith.addi %mul3A_46, %add3A_91 : i32
      "tpu.region"() ({
        %run_scoped3A = tpu.sem_alloc : memref<!tpu.dma_semaphore, #tpu.memory_space<semaphore_mem>>
        %dma_start3A_109 = arith.constant 0 : i32
        %dma_start3A_110 = tpu.memref_slice %arg7[%add3A_92, %dma_start3A_109] : memref<80x128xi32, #tpu.memory_space<vmem>> -> memref<1x128xi32, #tpu.memory_space<vmem>>
        %dma_start3A_111 = tpu.memref_squeeze %dma_start3A_110 : memref<1x128xi32, #tpu.memory_space<vmem>> -> memref<128xi32, #tpu.memory_space<vmem>>
        %dma_start3A_112 = arith.constant 0 : i32
        %dma_start3A_113 = arith.constant 0 : i32
        %dma_start3A_114 = tpu.memref_slice %arg16[%dma_start3A_112, %dma_start3A_113] : memref<10240x96xf32, #tpu.memory_space<vmem_shared>> -> memref<10240x96xf32, #tpu.memory_space<vmem_shared>>
        tpu.enqueue_indirect_dma source(%arg9 : memref<128x96xf32, #tpu.memory_space<vmem>>) target(%dma_start3A_114 : memref<10240x96xf32, #tpu.memory_space<vmem_shared>>) offsets(%dma_start3A_111 : memref<128xi32, #tpu.memory_space<vmem>>) semaphore(%run_scoped3A : memref<!tpu.dma_semaphore, #tpu.memory_space<semaphore_mem>>) {add = true}
        %dma_wait3A_115 = arith.constant 0 : i32
        %dma_wait3A_116 = tpu.memref_slice %arg7[%add3A_92, %dma_wait3A_115] : memref<80x128xi32, #tpu.memory_space<vmem>> -> memref<1x128xi32, #tpu.memory_space<vmem>>
        %dma_wait3A_117 = tpu.memref_squeeze %dma_wait3A_116 : memref<1x128xi32, #tpu.memory_space<vmem>> -> memref<128xi32, #tpu.memory_space<vmem>>
        %dma_wait3A_118 = arith.constant 0 : i32
        %dma_wait3A_119 = arith.constant 0 : i32
        %dma_wait3A_120 = tpu.memref_slice %arg16[%dma_wait3A_118, %dma_wait3A_119] : memref<10240x96xf32, #tpu.memory_space<vmem_shared>> -> memref<10240x96xf32, #tpu.memory_space<vmem_shared>>
        tpu.wait_indirect_dma semaphore(%run_scoped3A : memref<!tpu.dma_semaphore, #tpu.memory_space<semaphore_mem>>) src(%arg9 : memref<128x96xf32, #tpu.memory_space<vmem>>) dst(%dma_wait3A_120 : memref<10240x96xf32, #tpu.memory_space<vmem_shared>>)
        tpu.yield
      }) : () -> ()
      %dma_wait3A_93 = arith.constant 0 : i32
      %dma_wait3A_94 = tpu.memref_slice %arg6[%add3A_63, %dma_wait3A_93] : memref<80x128xi32, #tpu.memory_space<vmem>> -> memref<1x128xi32, #tpu.memory_space<vmem>>
      %dma_wait3A_95 = tpu.memref_squeeze %dma_wait3A_94 : memref<1x128xi32, #tpu.memory_space<vmem>> -> memref<128xi32, #tpu.memory_space<vmem>>
      %dma_wait3A_96 = arith.constant 0 : i32
      %dma_wait3A_97 = arith.constant 0 : i32
      %dma_wait3A_98 = tpu.memref_slice %arg2[%dma_wait3A_96, %dma_wait3A_97] : memref<40960x96xf32, #tpu.memory_space<hbm>> -> memref<40960x96xf32, #tpu.memory_space<hbm>>
      tpu.wait_indirect_dma semaphore(%arg14 : memref<!tpu.dma_semaphore, #tpu.memory_space<semaphore_mem>>) src(%dma_wait3A_98 : memref<40960x96xf32, #tpu.memory_space<hbm>>) dst(%arg10 : memref<128x96xf32, #tpu.memory_space<vmem>>)
      %add3A_99 = arith.constant 2 : i32
      %add3A_100 = arith.addi %mul3A_46, %add3A_99 : i32
      "tpu.region"() ({
        %run_scoped3A = tpu.sem_alloc : memref<!tpu.dma_semaphore, #tpu.memory_space<semaphore_mem>>
        %dma_start3A_109 = arith.constant 0 : i32
        %dma_start3A_110 = tpu.memref_slice %arg7[%add3A_100, %dma_start3A_109] : memref<80x128xi32, #tpu.memory_space<vmem>> -> memref<1x128xi32, #tpu.memory_space<vmem>>
        %dma_start3A_111 = tpu.memref_squeeze %dma_start3A_110 : memref<1x128xi32, #tpu.memory_space<vmem>> -> memref<128xi32, #tpu.memory_space<vmem>>
        %dma_start3A_112 = arith.constant 0 : i32
        %dma_start3A_113 = arith.constant 0 : i32
        %dma_start3A_114 = tpu.memref_slice %arg16[%dma_start3A_112, %dma_start3A_113] : memref<10240x96xf32, #tpu.memory_space<vmem_shared>> -> memref<10240x96xf32, #tpu.memory_space<vmem_shared>>
        tpu.enqueue_indirect_dma source(%arg10 : memref<128x96xf32, #tpu.memory_space<vmem>>) target(%dma_start3A_114 : memref<10240x96xf32, #tpu.memory_space<vmem_shared>>) offsets(%dma_start3A_111 : memref<128xi32, #tpu.memory_space<vmem>>) semaphore(%run_scoped3A : memref<!tpu.dma_semaphore, #tpu.memory_space<semaphore_mem>>) {add = true}
        %dma_wait3A_115 = arith.constant 0 : i32
        %dma_wait3A_116 = tpu.memref_slice %arg7[%add3A_100, %dma_wait3A_115] : memref<80x128xi32, #tpu.memory_space<vmem>> -> memref<1x128xi32, #tpu.memory_space<vmem>>
        %dma_wait3A_117 = tpu.memref_squeeze %dma_wait3A_116 : memref<1x128xi32, #tpu.memory_space<vmem>> -> memref<128xi32, #tpu.memory_space<vmem>>
        %dma_wait3A_118 = arith.constant 0 : i32
        %dma_wait3A_119 = arith.constant 0 : i32
        %dma_wait3A_120 = tpu.memref_slice %arg16[%dma_wait3A_118, %dma_wait3A_119] : memref<10240x96xf32, #tpu.memory_space<vmem_shared>> -> memref<10240x96xf32, #tpu.memory_space<vmem_shared>>
        tpu.wait_indirect_dma semaphore(%run_scoped3A : memref<!tpu.dma_semaphore, #tpu.memory_space<semaphore_mem>>) src(%arg10 : memref<128x96xf32, #tpu.memory_space<vmem>>) dst(%dma_wait3A_120 : memref<10240x96xf32, #tpu.memory_space<vmem_shared>>)
        tpu.yield
      }) : () -> ()
      %dma_wait3A_101 = arith.constant 0 : i32
      %dma_wait3A_102 = tpu.memref_slice %arg6[%add3A_71, %dma_wait3A_101] : memref<80x128xi32, #tpu.memory_space<vmem>> -> memref<1x128xi32, #tpu.memory_space<vmem>>
      %dma_wait3A_103 = tpu.memref_squeeze %dma_wait3A_102 : memref<1x128xi32, #tpu.memory_space<vmem>> -> memref<128xi32, #tpu.memory_space<vmem>>
      %dma_wait3A_104 = arith.constant 0 : i32
      %dma_wait3A_105 = arith.constant 0 : i32
      %dma_wait3A_106 = tpu.memref_slice %arg2[%dma_wait3A_104, %dma_wait3A_105] : memref<40960x96xf32, #tpu.memory_space<hbm>> -> memref<40960x96xf32, #tpu.memory_space<hbm>>
      tpu.wait_indirect_dma semaphore(%arg15 : memref<!tpu.dma_semaphore, #tpu.memory_space<semaphore_mem>>) src(%dma_wait3A_106 : memref<40960x96xf32, #tpu.memory_space<hbm>>) dst(%arg11 : memref<128x96xf32, #tpu.memory_space<vmem>>)
      %add3A_107 = arith.constant 3 : i32
      %add3A_108 = arith.addi %mul3A_46, %add3A_107 : i32
      "tpu.region"() ({
        %run_scoped3A = tpu.sem_alloc : memref<!tpu.dma_semaphore, #tpu.memory_space<semaphore_mem>>
        %dma_start3A_109 = arith.constant 0 : i32
        %dma_start3A_110 = tpu.memref_slice %arg7[%add3A_108, %dma_start3A_109] : memref<80x128xi32, #tpu.memory_space<vmem>> -> memref<1x128xi32, #tpu.memory_space<vmem>>
        %dma_start3A_111 = tpu.memref_squeeze %dma_start3A_110 : memref<1x128xi32, #tpu.memory_space<vmem>> -> memref<128xi32, #tpu.memory_space<vmem>>
        %dma_start3A_112 = arith.constant 0 : i32
        %dma_start3A_113 = arith.constant 0 : i32
        %dma_start3A_114 = tpu.memref_slice %arg16[%dma_start3A_112, %dma_start3A_113] : memref<10240x96xf32, #tpu.memory_space<vmem_shared>> -> memref<10240x96xf32, #tpu.memory_space<vmem_shared>>
        tpu.enqueue_indirect_dma source(%arg11 : memref<128x96xf32, #tpu.memory_space<vmem>>) target(%dma_start3A_114 : memref<10240x96xf32, #tpu.memory_space<vmem_shared>>) offsets(%dma_start3A_111 : memref<128xi32, #tpu.memory_space<vmem>>) semaphore(%run_scoped3A : memref<!tpu.dma_semaphore, #tpu.memory_space<semaphore_mem>>) {add = true}
        %dma_wait3A_115 = arith.constant 0 : i32
        %dma_wait3A_116 = tpu.memref_slice %arg7[%add3A_108, %dma_wait3A_115] : memref<80x128xi32, #tpu.memory_space<vmem>> -> memref<1x128xi32, #tpu.memory_space<vmem>>
        %dma_wait3A_117 = tpu.memref_squeeze %dma_wait3A_116 : memref<1x128xi32, #tpu.memory_space<vmem>> -> memref<128xi32, #tpu.memory_space<vmem>>
        %dma_wait3A_118 = arith.constant 0 : i32
        %dma_wait3A_119 = arith.constant 0 : i32
        %dma_wait3A_120 = tpu.memref_slice %arg16[%dma_wait3A_118, %dma_wait3A_119] : memref<10240x96xf32, #tpu.memory_space<vmem_shared>> -> memref<10240x96xf32, #tpu.memory_space<vmem_shared>>
        tpu.wait_indirect_dma semaphore(%run_scoped3A : memref<!tpu.dma_semaphore, #tpu.memory_space<semaphore_mem>>) src(%arg11 : memref<128x96xf32, #tpu.memory_space<vmem>>) dst(%dma_wait3A_120 : memref<10240x96xf32, #tpu.memory_space<vmem_shared>>)
        tpu.yield
      }) : () -> ()
    }
    %scan3A_35 = arith.constant 20 : i32
    %barrier3A_36 = arith.constant 0 : index
    tpu.barrier barrier_id(%barrier3A_36)
    %mul3A_37 = arith.constant 640 : i32
    %mul3A_38 = arith.muli %arg1, %mul3A_37 : i32
    %mul3A_39 = arith.constant 10240 : i32
    %mul3A_40 = arith.muli %add3A_21, %mul3A_39 : i32
    %mul3A_41 = arith.constant 640 : i32
    %mul3A_42 = arith.muli %arg1, %mul3A_41 : i32
    %add3A_43 = arith.addi %mul3A_40, %mul3A_42 : i32
    "tpu.region"() ({
      %run_scoped3A = tpu.sem_alloc : memref<!tpu.dma_semaphore, #tpu.memory_space<semaphore_mem>>
      %dma_start3A = arith.constant 0 : i32
      %dma_start3A_44 = tpu.memref_slice %arg5[%add3A_43, %dma_start3A] : memref<40960x96xf32, #tpu.memory_space<hbm>> -> memref<640x96xf32, #tpu.memory_space<hbm>>
      %dma_start3A_45 = arith.constant 0 : i32
      %dma_start3A_46 = tpu.memref_slice %arg16[%mul3A_38, %dma_start3A_45] : memref<10240x96xf32, #tpu.memory_space<vmem_shared>> -> memref<640x96xf32, #tpu.memory_space<vmem_shared>>
      tpu.enqueue_dma source(%dma_start3A_46 : memref<640x96xf32, #tpu.memory_space<vmem_shared>>) target(%dma_start3A_44 : memref<640x96xf32, #tpu.memory_space<hbm>>) target_semaphore(%run_scoped3A : memref<!tpu.dma_semaphore, #tpu.memory_space<semaphore_mem>>)
      %dma_wait3A = arith.constant 0 : i32
      %dma_wait3A_47 = tpu.memref_slice %arg5[%add3A_43, %dma_wait3A] : memref<40960x96xf32, #tpu.memory_space<hbm>> -> memref<640x96xf32, #tpu.memory_space<hbm>>
      %dma_wait3A_48 = arith.constant 0 : i32
      %dma_wait3A_49 = tpu.memref_slice %arg16[%mul3A_38, %dma_wait3A_48] : memref<10240x96xf32, #tpu.memory_space<vmem_shared>> -> memref<640x96xf32, #tpu.memory_space<vmem_shared>>
      tpu.wait_dma2 semaphore(%run_scoped3A : memref<!tpu.dma_semaphore, #tpu.memory_space<semaphore_mem>>) src(%dma_wait3A_49 : memref<640x96xf32, #tpu.memory_space<vmem_shared>>) dst(%dma_wait3A_47 : memref<640x96xf32, #tpu.memory_space<hbm>>)
      tpu.yield
    }) : () -> ()
    return
  }
}

module attributes {stable_mosaic.version = 14 : i64} {
  func.func @_h_body(%arg0: memref<256x256xf32, #tpu.memory_space<vmem>>, %arg1: memref<256x64xf32, #tpu.memory_space<vmem>>, %arg2: memref<256x64xf32, #tpu.memory_space<vmem>>) attributes {dimension_semantics = [], scalar_prefetch = 0 : i64, scratch_operands = 0 : i64, tpu.core_type = #tpu.core_type<tc>} {
    %get3A = arith.constant 0 : index
    %get3A_0 = arith.constant 0 : index
    %get3A_1 = vector.load %arg0[%get3A, %get3A_0] : memref<256x256xf32, #tpu.memory_space<vmem>>, vector<256x256xf32>
    %get3A_2 = arith.constant 0 : index
    %get3A_3 = arith.constant 0 : index
    %get3A_4 = vector.load %arg1[%get3A_2, %get3A_3] : memref<256x64xf32, #tpu.memory_space<vmem>>, vector<256x64xf32>
    %dot_general3A = arith.constant dense<0.000000e+00> : vector<256x64xf32>
    %dot_general3A_5 = tpu.matmul %get3A_1, %get3A_4, %dot_general3A {dimension_numbers = #tpu.dot_dimension_numbers<[0], [0], [1], [1], [0, 1, 1, 1], [], []>, transpose_lhs_hint = false} : vector<256x256xf32>, vector<256x64xf32>, vector<256x64xf32> -> vector<256x64xf32>
    %tanh3A = math.tanh %dot_general3A_5 : vector<256x64xf32>
    %swap3A = arith.constant 0 : index
    %swap3A_6 = arith.constant 0 : index
    %swap3A_7 = vector.load %arg2[%swap3A, %swap3A_6] : memref<256x64xf32, #tpu.memory_space<vmem>>, vector<256x64xf32>
    tpu.vector_store %arg2[%swap3A, %swap3A_6], %tanh3A {strides = array<i32>} : memref<256x64xf32, #tpu.memory_space<vmem>>, vector<256x64xf32>,
    return
  }
}

module attributes {stable_mosaic.version = 14 : i64} {
  func.func @_dinv_body(%arg0: memref<20480x16xf32, #tpu.memory_space<vmem>>, %arg1: memref<10240x1xf32, #tpu.memory_space<vmem>>) attributes {dimension_semantics = [], scalar_prefetch = 0 : i64, scratch_operands = 0 : i64, tpu.core_type = #tpu.core_type<tc>} {
    %get3A = arith.constant 0 : index
    %get3A_0 = arith.constant 0 : index
    %get3A_1 = vector.load %arg0[%get3A, %get3A_0] : memref<20480x16xf32, #tpu.memory_space<vmem>>, vector<10240x1xf32>
    %add3A = arith.constant 1.000000e+00 : f32
    %add3A_2 = vector.broadcast %add3A : f32 to vector<10240x1xf32>
    %add3A_3 = arith.addf %add3A_2, %get3A_1 : vector<10240x1xf32>
    %get3A_4 = arith.constant 10240 : index
    %get3A_5 = arith.constant 0 : index
    %get3A_6 = vector.load %arg0[%get3A_4, %get3A_5] : memref<20480x16xf32, #tpu.memory_space<vmem>>, vector<10240x1xf32>
    %add3A_7 = arith.addf %add3A_3, %get3A_6 : vector<10240x1xf32>
    %rsqrt3A = math.rsqrt %add3A_7 : vector<10240x1xf32>
    %swap3A = arith.constant 0 : index
    %swap3A_8 = arith.constant 0 : index
    %swap3A_9 = vector.load %arg1[%swap3A, %swap3A_8] : memref<10240x1xf32, #tpu.memory_space<vmem>>, vector<10240x1xf32>
    tpu.vector_store %arg1[%swap3A, %swap3A_8], %rsqrt3A {strides = array<i32>} : memref<10240x1xf32, #tpu.memory_space<vmem>>, vector<10240x1xf32>,
    return
  }
}

module attributes {stable_mosaic.version = 14 : i64} {
  func.func @_dense1_body(%arg0: i32, %arg1: memref<128x1536xf32, #tpu.memory_space<vmem>>, %arg2: memref<128x3072xf32, #tpu.memory_space<vmem>>, %arg3: memref<128x64xf32, #tpu.memory_space<vmem>>, %arg4: memref<128x64xf32, #tpu.memory_space<vmem>>, %arg5: memref<1536x1xf32, #tpu.memory_space<vmem>>, %arg6: memref<3072x1xf32, #tpu.memory_space<vmem>>, %arg7: memref<1536x64xf32, #tpu.memory_space<vmem>>, %arg8: memref<3072x64xf32, #tpu.memory_space<vmem>>) attributes {dimension_semantics = [#tpu.dimension_semantics<arbitrary>], iteration_bounds = array<i64: 20>, scalar_prefetch = 0 : i64, scratch_operands = 0 : i64, tpu.core_type = #tpu.core_type<tc>, window_params = [{transform_indices = @transform_0, window_bounds = array<i64: 128, 1536>}, {transform_indices = @transform_1, window_bounds = array<i64: 128, 3072>}, {pipeline_mode = #tpu.pipeline_mode<synchronous>, transform_indices = @transform_2, window_bounds = array<i64: 128, 64>}, {pipeline_mode = #tpu.pipeline_mode<synchronous>, transform_indices = @transform_3, window_bounds = array<i64: 128, 64>}, {transform_indices = @transform_4, window_bounds = array<i64: 1536, 1>}, {transform_indices = @transform_5, window_bounds = array<i64: 3072, 1>}, {transform_indices = @transform_6, window_bounds = array<i64: 1536, 64>}, {transform_indices = @transform_7, window_bounds = array<i64: 3072, 64>}]} {
    %get3A = arith.constant 0 : index
    %get3A_0 = arith.constant 0 : index
    %get3A_1 = vector.load %arg1[%get3A, %get3A_0] : memref<128x1536xf32, #tpu.memory_space<vmem>>, vector<128x1536xf32>
    %get3A_2 = arith.constant 0 : index
    %get3A_3 = arith.constant 0 : index
    %get3A_4 = vector.load %arg3[%get3A_2, %get3A_3] : memref<128x64xf32, #tpu.memory_space<vmem>>, vector<128x64xf32>
    %dot_general3A = arith.constant dense<0.000000e+00> : vector<1536x64xf32>
    %dot_general3A_5 = tpu.matmul %get3A_1, %get3A_4, %dot_general3A {dimension_numbers = #tpu.dot_dimension_numbers<[0], [0], [1], [1], [0, 1, 1, 1], [], []>, transpose_lhs_hint = false} : vector<128x1536xf32>, vector<128x64xf32>, vector<1536x64xf32> -> vector<1536x64xf32>
    %get3A_6 = arith.constant 0 : index
    %get3A_7 = arith.constant 0 : index
    %get3A_8 = vector.load %arg2[%get3A_6, %get3A_7] : memref<128x3072xf32, #tpu.memory_space<vmem>>, vector<128x3072xf32>
    %get3A_9 = arith.constant 0 : index
    %get3A_10 = arith.constant 0 : index
    %get3A_11 = vector.load %arg4[%get3A_9, %get3A_10] : memref<128x64xf32, #tpu.memory_space<vmem>>, vector<128x64xf32>
    %dot_general3A_12 = arith.constant dense<0.000000e+00> : vector<3072x64xf32>
    %dot_general3A_13 = tpu.matmul %get3A_8, %get3A_11, %dot_general3A_12 {dimension_numbers = #tpu.dot_dimension_numbers<[0], [0], [1], [1], [0, 1, 1, 1], [], []>, transpose_lhs_hint = false} : vector<128x3072xf32>, vector<128x64xf32>, vector<3072x64xf32> -> vector<3072x64xf32>
    %get3A_14 = arith.constant 0 : index
    %get3A_15 = arith.constant 0 : index
    %get3A_16 = vector.load %arg5[%get3A_14, %get3A_15] : memref<1536x1xf32, #tpu.memory_space<vmem>>, vector<1536x1xf32>
    %tanh3A = math.tanh %dot_general3A_5 : vector<1536x64xf32>
    %mul3A = vector.broadcast %get3A_16 : vector<1536x1xf32> to vector<1536x64xf32>
    %mul3A_17 = arith.mulf %mul3A, %tanh3A : vector<1536x64xf32>
    %swap3A = arith.constant 0 : index
    %swap3A_18 = arith.constant 0 : index
    %swap3A_19 = vector.load %arg7[%swap3A, %swap3A_18] : memref<1536x64xf32, #tpu.memory_space<vmem>>, vector<1536x64xf32>
    tpu.vector_store %arg7[%swap3A, %swap3A_18], %mul3A_17 {strides = array<i32>} : memref<1536x64xf32, #tpu.memory_space<vmem>>, vector<1536x64xf32>,
    %get3A_20 = arith.constant 0 : index
    %get3A_21 = arith.constant 0 : index
    %get3A_22 = vector.load %arg6[%get3A_20, %get3A_21] : memref<3072x1xf32, #tpu.memory_space<vmem>>, vector<3072x1xf32>
    %tanh3A_23 = math.tanh %dot_general3A_13 : vector<3072x64xf32>
    %mul3A_24 = vector.broadcast %get3A_22 : vector<3072x1xf32> to vector<3072x64xf32>
    %mul3A_25 = arith.mulf %mul3A_24, %tanh3A_23 : vector<3072x64xf32>
    %swap3A_26 = arith.constant 0 : index
    %swap3A_27 = arith.constant 0 : index
    %swap3A_28 = vector.load %arg8[%swap3A_26, %swap3A_27] : memref<3072x64xf32, #tpu.memory_space<vmem>>, vector<3072x64xf32>
    tpu.vector_store %arg8[%swap3A_26, %swap3A_27], %mul3A_25 {strides = array<i32>} : memref<3072x64xf32, #tpu.memory_space<vmem>>, vector<3072x64xf32>,
    return
  }
  func.func @transform_0(%arg0: i32) -> (i32, i32) {
    %c0_i32 = arith.constant 0 : i32
    %c0_i32_0 = arith.constant 0 : i32
    return %c0_i32, %arg0 : i32, i32
  }
  func.func @transform_1(%arg0: i32) -> (i32, i32) {
    %c0_i32 = arith.constant 0 : i32
    %c0_i32_0 = arith.constant 0 : i32
    return %c0_i32, %arg0 : i32, i32
  }
  func.func @transform_2(%arg0: i32) -> (i32, i32) {
    %c0_i32 = arith.constant 0 : i32
    %c0_i32_0 = arith.constant 0 : i32
    %c0_i32_1 = arith.constant 0 : i32
    return %c0_i32, %c0_i32_0 : i32, i32
  }
  func.func @transform_3(%arg0: i32) -> (i32, i32) {
    %c0_i32 = arith.constant 0 : i32
    %c0_i32_0 = arith.constant 0 : i32
    %c0_i32_1 = arith.constant 0 : i32
    return %c0_i32, %c0_i32_0 : i32, i32
  }
  func.func @transform_4(%arg0: i32) -> (i32, i32) {
    %c0_i32 = arith.constant 0 : i32
    %c0_i32_0 = arith.constant 0 : i32
    return %arg0, %c0_i32 : i32, i32
  }
  func.func @transform_5(%arg0: i32) -> (i32, i32) {
    %c0_i32 = arith.constant 0 : i32
    %c0_i32_0 = arith.constant 0 : i32
    return %arg0, %c0_i32 : i32, i32
  }
  func.func @transform_6(%arg0: i32) -> (i32, i32) {
    %c0_i32 = arith.constant 0 : i32
    %c0_i32_0 = arith.constant 0 : i32
    return %arg0, %c0_i32 : i32, i32
  }
  func.func @transform_7(%arg0: i32) -> (i32, i32) {
    %c0_i32 = arith.constant 0 : i32
    %c0_i32_0 = arith.constant 0 : i32
    return %arg0, %c0_i32 : i32, i32
  }
}

module attributes {stable_mosaic.version = 14 : i64} {
  func.func @_mix_body(%arg0: i32, %arg1: memref<512x384xf32, #tpu.memory_space<vmem>>, %arg2: memref<512x1xf32, #tpu.memory_space<vmem>>, %arg3: memref<384x384xf32, #tpu.memory_space<vmem>>, %arg4: memref<1x384xf32, #tpu.memory_space<vmem>>, %arg5: memref<512x384xf32, #tpu.memory_space<vmem>>) attributes {dimension_semantics = [#tpu.dimension_semantics<arbitrary>], iteration_bounds = array<i64: 20>, scalar_prefetch = 0 : i64, scratch_operands = 0 : i64, tpu.core_type = #tpu.core_type<tc>, window_params = [{transform_indices = @transform_0, window_bounds = array<i64: 512, 384>}, {transform_indices = @transform_1, window_bounds = array<i64: 512, 1>}, {pipeline_mode = #tpu.pipeline_mode<synchronous>, transform_indices = @transform_2, window_bounds = array<i64: 384, 384>}, {pipeline_mode = #tpu.pipeline_mode<synchronous>, transform_indices = @transform_3, window_bounds = array<i64: 1, 384>}, {transform_indices = @transform_4, window_bounds = array<i64: 512, 384>}]} {
    %get3A = arith.constant 0 : index
    %get3A_0 = arith.constant 0 : index
    %get3A_1 = vector.load %arg2[%get3A, %get3A_0] : memref<512x1xf32, #tpu.memory_space<vmem>>, vector<512x1xf32>
    %get3A_2 = arith.constant 0 : index
    %get3A_3 = arith.constant 0 : index
    %get3A_4 = vector.load %arg1[%get3A_2, %get3A_3] : memref<512x384xf32, #tpu.memory_space<vmem>>, vector<512x384xf32>
    %mul3A = vector.broadcast %get3A_1 : vector<512x1xf32> to vector<512x384xf32>
    %mul3A_5 = arith.mulf %mul3A, %get3A_4 : vector<512x384xf32>
    %get3A_6 = arith.constant 0 : index
    %get3A_7 = arith.constant 0 : index
    %get3A_8 = vector.load %arg3[%get3A_6, %get3A_7] : memref<384x384xf32, #tpu.memory_space<vmem>>, vector<384x384xf32>
    %dot_general3A = arith.constant dense<0.000000e+00> : vector<512x384xf32>
    %dot_general3A_9 = tpu.matmul %mul3A_5, %get3A_8, %dot_general3A {dimension_numbers = #tpu.dot_dimension_numbers<[1], [0], [0], [1], [0, 0, 1, 1], [], []>, transpose_lhs_hint = false} : vector<512x384xf32>, vector<384x384xf32>, vector<512x384xf32> -> vector<512x384xf32>
    %get3A_10 = arith.constant 0 : index
    %get3A_11 = arith.constant 0 : index
    %get3A_12 = vector.load %arg4[%get3A_10, %get3A_11] : memref<1x384xf32, #tpu.memory_space<vmem>>, vector<1x384xf32>
    %add3A = vector.broadcast %get3A_12 : vector<1x384xf32> to vector<512x384xf32>
    %add3A_13 = arith.addf %dot_general3A_9, %add3A : vector<512x384xf32>
    %tanh3A = math.tanh %add3A_13 : vector<512x384xf32>
    %mul3A_14 = vector.broadcast %get3A_1 : vector<512x1xf32> to vector<512x384xf32>
    %mul3A_15 = arith.mulf %mul3A_14, %tanh3A : vector<512x384xf32>
    %swap3A = arith.constant 0 : index
    %swap3A_16 = arith.constant 0 : index
    %swap3A_17 = vector.load %arg5[%swap3A, %swap3A_16] : memref<512x384xf32, #tpu.memory_space<vmem>>, vector<512x384xf32>
    tpu.vector_store %arg5[%swap3A, %swap3A_16], %mul3A_15 {strides = array<i32>} : memref<512x384xf32, #tpu.memory_space<vmem>>, vector<512x384xf32>,
    return
  }
  func.func @transform_0(%arg0: i32) -> (i32, i32) {
    %c0_i32 = arith.constant 0 : i32
    %c0_i32_0 = arith.constant 0 : i32
    return %arg0, %c0_i32 : i32, i32
  }
  func.func @transform_1(%arg0: i32) -> (i32, i32) {
    %c0_i32 = arith.constant 0 : i32
    %c0_i32_0 = arith.constant 0 : i32
    return %arg0, %c0_i32 : i32, i32
  }
  func.func @transform_2(%arg0: i32) -> (i32, i32) {
    %c0_i32 = arith.constant 0 : i32
    %c0_i32_0 = arith.constant 0 : i32
    %c0_i32_1 = arith.constant 0 : i32
    return %c0_i32, %c0_i32_0 : i32, i32
  }
  func.func @transform_3(%arg0: i32) -> (i32, i32) {
    %c0_i32 = arith.constant 0 : i32
    %c0_i32_0 = arith.constant 0 : i32
    %c0_i32_1 = arith.constant 0 : i32
    return %c0_i32, %c0_i32_0 : i32, i32
  }
  func.func @transform_4(%arg0: i32) -> (i32, i32) {
    %c0_i32 = arith.constant 0 : i32
    %c0_i32_0 = arith.constant 0 : i32
    return %arg0, %c0_i32 : i32, i32
  }
}

module attributes {stable_mosaic.version = 14 : i64} {
  func.func @_mix_body(%arg0: i32, %arg1: memref<512x192xf32, #tpu.memory_space<vmem>>, %arg2: memref<512x1xf32, #tpu.memory_space<vmem>>, %arg3: memref<192x192xf32, #tpu.memory_space<vmem>>, %arg4: memref<1x192xf32, #tpu.memory_space<vmem>>, %arg5: memref<512x192xf32, #tpu.memory_space<vmem>>) attributes {dimension_semantics = [#tpu.dimension_semantics<arbitrary>], iteration_bounds = array<i64: 20>, scalar_prefetch = 0 : i64, scratch_operands = 0 : i64, tpu.core_type = #tpu.core_type<tc>, window_params = [{transform_indices = @transform_0, window_bounds = array<i64: 512, 192>}, {transform_indices = @transform_1, window_bounds = array<i64: 512, 1>}, {pipeline_mode = #tpu.pipeline_mode<synchronous>, transform_indices = @transform_2, window_bounds = array<i64: 192, 192>}, {pipeline_mode = #tpu.pipeline_mode<synchronous>, transform_indices = @transform_3, window_bounds = array<i64: 1, 192>}, {transform_indices = @transform_4, window_bounds = array<i64: 512, 192>}]} {
    %get3A = arith.constant 0 : index
    %get3A_0 = arith.constant 0 : index
    %get3A_1 = vector.load %arg2[%get3A, %get3A_0] : memref<512x1xf32, #tpu.memory_space<vmem>>, vector<512x1xf32>
    %get3A_2 = arith.constant 0 : index
    %get3A_3 = arith.constant 0 : index
    %get3A_4 = vector.load %arg1[%get3A_2, %get3A_3] : memref<512x192xf32, #tpu.memory_space<vmem>>, vector<512x192xf32>
    %mul3A = vector.broadcast %get3A_1 : vector<512x1xf32> to vector<512x192xf32>
    %mul3A_5 = arith.mulf %mul3A, %get3A_4 : vector<512x192xf32>
    %get3A_6 = arith.constant 0 : index
    %get3A_7 = arith.constant 0 : index
    %get3A_8 = vector.load %arg3[%get3A_6, %get3A_7] : memref<192x192xf32, #tpu.memory_space<vmem>>, vector<192x192xf32>
    %dot_general3A = arith.constant dense<0.000000e+00> : vector<512x192xf32>
    %dot_general3A_9 = tpu.matmul %mul3A_5, %get3A_8, %dot_general3A {dimension_numbers = #tpu.dot_dimension_numbers<[1], [0], [0], [1], [0, 0, 1, 1], [], []>, transpose_lhs_hint = false} : vector<512x192xf32>, vector<192x192xf32>, vector<512x192xf32> -> vector<512x192xf32>
    %get3A_10 = arith.constant 0 : index
    %get3A_11 = arith.constant 0 : index
    %get3A_12 = vector.load %arg4[%get3A_10, %get3A_11] : memref<1x192xf32, #tpu.memory_space<vmem>>, vector<1x192xf32>
    %add3A = vector.broadcast %get3A_12 : vector<1x192xf32> to vector<512x192xf32>
    %add3A_13 = arith.addf %dot_general3A_9, %add3A : vector<512x192xf32>
    %mul3A_14 = arith.constant 4.000000e+00 : f32
    %mul3A_15 = vector.broadcast %mul3A_14 : f32 to vector<512x192xf32>
    %mul3A_16 = arith.mulf %add3A_13, %mul3A_15 : vector<512x192xf32>
    %swap3A = arith.constant 0 : index
    %swap3A_17 = arith.constant 0 : index
    %swap3A_18 = vector.load %arg5[%swap3A, %swap3A_17] : memref<512x192xf32, #tpu.memory_space<vmem>>, vector<512x192xf32>
    tpu.vector_store %arg5[%swap3A, %swap3A_17], %mul3A_16 {strides = array<i32>} : memref<512x192xf32, #tpu.memory_space<vmem>>, vector<512x192xf32>,
    return
  }
  func.func @transform_0(%arg0: i32) -> (i32, i32) {
    %c0_i32 = arith.constant 0 : i32
    %c0_i32_0 = arith.constant 0 : i32
    return %arg0, %c0_i32 : i32, i32
  }
  func.func @transform_1(%arg0: i32) -> (i32, i32) {
    %c0_i32 = arith.constant 0 : i32
    %c0_i32_0 = arith.constant 0 : i32
    return %arg0, %c0_i32 : i32, i32
  }
  func.func @transform_2(%arg0: i32) -> (i32, i32) {
    %c0_i32 = arith.constant 0 : i32
    %c0_i32_0 = arith.constant 0 : i32
    %c0_i32_1 = arith.constant 0 : i32
    return %c0_i32, %c0_i32_0 : i32, i32
  }
  func.func @transform_3(%arg0: i32) -> (i32, i32) {
    %c0_i32 = arith.constant 0 : i32
    %c0_i32_0 = arith.constant 0 : i32
    %c0_i32_1 = arith.constant 0 : i32
    return %c0_i32, %c0_i32_0 : i32, i32
  }
  func.func @transform_4(%arg0: i32) -> (i32, i32) {
    %c0_i32 = arith.constant 0 : i32
    %c0_i32_0 = arith.constant 0 : i32
    return %arg0, %c0_i32 : i32, i32
  }
}

module attributes {stable_mosaic.version = 14 : i64} {
  func.func @_mix_body(%arg0: i32, %arg1: memref<512x384xf32, #tpu.memory_space<vmem>>, %arg2: memref<512x1xf32, #tpu.memory_space<vmem>>, %arg3: memref<384x384xf32, #tpu.memory_space<vmem>>, %arg4: memref<1x384xf32, #tpu.memory_space<vmem>>, %arg5: memref<512x384xf32, #tpu.memory_space<vmem>>) attributes {dimension_semantics = [#tpu.dimension_semantics<arbitrary>], iteration_bounds = array<i64: 20>, scalar_prefetch = 0 : i64, scratch_operands = 0 : i64, tpu.core_type = #tpu.core_type<tc>, window_params = [{transform_indices = @transform_0, window_bounds = array<i64: 512, 384>}, {transform_indices = @transform_1, window_bounds = array<i64: 512, 1>}, {pipeline_mode = #tpu.pipeline_mode<synchronous>, transform_indices = @transform_2, window_bounds = array<i64: 384, 384>}, {pipeline_mode = #tpu.pipeline_mode<synchronous>, transform_indices = @transform_3, window_bounds = array<i64: 1, 384>}, {transform_indices = @transform_4, window_bounds = array<i64: 512, 384>}]} {
    %get3A = arith.constant 0 : index
    %get3A_0 = arith.constant 0 : index
    %get3A_1 = vector.load %arg2[%get3A, %get3A_0] : memref<512x1xf32, #tpu.memory_space<vmem>>, vector<512x1xf32>
    %get3A_2 = arith.constant 0 : index
    %get3A_3 = arith.constant 0 : index
    %get3A_4 = vector.load %arg1[%get3A_2, %get3A_3] : memref<512x384xf32, #tpu.memory_space<vmem>>, vector<512x384xf32>
    %mul3A = vector.broadcast %get3A_1 : vector<512x1xf32> to vector<512x384xf32>
    %mul3A_5 = arith.mulf %mul3A, %get3A_4 : vector<512x384xf32>
    %get3A_6 = arith.constant 0 : index
    %get3A_7 = arith.constant 0 : index
    %get3A_8 = vector.load %arg3[%get3A_6, %get3A_7] : memref<384x384xf32, #tpu.memory_space<vmem>>, vector<384x384xf32>
    %dot_general3A = arith.constant dense<0.000000e+00> : vector<512x384xf32>
    %dot_general3A_9 = tpu.matmul %mul3A_5, %get3A_8, %dot_general3A {dimension_numbers = #tpu.dot_dimension_numbers<[1], [0], [0], [1], [0, 0, 1, 1], [], []>, transpose_lhs_hint = false} : vector<512x384xf32>, vector<384x384xf32>, vector<512x384xf32> -> vector<512x384xf32>
    %get3A_10 = arith.constant 0 : index
    %get3A_11 = arith.constant 0 : index
    %get3A_12 = vector.load %arg4[%get3A_10, %get3A_11] : memref<1x384xf32, #tpu.memory_space<vmem>>, vector<1x384xf32>
    %add3A = vector.broadcast %get3A_12 : vector<1x384xf32> to vector<512x384xf32>
    %add3A_13 = arith.addf %dot_general3A_9, %add3A : vector<512x384xf32>
    %mul3A_14 = arith.constant 5.000000e+01 : f32
    %mul3A_15 = vector.broadcast %mul3A_14 : f32 to vector<512x384xf32>
    %mul3A_16 = arith.mulf %add3A_13, %mul3A_15 : vector<512x384xf32>
    %swap3A = arith.constant 0 : index
    %swap3A_17 = arith.constant 0 : index
    %swap3A_18 = vector.load %arg5[%swap3A, %swap3A_17] : memref<512x384xf32, #tpu.memory_space<vmem>>, vector<512x384xf32>
    tpu.vector_store %arg5[%swap3A, %swap3A_17], %mul3A_16 {strides = array<i32>} : memref<512x384xf32, #tpu.memory_space<vmem>>, vector<512x384xf32>,
    return
  }
  func.func @transform_0(%arg0: i32) -> (i32, i32) {
    %c0_i32 = arith.constant 0 : i32
    %c0_i32_0 = arith.constant 0 : i32
    return %arg0, %c0_i32 : i32, i32
  }
  func.func @transform_1(%arg0: i32) -> (i32, i32) {
    %c0_i32 = arith.constant 0 : i32
    %c0_i32_0 = arith.constant 0 : i32
    return %arg0, %c0_i32 : i32, i32
  }
  func.func @transform_2(%arg0: i32) -> (i32, i32) {
    %c0_i32 = arith.constant 0 : i32
    %c0_i32_0 = arith.constant 0 : i32
    %c0_i32_1 = arith.constant 0 : i32
    return %c0_i32, %c0_i32_0 : i32, i32
  }
  func.func @transform_3(%arg0: i32) -> (i32, i32) {
    %c0_i32 = arith.constant 0 : i32
    %c0_i32_0 = arith.constant 0 : i32
    %c0_i32_1 = arith.constant 0 : i32
    return %c0_i32, %c0_i32_0 : i32, i32
  }
  func.func @transform_4(%arg0: i32) -> (i32, i32) {
    %c0_i32 = arith.constant 0 : i32
    %c0_i32_0 = arith.constant 0 : i32
    return %arg0, %c0_i32 : i32, i32
  }
}

</mosaic_0001>

<sc_bundles>
// kernel: kernel.12.cloned.1.call-start
scs
__scs_entry_jumppad:
0x0: {  	(pc) =	sbr.rel $0x88, $3  }
0x1: {  	(tag) =	ssettag $0x0;
	lr =	simm.s32 $0x1  }
0x2: {  	[smem:$0x3F96] =	sst lr;
	_ =	strace $0xD0000000  }
0x3: {  	_ = 	snop  }
0x4: {  	_ = 	snop  }
0x5: {  	_ = 	snop  }
0x6: {  	_ = 	snop  }
0x7: {  	_ = 	snop  }
__scs_overlays_trampoline_lowered:
0x8: {  	[smem:$0x3FA5] =	sst s0  }
0x9: {  	[smem:$0x3FA6] =	sst s1  }
0xa: {  	[smem:$0x3FA7] =	sst s2  }
0xb: {  	[smem:$0x3FA8] =	sst s3  }
0xc: {  	[smem:$0x3FA9] =	sst s4  }
0xd: {  	[smem:$0x3FAA] =	sst s5  }
0xe: {  	[smem:$0x3FAB] =	sst s6  }
0xf: {  	[smem:$0x3FAC] =	sst s7  }
0x10: {  	[smem:$0x3FAD] =	sst s8  }
0x11: {  	[smem:$0x3FAE] =	sst s9;
	s0 =	simm.s32 @!p0 $0x0  }
0x12: {  	s1 =	sld [smem:$0x3F94];
	s0 =	simm.s32 @p0 $0x1  }
0x13: {  	[smem:$0x3FAF] =	sst s0;
	s0 =	simm.s32 @!p1 $0x0  }
0x14: {  	s2 =	sld [smem:$0x3F93];
	s0 =	simm.s32 @p1 $0x1  }
0x15: {  	[smem:$0x3FB0] =	sst s0;
	s0 =	simm.s32 @!p2 $0x0  }
0x16: {  	s3 =	sld [smem:$0x3FDB];
	s0 =	simm.s32 @p2 $0x1  }
0x17: {  	s4 =	simm.s32 $0x1BF5;
	[smem:$0x3FB2] =	sst s0  }
0x18: {  	s0 =	sld [smem:$0x3F95];
	_ =	swait.ge [sflag:s4], $0x0  }
0x19: {  	s7 =	sld [smem:$0x3F96]  }
0x1a: {  	s8 =	sadd.s32 $0xFFFFE003, lr  }
0x1b: {  	s9 =	sadd.s32 $0xFFFFFEF7, lr;
	s5 =	simm.s32 $0xFFFFFFFF;
	p2 =	slt.u32 s8, $0xFFFFF086  }
0x1c: {  	p1 =	slt.u32 s9, $0xF7A;
	s5 =	simm.s32 @!p2 $0x0  }
0x1d: {  	s5 =	simm.s32 @p1 $0x1;
	p0 =	seq.s32 s7, s2  }
0x1e: {  	s7 =	smul.u32 @!p0 $0xF7A, s2;
	p2 =	seq.s32 @!p0 s5, $0x0  }
0x1f: {  	s9 =	smul.u32 $0xF7A, s1;
	s8 =	simm.s32 @!p0 $0x1BF5;
	p2 =	por !p2, p0  }
0x20: {  	[sflag:s8] =	ssyncset.s32 @!p0 $0xFFFFF086;
	s6 =	sadd.s32 @!p0 s3, s7;
	s7 =	simm.s32 @!p0 $0x108  }
0x21: {  	s3 =	sadd.s32 s3, s9;
	s6 =	sadd.s32 @!p0 $0x88, s6;
	s7 =	simm.s32 @p2 $0x1082  }
0x22: {  	[simem:s7], [sflag:s8] =	dma.local @!p0 [hbm:s6], $0xF7A  }
0x23: {  	s9 =	sor.u32 $0xD0000000, s2;
	s6 =	simm.s32 $0x108;
	_ =	swait.ge @!p0 [sflag:s8], $0x0  }
0x24: {  	s3 =	sadd.s32 $0x88, s3;
	s6 =	simm.s32 @!p1 $0x1082;
	[sflag:s4] =	ssyncset.s32 $0xFFFFF086  }
0x25: {  	[simem:s6], [sflag:s4] =	dma.local [hbm:s3], $0xF7A  }
0x26: {  	[smem:$0x3F96] =	sst s1;
	(tag) =	ssettag s2;
	_ =	strace s9  }
0x27: {  	s1 =	sld [smem:$0x3FA6]  }
0x28: {  	s2 =	sld [smem:$0x3FA7]  }
0x29: {  	s4 =	sld [smem:$0x3FA9]  }
0x2a: {  	p0 =	seq.s32 s5, $0x0;
	s5 =	sld [smem:$0x3FAA]  }
0x2b: {  	s6 =	sld [smem:$0x3FAB]  }
0x2c: {  	s7 =	sld [smem:$0x3FAC]  }
0x2d: {  	s3 =	simm.s32 $0x108;
	s8 =	sld [smem:$0x3FAD]  }
0x2e: {  	s3 =	simm.s32 @!p0 $0x1082;
	s9 =	sld [smem:$0x3FAE]  }
0x2f: {  	lr =	sadd.s32 s0, s3;
	s0 =	sld [smem:$0x3FA5]  }
0x30: {  	s3 =	sld [smem:$0x3FA8]  }
0x31: {  	[smem:$0x3FB1] =	sst s10  }
0x32: {  	s10 =	sld [smem:$0x3FAF];
	_ =	sdelay $0x3  }
0x33: {  	p0 =	seq.s32 s10, $0x1;
	s10 =	sld [smem:$0x3FB1];
	_ =	sdelay $0x3  }
0x34: {  	[smem:$0x3FB1] =	sst s10  }
0x35: {  	s10 =	sld [smem:$0x3FB0];
	_ =	sdelay $0x3  }
0x36: {  	p1 =	seq.s32 s10, $0x1;
	s10 =	sld [smem:$0x3FB1];
	_ =	sdelay $0x3  }
0x37: {  	[smem:$0x3FB1] =	sst s10  }
0x38: {  	s10 =	sld [smem:$0x3FB2]  }
0x39: {  	_ = 	snop;
	(pc) =	sbr.ind lr, $3  }
0x3a: {  	_ = 	snop  }
0x3b: {  	_ = 	snop  }
0x3c: {  	p2 =	seq.s32 s10, $0x1;
	s10 =	sld [smem:$0x3FB1]  }
0x3d: {  	_ =	shalt  }
0x3e: {  	_ =	shalt  }
0x3f: {  	_ =	shalt  }
0x40: {  	_ =	shalt  }
0x41: {  	_ =	shalt  }
0x42: {  	_ =	shalt  }
0x43: {  	_ =	shalt  }
0x44: {  	_ =	shalt  }
0x45: {  	_ =	shalt  }
0x46: {  	_ =	shalt  }
0x47: {  	_ =	shalt  }
0x48: {  	_ =	shalt  }
0x49: {  	_ =	shalt  }
0x4a: {  	_ =	shalt  }
0x4b: {  	_ =	shalt  }
0x4c: {  	_ =	shalt  }
0x4d: {  	_ =	shalt  }
0x4e: {  	_ =	shalt  }
0x4f: {  	_ =	shalt  }
0x50: {  	_ =	shalt  }
0x51: {  	_ =	shalt  }
0x52: {  	_ =	shalt  }
0x53: {  	_ =	shalt  }
0x54: {  	_ =	shalt  }
0x55: {  	_ =	shalt  }
0x56: {  	_ =	shalt  }
0x57: {  	_ =	shalt  }
0x58: {  	_ =	shalt  }
0x59: {  	_ =	shalt  }
0x5a: {  	_ =	shalt  }
0x5b: {  	_ =	shalt  }
0x5c: {  	_ =	shalt  }
0x5d: {  	_ =	shalt  }
0x5e: {  	_ =	shalt  }
0x5f: {  	_ =	shalt  }
0x60: {  	_ =	shalt  }
0x61: {  	_ =	shalt  }
0x62: {  	_ =	shalt  }
0x63: {  	_ =	shalt  }
0x64: {  	_ =	shalt  }
0x65: {  	_ =	shalt  }
0x66: {  	_ =	shalt  }
0x67: {  	_ =	shalt  }
0x68: {  	_ =	shalt  }
0x69: {  	_ =	shalt  }
0x6a: {  	_ =	shalt  }
0x6b: {  	_ =	shalt  }
0x6c: {  	_ =	shalt  }
0x6d: {  	_ =	shalt  }
0x6e: {  	_ =	shalt  }
0x6f: {  	_ =	shalt  }
0x70: {  	_ =	shalt  }
0x71: {  	_ =	shalt  }
0x72: {  	_ =	shalt  }
0x73: {  	_ =	shalt  }
0x74: {  	_ =	shalt  }
0x75: {  	_ =	shalt  }
0x76: {  	_ =	shalt  }
0x77: {  	_ =	shalt  }
0x78: {  	_ =	shalt  }
0x79: {  	_ =	shalt  }
0x7a: {  	_ =	shalt  }
0x7b: {  	_ =	shalt  }
0x7c: {  	_ =	shalt  }
0x7d: {  	_ =	shalt  }
0x7e: {  	_ =	shalt  }
0x7f: {  	_ =	shalt  }
0x80: {  	_ =	shalt  }
0x81: {  	_ =	shalt  }
0x82: {  	_ =	shalt  }
0x83: {  	_ =	shalt  }
0x84: {  	_ =	shalt  }
0x85: {  	_ =	shalt  }
0x86: {  	_ =	shalt  }
0x87: {  	_ =	shalt  }
.Lfunc_end0:
.L_simem_size_0:
called_computation_lowered:
.L_overlay_start_0:
0x88: {  	s2 =	sld [smem:$0x3FD9]  }
0x89: {  	s3 =	sld [smem:$0x3FFE];
	_ =	sdelay $0x1  }
0x8a: {  	s1 =	srdreg.scid  }
0x8b: {  	s0 =	sand.u32 $0x1, s1  }
0x8c: {  	s16 =	sshll.u32 s0, $0xA;
	s2 =	sadd.s32 s3, s2  }
0x8d: {  	s2 =	sadd.s32 s2, s16  }
0x8e: {  	[smem:$0x3FBD] =	sst s2  }
0x8f: {  	_ = 	snop  }
0x90: {  	(tm) =	ssettm $0x1  }
0x91: {  	s17 =	sld [smem:$0x3FFB];
	_ =	sdelay $0x3  }
0x92: {  	_ =	strace s17  }
0x93: {  	s2 =	sld [smem:$0x3FFC];
	_ =	sdelay $0x3  }
0x94: {  	_ =	strace s2  }
0x95: {  	s2 =	sld [smem:$0x3FFD];
	_ =	sdelay $0x3  }
0x96: {  	_ =	strace s2  }
0x97: {  	_ =	strace $0x8FFFFFFF  }
0x98: {  	s18 =	sld [smem:$0x3FDB];
	_ =	sdelay $0x1  }
0x99: {  	s19 =	simm.s32 $_scs_section_size  }
0x9a: {  	s4 =	simm.s32 $_size__tile_overlayer_lowered;
	s5 =	simm.s32 $_tile_overlayer_lowered  }
0x9b: {  	s22 =	simm.s32 $0x1BFF;
	s21 =	sshll.u32 s5, $0x1;
	s2 =	sadd.s32 s19, s18  }
0x9c: {  	s6 =	simm.s32 $0x0;
	s20 =	sshll.u32 s4, $0x1;
	s4 =	sadd.s32 s21, s2  }
0x9d: {  	[timem:s6], [sflag:s22] =	dma.local [hbm:s4], s20  }
0x9e: {  	_ =	swait.ge [sflag:s22], s20  }
0x9f: {  	s3 =	ssub.s32 $0x0, s20;
	[sflag:s22] =	ssyncset.done $0x0  }
0xa0: {  	[sflag:s22] =	ssyncadd.s32 s3;
	_ =	sdelay $0x1  }
0xa1: {  	s23 =	simm.s32 $0x1B8B  }
0xa2: {  	_ =	swait.ge [sflag:s23], $0x1  }
0xa3: {  	[sflag:s23] =	ssyncset.done $0x0  }
0xa4: {  	s25 =	simm.s32 $0x1B8E;
	s24 =	sld [smem:$0x3FFE];
	[sflag:s23] =	ssyncadd.s32 $0xFFFFFFFF  }
0xa5: {  	s26 =	simm.s32 $execute0_lowered;
	[smem:$0x3FD2] =	sst s25  }
0xa6: {  	s4 =	sshll.u32 s26, $0x1;
	_ =	strace $0x80000046;
	[dreg:$0x1] =	wrdreg $0xFFFFFFFF  }
0xa7: {  	s28 =	simm.s32 $_size_execute0_lowered;
	s2 =	sadd.s32 s2, s4;
	[dreg:$0x0] =	wrdreg $0x0  }
0xa8: {  	s4 =	sshll.u32 s28, $0x1;
	[dreg:$0x2] =	wrdreg s2  }
0xa9: {  	[dreg:$0x3] =	wrdreg s4  }
0xaa: {  	[dreg:$0x4] =	wrdreg $0xC0  }
0xab: {  	_ =	task [dreg:s6], $0x5FFFF  }
0xac: {  	[dreg:$0x1] =	wrdreg $0xFFFFFFFF  }
0xad: {  	[dreg:$0x0] =	wrdreg $0x60  }
0xae: {  	[dreg:$0x2] =	wrdreg s24  }
0xaf: {  	[dreg:$0x3] =	wrdreg $0x1C000  }
0xb0: {  	[dreg:$0x4] =	wrdreg $0x9  }
0xb1: {  	_ =	task.clear_ibuf [dreg:s6], $0x5FFFF;
	_ =	strace $0x90000046  }
0xb2: {  	s29 =	simm.s32 $0x9;
	_ =	strace $0x80000048  }
0xb3: {  	_ =	swait.ge [sflag:s29], $0x1  }
0xb4: {  	[sflag:s29] =	ssyncadd.s32 $0xFFFFFFFF  }
0xb5: {  	_ =	strace $0x90000048  }
0xb6: {  	_ =	sfence  }
0xb7: {  	s30 =	sld [smem:$0x0];
	_ =	sdelay $0x2  }
0xb8: {  	s31 =	sshll.u32 s1, $0xD;
	s1 =	sshrl.u32 s1, $0x2  }
0xb9: {  	s3 =	sand.u32 $0x4000, s31;
	s1 =	sadd.s32 s1, s30  }
0xba: {  	s0 =	sor.u32 s3, s0;
	s1 =	sshll.u32 s1, $0x11  }
0xbb: {  	s0 =	sor.u32 s1, s0  }
0xbc: {  	s0 =	sadd.s32 $0x8F2B, s0  }
0xbd: {  	[sflag:s0] =	ssyncadd.remote.s32 $0x1  }
0xbe: {  	_ =	sfence.sel $0xFFFF  }
0xbf: {  	[dreg:$0x0] =	wrdreg $0xFFFFFFFF;
	(pc) =	sbr.abs _section_cstart, $3  }
0xc0: {  	[dreg:$0x1] =	wrdreg $0xFFFFFFFF  }
0xc1: {  	_ =	task.clear_ibuf [dreg:s6], $0x2FFFF;
	_ =	strace $0x9FFFFFFF  }
0xc2: {  	(tm) =	ssettm $0x7FFFFFFF  }
0xc3: {  	_ =	shalt  }
tec
execute0_lowered:
.L_overlay_start_1:
0x0: {  	(tag) =	ssettag $0x1  }
0x1: {  	s6 =	rddreg [dreg:$0x0]  }
0x2: {  	s1 =	rddreg [dreg:$0x1];
	s2 =	srdreg.scid  }
0x3: {  	s0 =	rddreg [dreg:$0x2];
	s3 =	simm.s32 $0x0;
	s7 =	sand.u32 $0x1, s2  }
0x4: {  	s12 =	simm.s32 $0x800;
	s2 =	stileid.u32;
	s5 =	smul.u32 $0x14000, s7  }
0x5: {  	s13 =	simm.s32 $0x80;
	s14 =	simm.s32 $0x0;
	s8 =	smul.u32 $0x1400, s2  }
0x6: {  	[smem:$0x7FF] =	sst s3;
	s4 =	sadd.s32 $0x8600, s6;
	s9 =	smul.u32 $0x500, s2  }
0x7: {  	_ =	strace $0x80000047;
	s10 =	smul.u32 $0x5000, s7;
	s7 =	ssub.s32 $0x2, s7  }
0x8: {  	s11 =	smul.u32 $0xA000, s2;
	s31 =	sshll.u32 s2, $0x6;
	s28 =	sshrl.u32 s7, $0x1  }
0x9: {  	s8 =	sadd.s32 s8, s5;
	s5 =	sadd.s32 $0x3400, s6;
	s9 =	sadd.s32 s9, s10  }
0xa: {  	s29 =	sshrl.u32 s11, $0x2;
	s30 =	ssub.s32 s7, s28;
	s11 =	simm.s32 $0x1  }
0xb: {  	s8 =	sshrl.u32 s8, $0x3;
	s9 =	sadd.s32 s9, s6;
	s10 =	sadd.s32 s29, s1  }
0xc: {  	s8 =	sadd.s32 s8, s6;
	s6 =	sor.u32 $0x1C01, s31;
	s10 =	sshrl.u32 s10, $0x3  }
0xd: {  	s7 =	sadd.s32 $0x3600, s8;
	s8 =	sadd.s32 $0x8C00, s9;
	s9 =	smax.u32 s30, $0x1  }
.LBB2_1:
0xe: {  	[spmem:s10], [sflag:s6] =	dma.local [hbm:s4], $0x500  }
0xf: {  	_ =	swait.ge [sflag:s11], $0x500  }
0x10: {  	[sflag:s11] =	ssyncset.done $0x0  }
0x11: {  	[sflag:s11] =	ssyncadd.s32 $0xFFFFFB00  }
0x12: {  	[tilespmem:s3], [sflag:$0x1] =	stream.linear.gather [hbm4b:s5+s3], $0x800, $0x38;
	[tilespmem:$0x4400] =	vst v63  }
0x13: {  	_ =	swait.ge [sflag:s11], $0x800  }
0x14: {  	[sflag:s11] =	ssyncset.done $0x0  }
0x15: {  	[sflag:s11] =	ssyncadd.s32 $0xFFFFF800  }
0x16: {  	[tilespmem:s12], [sflag:$0x1] =	stream.linear.gather [hbm4b:s7+s3], $0x1400, $0x38;
	[tilespmem:$0x4400] =	vst v63  }
0x17: {  	_ =	swait.ge [sflag:s11], $0x1400  }
0x18: {  	[sflag:s11] =	ssyncset.done $0x0  }
0x19: {  	[sflag:s11] =	ssyncadd.s32 $0xFFFFEC00  }
0x1a: {  	s15 =	simm.s32 $0x800;
	[bflag:$0x0] =	sbarrier.arrive $0xFFFF  }
0x1b: {  	[spmem:s1] =	stream.indirect.scatter.add.f32 [tilespmem:s3], [sflag:$0x1], $0x10, s15, s13, $0xb8;
	[tilespmem:$0x4400] =	vst v63  }
0x1c: {  	s15 =	simm.s32 $0x200;
	_ =	swait.ge [sflag:s11], $0x800  }
.LBB2_2:
0x1d: {  	s16 =	sshra.s32 s15, $0x2;
	[sflag:s11] =	ssyncset.done $0x0;
	p0 =	sne.s32 s15, $0x4E00  }
.Ltmp0:
0x1e: {  	s16 =	sadd.s32 $0x800, s16;
	[sflag:s11] =	ssyncadd.s32 $0xFFFFF800;
	(pc) =	sbr.rel @p0 .LBB2_2-.Ltmp0, $3  }
0x1f: {  	[spmem:s1] =	stream.indirect.scatter.add.f32 [tilespmem:s3], [sflag:$0x1], $0x10, s16, s13, $0xb8;
	[tilespmem:$0x4400] =	vst v63  }
0x20: {  	s15 =	sadd.s32 $0x200, s15;
	_ =	sdelay $0x1  }
0x21: {  	_ =	swait.ge [sflag:s11], $0x800  }
0x22: {  	[sflag:s11] =	ssyncset.done $0x0;
	s14 =	sadd.s32 $0x1, s14  }
0x23: {  	[sflag:s11] =	ssyncadd.s32 $0xFFFFF800;
	p0 =	sne.s32 s14, s9  }
.Ltmp1:
0x24: {  	[bflag:$0x0] =	sbarrier.arrive $0xFFFF;
	(pc) =	sbr.rel @p0 .LBB2_1-.Ltmp1, $4  }
0x25: {  	[hbm:s8], [sflag:s6] =	dma.local [spmem:s10], $0x500  }
0x26: {  	_ =	swait.ge [sflag:s11], $0x500  }
0x27: {  	[sflag:s11] =	ssyncset.done $0x0  }
0x28: {  	[sflag:s11] =	ssyncadd.s32 $0xFFFFFB00  }
0x29: {  	_ =	sfence.sel $0x180000  }
0x2a: {  	[bflag:$0x0] =	sbarrier.arrive $0xFFFF  }
0x2b: {  	p0 =	sne.s32 s2, $0x0;
	_ =	strace $0x90000047  }
0x2c: {  	s0 =	sadd.s32 @!p0 $0x100000, s0;
	[bflag:$0x2] =	sbarrier.arrive $0xFFFF  }
0x2d: {  	[sflag:s0] =	ssyncadd.tile.s32 @!p0 $0x1;
	_ =	shalt  }
.Lfunc_end2:
_tile_overlayer_lowered:
.L_overlay_start_2:
0x2e: {  	(tag) =	ssettag $0x2  }
0x2f: {  	s0 =	rddreg [dreg:$0x0];
	s2 =	stileid.u32  }
0x30: {  	s1 =	rddreg [dreg:$0x1];
	p0 =	sne.s32 s2, $0x0  }
0x31: {  	s3 =	rddreg [dreg:$0x2];
	[bflag:$0x3] =	sbarrier.arrive $0xFFFF;
	s2 =	simm.s32 @!p0 $0x1C01  }
0x32: {  	[timem:s3], [sflag:s2] =	dma.local @!p0 [hbm:s0], s1  }
0x33: {  	s0 =	simm.s32 @!p0 $0x1  }
0x34: {  	_ =	swait.ge @!p0 [sflag:s0], s1  }
0x35: {  	s1 =	ssub.s32 @!p0 $0x0, s1;
	[sflag:s0] =	ssyncset.done @!p0 $0x0  }
0x36: {  	[sflag:s0] =	ssyncadd.s32 @!p0 s1  }
0x37: {  	[bflag:$0x3] =	sbarrier.arrive $0xFFFF  }
0x38: {  	_ =	shalt  }

// kernel: kernel.15.cloned.1.call-start
scs
__scs_entry_jumppad:
0x0: {  	(pc) =	sbr.rel $0x88, $3  }
0x1: {  	(tag) =	ssettag $0x0;
	lr =	simm.s32 $0x1  }
0x2: {  	[smem:$0x3F96] =	sst lr;
	_ =	strace $0xD0000000  }
0x3: {  	_ = 	snop  }
0x4: {  	_ = 	snop  }
0x5: {  	_ = 	snop  }
0x6: {  	_ = 	snop  }
0x7: {  	_ = 	snop  }
__scs_overlays_trampoline_lowered:
0x8: {  	[smem:$0x3FA5] =	sst s0  }
0x9: {  	[smem:$0x3FA6] =	sst s1  }
0xa: {  	[smem:$0x3FA7] =	sst s2  }
0xb: {  	[smem:$0x3FA8] =	sst s3  }
0xc: {  	[smem:$0x3FA9] =	sst s4  }
0xd: {  	[smem:$0x3FAA] =	sst s5  }
0xe: {  	[smem:$0x3FAB] =	sst s6  }
0xf: {  	[smem:$0x3FAC] =	sst s7  }
0x10: {  	[smem:$0x3FAD] =	sst s8  }
0x11: {  	[smem:$0x3FAE] =	sst s9;
	s0 =	simm.s32 @!p0 $0x0  }
0x12: {  	s1 =	sld [smem:$0x3F94];
	s0 =	simm.s32 @p0 $0x1  }
0x13: {  	[smem:$0x3FAF] =	sst s0;
	s0 =	simm.s32 @!p1 $0x0  }
0x14: {  	s2 =	sld [smem:$0x3F93];
	s0 =	simm.s32 @p1 $0x1  }
0x15: {  	[smem:$0x3FB0] =	sst s0;
	s0 =	simm.s32 @!p2 $0x0  }
0x16: {  	s3 =	sld [smem:$0x3FDB];
	s0 =	simm.s32 @p2 $0x1  }
0x17: {  	s4 =	simm.s32 $0x1BF5;
	[smem:$0x3FB2] =	sst s0  }
0x18: {  	s0 =	sld [smem:$0x3F95];
	_ =	swait.ge [sflag:s4], $0x0  }
0x19: {  	s7 =	sld [smem:$0x3F96]  }
0x1a: {  	s8 =	sadd.s32 $0xFFFFE003, lr  }
0x1b: {  	s9 =	sadd.s32 $0xFFFFFEF7, lr;
	s5 =	simm.s32 $0xFFFFFFFF;
	p2 =	slt.u32 s8, $0xFFFFF086  }
0x1c: {  	p1 =	slt.u32 s9, $0xF7A;
	s5 =	simm.s32 @!p2 $0x0  }
0x1d: {  	s5 =	simm.s32 @p1 $0x1;
	p0 =	seq.s32 s7, s2  }
0x1e: {  	s7 =	smul.u32 @!p0 $0xF7A, s2;
	p2 =	seq.s32 @!p0 s5, $0x0  }
0x1f: {  	s9 =	smul.u32 $0xF7A, s1;
	s8 =	simm.s32 @!p0 $0x1BF5;
	p2 =	por !p2, p0  }
0x20: {  	[sflag:s8] =	ssyncset.s32 @!p0 $0xFFFFF086;
	s6 =	sadd.s32 @!p0 s3, s7;
	s7 =	simm.s32 @!p0 $0x108  }
0x21: {  	s3 =	sadd.s32 s3, s9;
	s6 =	sadd.s32 @!p0 $0x88, s6;
	s7 =	simm.s32 @p2 $0x1082  }
0x22: {  	[simem:s7], [sflag:s8] =	dma.local @!p0 [hbm:s6], $0xF7A  }
0x23: {  	s9 =	sor.u32 $0xD0000000, s2;
	s6 =	simm.s32 $0x108;
	_ =	swait.ge @!p0 [sflag:s8], $0x0  }
0x24: {  	s3 =	sadd.s32 $0x88, s3;
	s6 =	simm.s32 @!p1 $0x1082;
	[sflag:s4] =	ssyncset.s32 $0xFFFFF086  }
0x25: {  	[simem:s6], [sflag:s4] =	dma.local [hbm:s3], $0xF7A  }
0x26: {  	[smem:$0x3F96] =	sst s1;
	(tag) =	ssettag s2;
	_ =	strace s9  }
0x27: {  	s1 =	sld [smem:$0x3FA6]  }
0x28: {  	s2 =	sld [smem:$0x3FA7]  }
0x29: {  	s4 =	sld [smem:$0x3FA9]  }
0x2a: {  	p0 =	seq.s32 s5, $0x0;
	s5 =	sld [smem:$0x3FAA]  }
0x2b: {  	s6 =	sld [smem:$0x3FAB]  }
0x2c: {  	s7 =	sld [smem:$0x3FAC]  }
0x2d: {  	s3 =	simm.s32 $0x108;
	s8 =	sld [smem:$0x3FAD]  }
0x2e: {  	s3 =	simm.s32 @!p0 $0x1082;
	s9 =	sld [smem:$0x3FAE]  }
0x2f: {  	lr =	sadd.s32 s0, s3;
	s0 =	sld [smem:$0x3FA5]  }
0x30: {  	s3 =	sld [smem:$0x3FA8]  }
0x31: {  	[smem:$0x3FB1] =	sst s10  }
0x32: {  	s10 =	sld [smem:$0x3FAF];
	_ =	sdelay $0x3  }
0x33: {  	p0 =	seq.s32 s10, $0x1;
	s10 =	sld [smem:$0x3FB1];
	_ =	sdelay $0x3  }
0x34: {  	[smem:$0x3FB1] =	sst s10  }
0x35: {  	s10 =	sld [smem:$0x3FB0];
	_ =	sdelay $0x3  }
0x36: {  	p1 =	seq.s32 s10, $0x1;
	s10 =	sld [smem:$0x3FB1];
	_ =	sdelay $0x3  }
0x37: {  	[smem:$0x3FB1] =	sst s10  }
0x38: {  	s10 =	sld [smem:$0x3FB2]  }
0x39: {  	_ = 	snop;
	(pc) =	sbr.ind lr, $3  }
0x3a: {  	_ = 	snop  }
0x3b: {  	_ = 	snop  }
0x3c: {  	p2 =	seq.s32 s10, $0x1;
	s10 =	sld [smem:$0x3FB1]  }
0x3d: {  	_ =	shalt  }
0x3e: {  	_ =	shalt  }
0x3f: {  	_ =	shalt  }
0x40: {  	_ =	shalt  }
0x41: {  	_ =	shalt  }
0x42: {  	_ =	shalt  }
0x43: {  	_ =	shalt  }
0x44: {  	_ =	shalt  }
0x45: {  	_ =	shalt  }
0x46: {  	_ =	shalt  }
0x47: {  	_ =	shalt  }
0x48: {  	_ =	shalt  }
0x49: {  	_ =	shalt  }
0x4a: {  	_ =	shalt  }
0x4b: {  	_ =	shalt  }
0x4c: {  	_ =	shalt  }
0x4d: {  	_ =	shalt  }
0x4e: {  	_ =	shalt  }
0x4f: {  	_ =	shalt  }
0x50: {  	_ =	shalt  }
0x51: {  	_ =	shalt  }
0x52: {  	_ =	shalt  }
0x53: {  	_ =	shalt  }
0x54: {  	_ =	shalt  }
0x55: {  	_ =	shalt  }
0x56: {  	_ =	shalt  }
0x57: {  	_ =	shalt  }
0x58: {  	_ =	shalt  }
0x59: {  	_ =	shalt  }
0x5a: {  	_ =	shalt  }
0x5b: {  	_ =	shalt  }
0x5c: {  	_ =	shalt  }
0x5d: {  	_ =	shalt  }
0x5e: {  	_ =	shalt  }
0x5f: {  	_ =	shalt  }
0x60: {  	_ =	shalt  }
0x61: {  	_ =	shalt  }
0x62: {  	_ =	shalt  }
0x63: {  	_ =	shalt  }
0x64: {  	_ =	shalt  }
0x65: {  	_ =	shalt  }
0x66: {  	_ =	shalt  }
0x67: {  	_ =	shalt  }
0x68: {  	_ =	shalt  }
0x69: {  	_ =	shalt  }
0x6a: {  	_ =	shalt  }
0x6b: {  	_ =	shalt  }
0x6c: {  	_ =	shalt  }
0x6d: {  	_ =	shalt  }
0x6e: {  	_ =	shalt  }
0x6f: {  	_ =	shalt  }
0x70: {  	_ =	shalt  }
0x71: {  	_ =	shalt  }
0x72: {  	_ =	shalt  }
0x73: {  	_ =	shalt  }
0x74: {  	_ =	shalt  }
0x75: {  	_ =	shalt  }
0x76: {  	_ =	shalt  }
0x77: {  	_ =	shalt  }
0x78: {  	_ =	shalt  }
0x79: {  	_ =	shalt  }
0x7a: {  	_ =	shalt  }
0x7b: {  	_ =	shalt  }
0x7c: {  	_ =	shalt  }
0x7d: {  	_ =	shalt  }
0x7e: {  	_ =	shalt  }
0x7f: {  	_ =	shalt  }
0x80: {  	_ =	shalt  }
0x81: {  	_ =	shalt  }
0x82: {  	_ =	shalt  }
0x83: {  	_ =	shalt  }
0x84: {  	_ =	shalt  }
0x85: {  	_ =	shalt  }
0x86: {  	_ =	shalt  }
0x87: {  	_ =	shalt  }
.Lfunc_end0:
.L_simem_size_0:
called_computation.1_lowered:
.L_overlay_start_0:
0x88: {  	s2 =	sld [smem:$0x3FD9]  }
0x89: {  	s3 =	sld [smem:$0x3FFE];
	_ =	sdelay $0x1  }
0x8a: {  	s1 =	srdreg.scid  }
0x8b: {  	s0 =	sand.u32 $0x1, s1  }
0x8c: {  	s17 =	sshll.u32 s0, $0xA;
	s2 =	sadd.s32 s3, s2  }
0x8d: {  	s2 =	sadd.s32 s2, s17  }
0x8e: {  	[smem:$0x3FBD] =	sst s2  }
0x8f: {  	_ = 	snop  }
0x90: {  	(tm) =	ssettm $0x1  }
0x91: {  	s18 =	sld [smem:$0x3FFB];
	_ =	sdelay $0x3  }
0x92: {  	_ =	strace s18  }
0x93: {  	s2 =	sld [smem:$0x3FFC];
	_ =	sdelay $0x3  }
0x94: {  	_ =	strace s2  }
0x95: {  	s2 =	sld [smem:$0x3FFD];
	_ =	sdelay $0x3  }
0x96: {  	_ =	strace s2  }
0x97: {  	_ =	strace $0x8FFFFFFF  }
0x98: {  	s19 =	sld [smem:$0x3FDB];
	_ =	sdelay $0x1  }
0x99: {  	s20 =	simm.s32 $_scs_section_size  }
0x9a: {  	s4 =	simm.s32 $_size__tile_overlayer_lowered;
	s5 =	simm.s32 $_tile_overlayer_lowered  }
0x9b: {  	s6 =	simm.s32 $0x1BFF;
	s21 =	sshll.u32 s5, $0x1;
	s3 =	sadd.s32 s20, s19  }
0x9c: {  	s22 =	simm.s32 $0x0;
	s4 =	sshll.u32 s4, $0x1;
	s5 =	sadd.s32 s21, s3  }
0x9d: {  	[timem:s22], [sflag:s6] =	dma.local [hbm:s5], s4  }
0x9e: {  	_ =	swait.ge [sflag:s6], s4  }
0x9f: {  	s4 =	ssub.s32 $0x0, s4;
	[sflag:s6] =	ssyncset.done $0x0  }
0xa0: {  	[sflag:s6] =	ssyncadd.s32 s4;
	_ =	sdelay $0x1  }
0xa1: {  	s23 =	simm.s32 $0x1B8B  }
0xa2: {  	_ =	swait.ge [sflag:s23], $0x1  }
0xa3: {  	[sflag:s23] =	ssyncset.done $0x0  }
0xa4: {  	[sflag:s23] =	ssyncadd.s32 $0xFFFFFFFF  }
0xa5: {  	s4 =	sld [smem:$0x0]  }
0xa6: {  	s5 =	sand.u32 $0xFFFFFFFE, s1  }
0xa7: {  	p0 =	sne.s32 s1, s5  }
0xa8: {  	s5 =	sshll.u32 @p0 s5, $0xE  }
0xa9: {  	s5 =	sadd.s32 @p0 $0x11B8D, s5;
	s6 =	sshll.u32 @p0 s4, $0x11  }
0xaa: {  	s5 =	sor.u32 @p0 s6, s5  }
0xab: {  	[sflag:s5] =	ssyncadd.remote.s32 @p0 $0x1;
	_ =	sdelay $0x1  }
0xac: {  	s5 =	simm.s32 @p0 $0x1B8D  }
0xad: {  	_ =	swait.eq @p0 [sflag:s5], $0x1  }
0xae: {  	[sflag:s5] =	ssyncadd.s32 @p0 $0xFFFFFFFF  }
0xaf: {  	s6 =	sshll.u32 @!p0 s1, $0xE  }
0xb0: {  	s6 =	sor.u32 @!p0 $0x4000, s6;
	s5 =	simm.s32 @!p0 $0x1B8D  }
0xb1: {  	s4 =	sshll.u32 @!p0 s4, $0x11;
	s6 =	sadd.s32 @!p0 $0x11B8D, s6;
	_ =	swait.eq @!p0 [sflag:s5], $0x1  }
0xb2: {  	s4 =	sor.u32 @!p0 s4, s6;
	[sflag:s5] =	ssyncadd.s32 @!p0 $0xFFFFFFFF  }
0xb3: {  	s25 =	simm.s32 $0x1B8E;
	s24 =	sld [smem:$0x3FFE];
	[sflag:s4] =	ssyncadd.remote.s32 @!p0 $0x1  }
0xb4: {  	s26 =	simm.s32 $execute0_lowered;
	[smem:$0x3FD2] =	sst s25  }
0xb5: {  	s5 =	sshll.u32 s26, $0x1;
	_ =	strace $0x8000004C;
	[dreg:$0x1] =	wrdreg $0xFFFFFFFF  }
0xb6: {  	s28 =	simm.s32 $_size_execute0_lowered;
	s3 =	sadd.s32 s3, s5;
	[dreg:$0x0] =	wrdreg $0x0  }
0xb7: {  	s5 =	sshll.u32 s28, $0x1;
	[dreg:$0x2] =	wrdreg s3  }
0xb8: {  	[dreg:$0x3] =	wrdreg s5  }
0xb9: {  	[dreg:$0x4] =	wrdreg $0xC0  }
0xba: {  	_ =	task [dreg:s22], $0x5FFFF  }
0xbb: {  	[dreg:$0x1] =	wrdreg $0xFFFFFFFF  }
0xbc: {  	[dreg:$0x0] =	wrdreg $0x60  }
0xbd: {  	[dreg:$0x2] =	wrdreg s24  }
0xbe: {  	[dreg:$0x3] =	wrdreg $0x110000  }
0xbf: {  	[dreg:$0x4] =	wrdreg $0x9  }
0xc0: {  	_ =	task.clear_ibuf [dreg:s22], $0x5FFFF;
	_ =	strace $0x9000004C  }
0xc1: {  	s29 =	simm.s32 $0x9;
	_ =	strace $0x8000004E  }
0xc2: {  	_ =	swait.ge [sflag:s29], $0x1  }
0xc3: {  	[sflag:s29] =	ssyncadd.s32 $0xFFFFFFFF  }
0xc4: {  	_ =	strace $0x9000004E  }
0xc5: {  	_ =	sfence  }
0xc6: {  	s30 =	sld [smem:$0x0];
	_ =	sdelay $0x2  }
0xc7: {  	s31 =	sshll.u32 s1, $0xD;
	s1 =	sshrl.u32 s1, $0x2  }
0xc8: {  	s4 =	sand.u32 $0x4000, s31;
	s1 =	sadd.s32 s1, s30  }
0xc9: {  	s0 =	sor.u32 s4, s0;
	s1 =	sshll.u32 s1, $0x11  }
0xca: {  	s0 =	sor.u32 s1, s0  }
0xcb: {  	s0 =	sadd.s32 $0x8F2B, s0  }
0xcc: {  	[sflag:s0] =	ssyncadd.remote.s32 $0x1  }
0xcd: {  	_ =	sfence.sel $0xFFFF  }
0xce: {  	[dreg:$0x0] =	wrdreg $0xFFFFFFFF;
	(pc) =	sbr.abs _section_cstart, $3  }
0xcf: {  	[dreg:$0x1] =	wrdreg $0xFFFFFFFF  }
0xd0: {  	_ =	task.clear_ibuf [dreg:s22], $0x2FFFF;
	_ =	strace $0x9FFFFFFF  }
0xd1: {  	(tm) =	ssettm $0x7FFFFFFF  }
tec
execute0_lowered:
.L_overlay_start_1:
0x0: {  	(tag) =	ssettag $0x1  }
0x1: {  	s1 =	srdreg.scid;
	s5 =	rddreg [dreg:$0x0]  }
0x2: {  	s0 =	stileid.u32;
	s2 =	rddreg [dreg:$0x1];
	s3 =	simm.s32 $0x0  }
0x3: {  	s14 =	simm.s32 $0x80;
	s15 =	simm.s32 $0x5000;
	s16 =	simm.s32 $0x8000  }
0x4: {  	s17 =	simm.s32 $0xB000;
	s18 =	simm.s32 $0xE000;
	s19 =	simm.s32 $0x1  }
0x5: {  	s20 =	simm.s32 $0x2;
	s21 =	simm.s32 $0x3;
	s7 =	smul.u32 $0x2800, s0  }
0x6: {  	s22 =	simm.s32 $0x4;
	s23 =	simm.s32 $0x0;
	s10 =	smul.u32 $0x1E00, s0  }
0x7: {  	s6 =	sand.u32 $0x1, s1;
	s1 =	rddreg [dreg:$0x2];
	s11 =	smul.u32 $0x3C000, s0  }
0x8: {  	[smem:$0x7FF] =	sst s3;
	s31 =	sshll.u32 s0, $0x6;
	s4 =	smul.u32 $0x28000, s6  }
0x9: {  	_ =	strace $0x8000004D;
	s9 =	smul.u32 $0x1E000, s6;
	s6 =	ssub.s32 $0x2, s6  }
0xa: {  	s29 =	sshrl.u32 s6, $0x1;
	s30 =	sshrl.u32 s11, $0x2;
	s11 =	simm.s32 $0x5  }
0xb: {  	s4 =	sadd.s32 s7, s4;
	s7 =	sshrl.u32 s7, $0x3;
	s9 =	sadd.s32 s10, s9  }
0xc: {  	s10 =	ssub.s32 s6, s29;
	s13 =	sadd.s32 s30, s2;
	s8 =	sshrl.u32 s4, $0x3  }
0xd: {  	s4 =	sadd.s32 $0x8A600, s5;
	s7 =	sadd.s32 s7, s5;
	s12 =	sadd.s32 s9, s5  }
0xe: {  	s13 =	sshrl.u32 s13, $0x3;
	s8 =	sadd.s32 s8, s5;
	s5 =	sadd.s32 $0x3600, s7  }
0xf: {  	s6 =	sadd.s32 s4, s9;
	s9 =	smax.u32 s10, $0x1;
	s10 =	simm.s32 $0x2800  }
0x10: {  	s7 =	sadd.s32 $0x80600, s8;
	s8 =	sadd.s32 $0xC6600, s12;
	s12 =	sor.u32 $0x1C05, s31  }
.LBB2_1:
0x11: {  	[tilespmem:s10], [sflag:$0x5] =	stream.linear.gather [hbm4b:s5+s3], $0x2800, $0x38;
	v63 =	vld [tilespmem:$0x0]  }
0x12: {  	_ =	swait.ge [sflag:s11], $0x2800  }
0x13: {  	[sflag:s11] =	ssyncset.done $0x0  }
0x14: {  	[sflag:s11] =	ssyncadd.s32 $0xFFFFD800  }
0x15: {  	[spmem:s13], [sflag:s12] =	dma.local [hbm:s6], $0x1E00  }
0x16: {  	_ =	swait.ge [sflag:s11], $0x1E00  }
0x17: {  	[sflag:s11] =	ssyncset.done $0x0  }
0x18: {  	[sflag:s11] =	ssyncadd.s32 $0xFFFFE200  }
0x19: {  	[tilespmem:s3], [sflag:$0x5] =	stream.linear.gather [hbm4b:s7+s3], $0x2800, $0x38;
	v63 =	vld [tilespmem:$0x0]  }
0x1a: {  	_ =	swait.ge [sflag:s11], $0x2800  }
0x1b: {  	[sflag:s11] =	ssyncset.done $0x0  }
0x1c: {  	[sflag:s11] =	ssyncadd.s32 $0xFFFFD800  }
0x1d: {  	s24 =	simm.s32 $0x0;
	[bflag:$0x0] =	sbarrier.arrive $0xFFFF  }
0x1e: {  	[tilespmem:s15], [sflag:$0x1] =	stream.indirect.gather [hbm4b:s4+s14], $0x60, s24, s14, $0xb8;
	v63 =	vld [tilespmem:$0x0]  }
0x1f: {  	s30 =	simm.s32 $0x80  }
0x20: {  	[tilespmem:s16], [sflag:$0x2] =	stream.indirect.gather [hbm4b:s4+s14], $0x60, s30, s14, $0xb8;
	v63 =	vld [tilespmem:$0x0]  }
0x21: {  	s31 =	simm.s32 $0x100  }
0x22: {  	[tilespmem:s17], [sflag:$0x3] =	stream.indirect.gather [hbm4b:s4+s14], $0x60, s31, s14, $0xb8;
	v63 =	vld [tilespmem:$0x0]  }
0x23: {  	s25 =	simm.s32 $0x180  }
0x24: {  	[tilespmem:s18], [sflag:$0x4] =	stream.indirect.gather [hbm4b:s4+s14], $0x60, s25, s14, $0xb8;
	v63 =	vld [tilespmem:$0x0]  }
0x25: {  	_ =	swait.ge [sflag:s19], $0x3000  }
0x26: {  	[sflag:s19] =	ssyncset.done $0x0  }
0x27: {  	s26 =	simm.s32 $0x2800;
	[sflag:s19] =	ssyncadd.s32 $0xFFFFD000  }
0x28: {  	[spmem:s2] =	stream.indirect.scatter.add.f32 [tilespmem:s15], [sflag:$0x5], $0x60, s26, s14, $0xb8;
	v63 =	vld [tilespmem:$0x0]  }
0x29: {  	_ =	swait.ge [sflag:s11], $0x3000  }
0x2a: {  	[sflag:s11] =	ssyncset.done $0x0  }
0x2b: {  	[sflag:s11] =	ssyncadd.s32 $0xFFFFD000  }
0x2c: {  	_ =	swait.ge [sflag:s20], $0x3000  }
0x2d: {  	[sflag:s20] =	ssyncset.done $0x0  }
0x2e: {  	s29 =	simm.s32 $0x2880;
	[sflag:s20] =	ssyncadd.s32 $0xFFFFD000  }
0x2f: {  	[spmem:s2] =	stream.indirect.scatter.add.f32 [tilespmem:s16], [sflag:$0x5], $0x60, s29, s14, $0xb8;
	v63 =	vld [tilespmem:$0x0]  }
0x30: {  	_ =	swait.ge [sflag:s11], $0x3000  }
0x31: {  	[sflag:s11] =	ssyncset.done $0x0  }
0x32: {  	[sflag:s11] =	ssyncadd.s32 $0xFFFFD000  }
0x33: {  	_ =	swait.ge [sflag:s21], $0x3000  }
0x34: {  	[sflag:s21] =	ssyncset.done $0x0  }
0x35: {  	s30 =	simm.s32 $0x2900;
	[sflag:s21] =	ssyncadd.s32 $0xFFFFD000  }
0x36: {  	[spmem:s2] =	stream.indirect.scatter.add.f32 [tilespmem:s17], [sflag:$0x5], $0x60, s30, s14, $0xb8;
	v63 =	vld [tilespmem:$0x0]  }
0x37: {  	_ =	swait.ge [sflag:s11], $0x3000  }
0x38: {  	[sflag:s11] =	ssyncset.done $0x0  }
0x39: {  	[sflag:s11] =	ssyncadd.s32 $0xFFFFD000  }
0x3a: {  	_ =	swait.ge [sflag:s22], $0x3000  }
0x3b: {  	[sflag:s22] =	ssyncset.done $0x0  }
0x3c: {  	s31 =	simm.s32 $0x2980;
	[sflag:s22] =	ssyncadd.s32 $0xFFFFD000  }
0x3d: {  	[spmem:s2] =	stream.indirect.scatter.add.f32 [tilespmem:s18], [sflag:$0x5], $0x60, s31, s14, $0xb8;
	v63 =	vld [tilespmem:$0x0]  }
0x3e: {  	_ =	swait.ge [sflag:s11], $0x3000  }
0x3f: {  	s28 =	simm.s32 $0x1000;
	s24 =	simm.s32 $0x800;
	[sflag:s11] =	ssyncset.done $0x0  }
.LBB2_2:
0x40: {  	s26 =	sshra.s32 s24, $0x2  }
0x41: {  	[sflag:s11] =	ssyncadd.s32 $0xFFFFD000;
	s24 =	smov.u32 s28;
	s25 =	sadd.s32 $0x800, s28  }
0x42: {  	[tilespmem:s15], [sflag:$0x1] =	stream.indirect.gather [hbm4b:s4+s14], $0x60, s26, s14, $0xb8;
	v63 =	vld [tilespmem:$0x0]  }
0x43: {  	p0 =	sne.s32 s28, $0x9800;
	s28 =	sadd.s32 $0x80, s26  }
0x44: {  	[tilespmem:s16], [sflag:$0x2] =	stream.indirect.gather [hbm4b:s4+s14], $0x60, s28, s14, $0xb8;
	v63 =	vld [tilespmem:$0x0]  }
0x45: {  	s28 =	sadd.s32 $0x100, s26  }
0x46: {  	[tilespmem:s17], [sflag:$0x3] =	stream.indirect.gather [hbm4b:s4+s14], $0x60, s28, s14, $0xb8;
	v63 =	vld [tilespmem:$0x0]  }
0x47: {  	s28 =	sadd.s32 $0x180, s26  }
0x48: {  	[tilespmem:s18], [sflag:$0x4] =	stream.indirect.gather [hbm4b:s4+s14], $0x60, s28, s14, $0xb8;
	v63 =	vld [tilespmem:$0x0]  }
0x49: {  	_ =	swait.ge [sflag:s19], $0x3000  }
0x4a: {  	[sflag:s19] =	ssyncset.done $0x0  }
0x4b: {  	s28 =	sadd.s32 $0x2800, s26;
	[sflag:s19] =	ssyncadd.s32 $0xFFFFD000  }
0x4c: {  	[spmem:s2] =	stream.indirect.scatter.add.f32 [tilespmem:s15], [sflag:$0x5], $0x60, s28, s14, $0xb8;
	v63 =	vld [tilespmem:$0x0]  }
0x4d: {  	_ =	swait.ge [sflag:s11], $0x3000  }
0x4e: {  	[sflag:s11] =	ssyncset.done $0x0  }
0x4f: {  	[sflag:s11] =	ssyncadd.s32 $0xFFFFD000  }
0x50: {  	_ =	swait.ge [sflag:s20], $0x3000  }
0x51: {  	[sflag:s20] =	ssyncset.done $0x0  }
0x52: {  	s28 =	sadd.s32 $0x2880, s26;
	[sflag:s20] =	ssyncadd.s32 $0xFFFFD000  }
0x53: {  	[spmem:s2] =	stream.indirect.scatter.add.f32 [tilespmem:s16], [sflag:$0x5], $0x60, s28, s14, $0xb8;
	v63 =	vld [tilespmem:$0x0]  }
0x54: {  	_ =	swait.ge [sflag:s11], $0x3000  }
0x55: {  	[sflag:s11] =	ssyncset.done $0x0  }
0x56: {  	[sflag:s11] =	ssyncadd.s32 $0xFFFFD000  }
0x57: {  	_ =	swait.ge [sflag:s21], $0x3000  }
0x58: {  	[sflag:s21] =	ssyncset.done $0x0  }
0x59: {  	s28 =	sadd.s32 $0x2900, s26;
	[sflag:s21] =	ssyncadd.s32 $0xFFFFD000  }
0x5a: {  	[spmem:s2] =	stream.indirect.scatter.add.f32 [tilespmem:s17], [sflag:$0x5], $0x60, s28, s14, $0xb8;
	v63 =	vld [tilespmem:$0x0]  }
0x5b: {  	_ =	swait.ge [sflag:s11], $0x3000  }
0x5c: {  	[sflag:s11] =	ssyncset.done $0x0  }
0x5d: {  	[sflag:s11] =	ssyncadd.s32 $0xFFFFD000  }
0x5e: {  	_ =	swait.ge [sflag:s22], $0x3000  }
.Ltmp0:
0x5f: {  	[sflag:s22] =	ssyncset.done $0x0;
	(pc) =	sbr.rel @p0 .LBB2_2-.Ltmp0, $4  }
0x60: {  	s26 =	sadd.s32 $0x2980, s26;
	[sflag:s22] =	ssyncadd.s32 $0xFFFFD000  }
0x61: {  	[spmem:s2] =	stream.indirect.scatter.add.f32 [tilespmem:s18], [sflag:$0x5], $0x60, s26, s14, $0xb8;
	v63 =	vld [tilespmem:$0x0]  }
0x62: {  	_ =	swait.ge [sflag:s11], $0x3000  }
0x63: {  	s28 =	smov.u32 s25;
	[sflag:s11] =	ssyncset.done $0x0  }
0x64: {  	s24 =	sshra.s32 s24, $0x2;
	[sflag:s11] =	ssyncadd.s32 $0xFFFFD000  }
0x65: {  	[tilespmem:s15], [sflag:$0x1] =	stream.indirect.gather [hbm4b:s4+s14], $0x60, s24, s14, $0xb8;
	v63 =	vld [tilespmem:$0x0]  }
0x66: {  	s25 =	sadd.s32 $0x80, s24  }
0x67: {  	[tilespmem:s16], [sflag:$0x2] =	stream.indirect.gather [hbm4b:s4+s14], $0x60, s25, s14, $0xb8;
	v63 =	vld [tilespmem:$0x0]  }
0x68: {  	s26 =	sadd.s32 $0x100, s24  }
0x69: {  	[tilespmem:s17], [sflag:$0x3] =	stream.indirect.gather [hbm4b:s4+s14], $0x60, s26, s14, $0xb8;
	v63 =	vld [tilespmem:$0x0]  }
0x6a: {  	s28 =	sadd.s32 $0x180, s24  }
0x6b: {  	[tilespmem:s18], [sflag:$0x4] =	stream.indirect.gather [hbm4b:s4+s14], $0x60, s28, s14, $0xb8;
	v63 =	vld [tilespmem:$0x0]  }
0x6c: {  	_ =	swait.ge [sflag:s19], $0x3000  }
0x6d: {  	[sflag:s19] =	ssyncset.done $0x0  }
0x6e: {  	s29 =	sadd.s32 $0x2800, s24;
	[sflag:s19] =	ssyncadd.s32 $0xFFFFD000  }
0x6f: {  	[spmem:s2] =	stream.indirect.scatter.add.f32 [tilespmem:s15], [sflag:$0x5], $0x60, s29, s14, $0xb8;
	v63 =	vld [tilespmem:$0x0]  }
0x70: {  	_ =	swait.ge [sflag:s11], $0x3000  }
0x71: {  	[sflag:s11] =	ssyncset.done $0x0  }
0x72: {  	[sflag:s11] =	ssyncadd.s32 $0xFFFFD000  }
0x73: {  	_ =	swait.ge [sflag:s20], $0x3000  }
0x74: {  	[sflag:s20] =	ssyncset.done $0x0  }
0x75: {  	s30 =	sadd.s32 $0x2880, s24;
	[sflag:s20] =	ssyncadd.s32 $0xFFFFD000  }
0x76: {  	[spmem:s2] =	stream.indirect.scatter.add.f32 [tilespmem:s16], [sflag:$0x5], $0x60, s30, s14, $0xb8;
	v63 =	vld [tilespmem:$0x0]  }
0x77: {  	_ =	swait.ge [sflag:s11], $0x3000  }
0x78: {  	[sflag:s11] =	ssyncset.done $0x0  }
0x79: {  	[sflag:s11] =	ssyncadd.s32 $0xFFFFD000  }
0x7a: {  	_ =	swait.ge [sflag:s21], $0x3000  }
0x7b: {  	[sflag:s21] =	ssyncset.done $0x0  }
0x7c: {  	s31 =	sadd.s32 $0x2900, s24;
	[sflag:s21] =	ssyncadd.s32 $0xFFFFD000  }
0x7d: {  	[spmem:s2] =	stream.indirect.scatter.add.f32 [tilespmem:s17], [sflag:$0x5], $0x60, s31, s14, $0xb8;
	v63 =	vld [tilespmem:$0x0]  }
0x7e: {  	_ =	swait.ge [sflag:s11], $0x3000  }
0x7f: {  	[sflag:s11] =	ssyncset.done $0x0  }
0x80: {  	[sflag:s11] =	ssyncadd.s32 $0xFFFFD000  }
0x81: {  	_ =	swait.ge [sflag:s22], $0x3000  }
0x82: {  	[sflag:s22] =	ssyncset.done $0x0  }
0x83: {  	s24 =	sadd.s32 $0x2980, s24;
	[sflag:s22] =	ssyncadd.s32 $0xFFFFD000  }
0x84: {  	[spmem:s2] =	stream.indirect.scatter.add.f32 [tilespmem:s18], [sflag:$0x5], $0x60, s24, s14, $0xb8;
	v63 =	vld [tilespmem:$0x0]  }
0x85: {  	_ =	swait.ge [sflag:s11], $0x3000  }
0x86: {  	s23 =	sadd.s32 $0x1, s23;
	[sflag:s11] =	ssyncset.done $0x0  }
0x87: {  	p0 =	sne.s32 s23, s9;
	[sflag:s11] =	ssyncadd.s32 $0xFFFFD000  }
.Ltmp1:
0x88: {  	[bflag:$0x0] =	sbarrier.arrive $0xFFFF;
	(pc) =	sbr.rel @p0 .LBB2_1-.Ltmp1, $4  }
0x89: {  	[hbm:s8], [sflag:s12] =	dma.local [spmem:s13], $0x1E00  }
0x8a: {  	_ =	swait.ge [sflag:s11], $0x1E00  }
0x8b: {  	[sflag:s11] =	ssyncset.done $0x0  }
0x8c: {  	[sflag:s11] =	ssyncadd.s32 $0xFFFFE200  }
0x8d: {  	_ =	sfence.sel $0x180000  }
0x8e: {  	[bflag:$0x0] =	sbarrier.arrive $0xFFFF  }
0x8f: {  	p0 =	sne.s32 s0, $0x0;
	_ =	strace $0x9000004D  }
0x90: {  	s0 =	sadd.s32 @!p0 $0x100000, s1;
	[bflag:$0x2] =	sbarrier.arrive $0xFFFF  }
0x91: {  	[sflag:s0] =	ssyncadd.tile.s32 @!p0 $0x1;
	_ =	shalt  }
.Lfunc_end2:
_tile_overlayer_lowered:
.L_overlay_start_2:
0x92: {  	(tag) =	ssettag $0x2  }
0x93: {  	s0 =	rddreg [dreg:$0x0];
	s2 =	stileid.u32  }
0x94: {  	s1 =	rddreg [dreg:$0x1];
	p0 =	sne.s32 s2, $0x0  }
0x95: {  	s3 =	rddreg [dreg:$0x2];
	[bflag:$0x3] =	sbarrier.arrive $0xFFFF;
	s2 =	simm.s32 @!p0 $0x1C05  }
0x96: {  	[timem:s3], [sflag:s2] =	dma.local @!p0 [hbm:s0], s1  }
0x97: {  	s0 =	simm.s32 @!p0 $0x5  }
0x98: {  	_ =	swait.ge @!p0 [sflag:s0], s1  }
0x99: {  	s1 =	ssub.s32 @!p0 $0x0, s1;
	[sflag:s0] =	ssyncset.done @!p0 $0x0  }
0x9a: {  	[sflag:s0] =	ssyncadd.s32 @!p0 s1  }
0x9b: {  	[bflag:$0x3] =	sbarrier.arrive $0xFFFF  }
0x9c: {  	_ =	shalt  }

// kernel: kernel.18.cloned.1.call-start
scs
__scs_entry_jumppad:
0x0: {  	(pc) =	sbr.rel $0x88, $3  }
0x1: {  	(tag) =	ssettag $0x0;
	lr =	simm.s32 $0x1  }
0x2: {  	[smem:$0x3F96] =	sst lr;
	_ =	strace $0xD0000000  }
0x3: {  	_ = 	snop  }
0x4: {  	_ = 	snop  }
0x5: {  	_ = 	snop  }
0x6: {  	_ = 	snop  }
0x7: {  	_ = 	snop  }
__scs_overlays_trampoline_lowered:
0x8: {  	[smem:$0x3FA5] =	sst s0  }
0x9: {  	[smem:$0x3FA6] =	sst s1  }
0xa: {  	[smem:$0x3FA7] =	sst s2  }
0xb: {  	[smem:$0x3FA8] =	sst s3  }
0xc: {  	[smem:$0x3FA9] =	sst s4  }
0xd: {  	[smem:$0x3FAA] =	sst s5  }
0xe: {  	[smem:$0x3FAB] =	sst s6  }
0xf: {  	[smem:$0x3FAC] =	sst s7  }
0x10: {  	[smem:$0x3FAD] =	sst s8  }
0x11: {  	[smem:$0x3FAE] =	sst s9;
	s0 =	simm.s32 @!p0 $0x0  }
0x12: {  	s1 =	sld [smem:$0x3F94];
	s0 =	simm.s32 @p0 $0x1  }
0x13: {  	[smem:$0x3FAF] =	sst s0;
	s0 =	simm.s32 @!p1 $0x0  }
0x14: {  	s2 =	sld [smem:$0x3F93];
	s0 =	simm.s32 @p1 $0x1  }
0x15: {  	[smem:$0x3FB0] =	sst s0;
	s0 =	simm.s32 @!p2 $0x0  }
0x16: {  	s3 =	sld [smem:$0x3FDB];
	s0 =	simm.s32 @p2 $0x1  }
0x17: {  	s4 =	simm.s32 $0x1BF5;
	[smem:$0x3FB2] =	sst s0  }
0x18: {  	s0 =	sld [smem:$0x3F95];
	_ =	swait.ge [sflag:s4], $0x0  }
0x19: {  	s7 =	sld [smem:$0x3F96]  }
0x1a: {  	s8 =	sadd.s32 $0xFFFFE003, lr  }
0x1b: {  	s9 =	sadd.s32 $0xFFFFFEF7, lr;
	s5 =	simm.s32 $0xFFFFFFFF;
	p2 =	slt.u32 s8, $0xFFFFF086  }
0x1c: {  	p1 =	slt.u32 s9, $0xF7A;
	s5 =	simm.s32 @!p2 $0x0  }
0x1d: {  	s5 =	simm.s32 @p1 $0x1;
	p0 =	seq.s32 s7, s2  }
0x1e: {  	s7 =	smul.u32 @!p0 $0xF7A, s2;
	p2 =	seq.s32 @!p0 s5, $0x0  }
0x1f: {  	s9 =	smul.u32 $0xF7A, s1;
	s8 =	simm.s32 @!p0 $0x1BF5;
	p2 =	por !p2, p0  }
0x20: {  	[sflag:s8] =	ssyncset.s32 @!p0 $0xFFFFF086;
	s6 =	sadd.s32 @!p0 s3, s7;
	s7 =	simm.s32 @!p0 $0x108  }
0x21: {  	s3 =	sadd.s32 s3, s9;
	s6 =	sadd.s32 @!p0 $0x88, s6;
	s7 =	simm.s32 @p2 $0x1082  }
0x22: {  	[simem:s7], [sflag:s8] =	dma.local @!p0 [hbm:s6], $0xF7A  }
0x23: {  	s9 =	sor.u32 $0xD0000000, s2;
	s6 =	simm.s32 $0x108;
	_ =	swait.ge @!p0 [sflag:s8], $0x0  }
0x24: {  	s3 =	sadd.s32 $0x88, s3;
	s6 =	simm.s32 @!p1 $0x1082;
	[sflag:s4] =	ssyncset.s32 $0xFFFFF086  }
0x25: {  	[simem:s6], [sflag:s4] =	dma.local [hbm:s3], $0xF7A  }
0x26: {  	[smem:$0x3F96] =	sst s1;
	(tag) =	ssettag s2;
	_ =	strace s9  }
0x27: {  	s1 =	sld [smem:$0x3FA6]  }
0x28: {  	s2 =	sld [smem:$0x3FA7]  }
0x29: {  	s4 =	sld [smem:$0x3FA9]  }
0x2a: {  	p0 =	seq.s32 s5, $0x0;
	s5 =	sld [smem:$0x3FAA]  }
0x2b: {  	s6 =	sld [smem:$0x3FAB]  }
0x2c: {  	s7 =	sld [smem:$0x3FAC]  }
0x2d: {  	s3 =	simm.s32 $0x108;
	s8 =	sld [smem:$0x3FAD]  }
0x2e: {  	s3 =	simm.s32 @!p0 $0x1082;
	s9 =	sld [smem:$0x3FAE]  }
0x2f: {  	lr =	sadd.s32 s0, s3;
	s0 =	sld [smem:$0x3FA5]  }
0x30: {  	s3 =	sld [smem:$0x3FA8]  }
0x31: {  	[smem:$0x3FB1] =	sst s10  }
0x32: {  	s10 =	sld [smem:$0x3FAF];
	_ =	sdelay $0x3  }
0x33: {  	p0 =	seq.s32 s10, $0x1;
	s10 =	sld [smem:$0x3FB1];
	_ =	sdelay $0x3  }
0x34: {  	[smem:$0x3FB1] =	sst s10  }
0x35: {  	s10 =	sld [smem:$0x3FB0];
	_ =	sdelay $0x3  }
0x36: {  	p1 =	seq.s32 s10, $0x1;
	s10 =	sld [smem:$0x3FB1];
	_ =	sdelay $0x3  }
0x37: {  	[smem:$0x3FB1] =	sst s10  }
0x38: {  	s10 =	sld [smem:$0x3FB2]  }
0x39: {  	_ = 	snop;
	(pc) =	sbr.ind lr, $3  }
0x3a: {  	_ = 	snop  }
0x3b: {  	_ = 	snop  }
0x3c: {  	p2 =	seq.s32 s10, $0x1;
	s10 =	sld [smem:$0x3FB1]  }
0x3d: {  	_ =	shalt  }
0x3e: {  	_ =	shalt  }
0x3f: {  	_ =	shalt  }
0x40: {  	_ =	shalt  }
0x41: {  	_ =	shalt  }
0x42: {  	_ =	shalt  }
0x43: {  	_ =	shalt  }
0x44: {  	_ =	shalt  }
0x45: {  	_ =	shalt  }
0x46: {  	_ =	shalt  }
0x47: {  	_ =	shalt  }
0x48: {  	_ =	shalt  }
0x49: {  	_ =	shalt  }
0x4a: {  	_ =	shalt  }
0x4b: {  	_ =	shalt  }
0x4c: {  	_ =	shalt  }
0x4d: {  	_ =	shalt  }
0x4e: {  	_ =	shalt  }
0x4f: {  	_ =	shalt  }
0x50: {  	_ =	shalt  }
0x51: {  	_ =	shalt  }
0x52: {  	_ =	shalt  }
0x53: {  	_ =	shalt  }
0x54: {  	_ =	shalt  }
0x55: {  	_ =	shalt  }
0x56: {  	_ =	shalt  }
0x57: {  	_ =	shalt  }
0x58: {  	_ =	shalt  }
0x59: {  	_ =	shalt  }
0x5a: {  	_ =	shalt  }
0x5b: {  	_ =	shalt  }
0x5c: {  	_ =	shalt  }
0x5d: {  	_ =	shalt  }
0x5e: {  	_ =	shalt  }
0x5f: {  	_ =	shalt  }
0x60: {  	_ =	shalt  }
0x61: {  	_ =	shalt  }
0x62: {  	_ =	shalt  }
0x63: {  	_ =	shalt  }
0x64: {  	_ =	shalt  }
0x65: {  	_ =	shalt  }
0x66: {  	_ =	shalt  }
0x67: {  	_ =	shalt  }
0x68: {  	_ =	shalt  }
0x69: {  	_ =	shalt  }
0x6a: {  	_ =	shalt  }
0x6b: {  	_ =	shalt  }
0x6c: {  	_ =	shalt  }
0x6d: {  	_ =	shalt  }
0x6e: {  	_ =	shalt  }
0x6f: {  	_ =	shalt  }
0x70: {  	_ =	shalt  }
0x71: {  	_ =	shalt  }
0x72: {  	_ =	shalt  }
0x73: {  	_ =	shalt  }
0x74: {  	_ =	shalt  }
0x75: {  	_ =	shalt  }
0x76: {  	_ =	shalt  }
0x77: {  	_ =	shalt  }
0x78: {  	_ =	shalt  }
0x79: {  	_ =	shalt  }
0x7a: {  	_ =	shalt  }
0x7b: {  	_ =	shalt  }
0x7c: {  	_ =	shalt  }
0x7d: {  	_ =	shalt  }
0x7e: {  	_ =	shalt  }
0x7f: {  	_ =	shalt  }
0x80: {  	_ =	shalt  }
0x81: {  	_ =	shalt  }
0x82: {  	_ =	shalt  }
0x83: {  	_ =	shalt  }
0x84: {  	_ =	shalt  }
0x85: {  	_ =	shalt  }
0x86: {  	_ =	shalt  }
0x87: {  	_ =	shalt  }
.Lfunc_end0:
.L_simem_size_0:
called_computation.2_lowered:
.L_overlay_start_0:
0x88: {  	s2 =	sld [smem:$0x3FD9]  }
0x89: {  	s3 =	sld [smem:$0x3FFE];
	_ =	sdelay $0x1  }
0x8a: {  	s1 =	srdreg.scid  }
0x8b: {  	s0 =	sand.u32 $0x1, s1  }
0x8c: {  	s17 =	sshll.u32 s0, $0xA;
	s2 =	sadd.s32 s3, s2  }
0x8d: {  	s2 =	sadd.s32 s2, s17  }
0x8e: {  	[smem:$0x3FBD] =	sst s2  }
0x8f: {  	_ = 	snop  }
0x90: {  	s2 =	sld [smem:$0x3FD0];
	(tm) =	ssettm $0x1  }
0x91: {  	s18 =	sld [smem:$0x3FFB];
	_ =	sdelay $0x3  }
0x92: {  	_ =	strace s18  }
0x93: {  	s3 =	sld [smem:$0x3FFC];
	_ =	sdelay $0x3  }
0x94: {  	_ =	strace s3  }
0x95: {  	s3 =	sld [smem:$0x3FFD];
	_ =	sdelay $0x3  }
0x96: {  	_ =	strace s3  }
0x97: {  	_ =	strace $0x8FFFFFFF  }
0x98: {  	s19 =	sld [smem:$0x3FDB];
	_ =	sdelay $0x1  }
0x99: {  	s4 =	simm.s32 $_scs_section_size  }
0x9a: {  	s5 =	simm.s32 $_size__tile_overlayer_lowered;
	s6 =	simm.s32 $_tile_overlayer_lowered  }
0x9b: {  	s22 =	simm.s32 $0x1BFF;
	s21 =	sshll.u32 s6, $0x1;
	s3 =	sadd.s32 s4, s19  }
0x9c: {  	s7 =	simm.s32 $0x0;
	s20 =	sshll.u32 s5, $0x1;
	s5 =	sadd.s32 s21, s3  }
0x9d: {  	[timem:s7], [sflag:s22] =	dma.local [hbm:s5], s20  }
0x9e: {  	_ =	swait.ge [sflag:s22], s20  }
0x9f: {  	s4 =	ssub.s32 $0x0, s20;
	[sflag:s22] =	ssyncset.done $0x0  }
0xa0: {  	[sflag:s22] =	ssyncadd.s32 s4;
	_ =	sdelay $0x1  }
0xa1: {  	s23 =	simm.s32 $0x1B8B  }
0xa2: {  	_ =	swait.ge [sflag:s23], $0x1  }
0xa3: {  	[sflag:s23] =	ssyncset.done $0x0  }
0xa4: {  	s25 =	simm.s32 $0x1B8E;
	s24 =	sld [smem:$0x3FFE];
	[sflag:s23] =	ssyncadd.s32 $0xFFFFFFFF  }
0xa5: {  	s26 =	simm.s32 $execute0_lowered;
	[smem:$0x3FD2] =	sst s25  }
0xa6: {  	s5 =	sshll.u32 s26, $0x1;
	_ =	strace $0x80000049;
	[dreg:$0x1] =	wrdreg $0xFFFFFFFF  }
0xa7: {  	s28 =	simm.s32 $_size_execute0_lowered;
	s3 =	sadd.s32 s3, s5;
	[dreg:$0x0] =	wrdreg $0x0  }
0xa8: {  	s5 =	sshll.u32 s28, $0x1;
	[dreg:$0x2] =	wrdreg s3  }
0xa9: {  	[dreg:$0x3] =	wrdreg s5  }
0xaa: {  	[dreg:$0x4] =	wrdreg $0xC0  }
0xab: {  	_ =	task [dreg:s7], $0x5FFFF  }
0xac: {  	[dreg:$0x1] =	wrdreg $0xFFFFFFFF  }
0xad: {  	[dreg:$0x0] =	wrdreg $0x60  }
0xae: {  	[dreg:$0x2] =	wrdreg s24  }
0xaf: {  	[dreg:$0x3] =	wrdreg s2  }
0xb0: {  	[dreg:$0x4] =	wrdreg $0x110000  }
0xb1: {  	[dreg:$0x5] =	wrdreg $0xA  }
0xb2: {  	_ =	task.clear_ibuf [dreg:s7], $0x6FFFF;
	_ =	strace $0x90000049  }
0xb3: {  	s29 =	simm.s32 $0xA;
	_ =	strace $0x8000004B  }
0xb4: {  	_ =	swait.ge [sflag:s29], $0x1  }
0xb5: {  	[sflag:s29] =	ssyncadd.s32 $0xFFFFFFFF  }
0xb6: {  	_ =	strace $0x9000004B  }
0xb7: {  	_ =	sfence  }
0xb8: {  	s30 =	sld [smem:$0x0];
	_ =	sdelay $0x2  }
0xb9: {  	s31 =	sshll.u32 s1, $0xD;
	s1 =	sshrl.u32 s1, $0x2  }
0xba: {  	s3 =	sand.u32 $0x4000, s31;
	s1 =	sadd.s32 s1, s30  }
0xbb: {  	s0 =	sor.u32 s3, s0;
	s1 =	sshll.u32 s1, $0x11  }
0xbc: {  	s0 =	sor.u32 s1, s0  }
0xbd: {  	s0 =	sadd.s32 $0x8F2B, s0  }
0xbe: {  	[sflag:s0] =	ssyncadd.remote.s32 $0x1  }
0xbf: {  	_ =	sfence.sel $0xFFFF  }
0xc0: {  	[dreg:$0x0] =	wrdreg $0xFFFFFFFF;
	(pc) =	sbr.abs _section_cstart, $3  }
0xc1: {  	[dreg:$0x1] =	wrdreg $0xFFFFFFFF  }
0xc2: {  	_ =	task.clear_ibuf [dreg:s7], $0x2FFFF;
	_ =	strace $0x9FFFFFFF  }
0xc3: {  	(tm) =	ssettm $0x7FFFFFFF  }
tec
execute0_lowered:
.L_overlay_start_1:
0x0: {  	(tag) =	ssettag $0x1  }
0x1: {  	s5 =	rddreg [dreg:$0x0]  }
0x2: {  	s11 =	rddreg [dreg:$0x1]  }
0x3: {  	s2 =	rddreg [dreg:$0x2]  }
0x4: {  	s0 =	rddreg [dreg:$0x3]  }
0x5: {  	s3 =	simm.s32 $0x0;
	s1 =	stileid.u32;
	s6 =	srdreg.scid  }
0x6: {  	s17 =	simm.s32 $0x80;
	s18 =	simm.s32 $0x5000;
	s19 =	simm.s32 $0x8000  }
0x7: {  	s20 =	simm.s32 $0xB000;
	s21 =	simm.s32 $0xE000;
	s8 =	smul.u32 $0x2800, s1  }
0x8: {  	s22 =	simm.s32 $0x1;
	[smem:$0x7FF] =	sst s3;
	s7 =	smul.u32 $0x280, s1  }
0x9: {  	s4 =	sadd.s32 $0x8600, s5;
	s6 =	sand.u32 $0x1, s6;
	s12 =	smul.u32 $0x3C000, s1  }
0xa: {  	s10 =	sadd.s32 $0x17AC00, s5;
	s31 =	sshll.u32 s1, $0x6;
	s13 =	smul.u32 $0x2800, s6  }
0xb: {  	s23 =	ssub.s32 $0x2, s6;
	s15 =	smul.u32 $0x28000, s6;
	s6 =	sor.u32 $0x2, s6  }
0xc: {  	_ =	strace $0x8000004A;
	s9 =	sshrl.u32 s8, $0x3;
	s25 =	smul.u32 $0x2800, s6  }
0xd: {  	s14 =	sshrl.u32 s23, $0x1;
	s12 =	sshrl.u32 s12, $0x2;
	s26 =	smul.u32 $0x28000, s6  }
0xe: {  	s5 =	sadd.s32 s9, s5;
	s14 =	ssub.s32 s23, s14;
	s24 =	sadd.s32 s7, s13  }
0xf: {  	s15 =	sadd.s32 s8, s15;
	s16 =	sadd.s32 s12, s2;
	s13 =	simm.s32 $0x2800  }
0x10: {  	s23 =	simm.s32 $0x2;
	s5 =	sadd.s32 $0x3600, s5;
	s9 =	smul.u32 $0xC, s24  }
0x11: {  	s7 =	sadd.s32 s7, s25;
	s28 =	sshrl.u32 s15, $0x3;
	s30 =	sadd.s32 s8, s26  }
0x12: {  	s15 =	sor.u32 $0x1C05, s31;
	s16 =	sshrl.u32 s16, $0x3;
	s24 =	simm.s32 $0x3  }
0x13: {  	s25 =	simm.s32 $0x4;
	s26 =	simm.s32 $0x0;
	s29 =	smul.u32 $0xC, s7  }
0x14: {  	s7 =	sadd.s32 s10, s28;
	s12 =	sshrl.u32 s30, $0x3;
	s6 =	sadd.s32 s4, s9  }
0x15: {  	s8 =	sadd.s32 s11, s9;
	s10 =	sadd.s32 s10, s12;
	s12 =	smax.u32 s14, $0x1  }
0x16: {  	s14 =	simm.s32 $0x5;
	s9 =	sadd.s32 s4, s29;
	s11 =	sadd.s32 s11, s29  }
.LBB2_1:
0x17: {  	[tilespmem:s13], [sflag:$0x5] =	stream.linear.gather [hbm4b:s5+s3], $0x2800, $0x38;
	v63 =	vld [tilespmem:$0x0]  }
0x18: {  	_ =	swait.ge [sflag:s14], $0x2800  }
0x19: {  	[sflag:s14] =	ssyncset.done $0x0  }
0x1a: {  	[sflag:s14] =	ssyncadd.s32 $0xFFFFD800  }
0x1b: {  	[spmem:s16], [sflag:s15] =	dma.local [hbm:s6], $0x1E00  }
0x1c: {  	_ =	swait.ge [sflag:s14], $0x1E00  }
0x1d: {  	[sflag:s14] =	ssyncset.done $0x0  }
0x1e: {  	[sflag:s14] =	ssyncadd.s32 $0xFFFFE200  }
0x1f: {  	[tilespmem:s3], [sflag:$0x5] =	stream.linear.gather [hbm4b:s7+s3], $0x2800, $0x38;
	v63 =	vld [tilespmem:$0x0]  }
0x20: {  	_ =	swait.ge [sflag:s14], $0x2800  }
0x21: {  	[sflag:s14] =	ssyncset.done $0x0  }
0x22: {  	[sflag:s14] =	ssyncadd.s32 $0xFFFFD800  }
0x23: {  	s28 =	simm.s32 $0x0;
	[bflag:$0x0] =	sbarrier.arrive $0xFFFF  }
0x24: {  	[tilespmem:s18], [sflag:$0x1] =	stream.indirect.gather [hbm4b:s4+s17], $0x60, s28, s17, $0xb8;
	v63 =	vld [tilespmem:$0x0]  }
0x25: {  	s28 =	simm.s32 $0x80  }
0x26: {  	[tilespmem:s19], [sflag:$0x2] =	stream.indirect.gather [hbm4b:s4+s17], $0x60, s28, s17, $0xb8;
	v63 =	vld [tilespmem:$0x0]  }
0x27: {  	s28 =	simm.s32 $0x100  }
0x28: {  	[tilespmem:s20], [sflag:$0x3] =	stream.indirect.gather [hbm4b:s4+s17], $0x60, s28, s17, $0xb8;
	v63 =	vld [tilespmem:$0x0]  }
0x29: {  	s28 =	simm.s32 $0x180  }
0x2a: {  	[tilespmem:s21], [sflag:$0x4] =	stream.indirect.gather [hbm4b:s4+s17], $0x60, s28, s17, $0xb8;
	v63 =	vld [tilespmem:$0x0]  }
0x2b: {  	_ =	swait.ge [sflag:s22], $0x3000  }
0x2c: {  	[sflag:s22] =	ssyncset.done $0x0  }
0x2d: {  	s28 =	simm.s32 $0x2800;
	[sflag:s22] =	ssyncadd.s32 $0xFFFFD000  }
0x2e: {  	[spmem:s2] =	stream.indirect.scatter.add.f32 [tilespmem:s18], [sflag:$0x5], $0x60, s28, s17, $0xb8;
	v63 =	vld [tilespmem:$0x0]  }
0x2f: {  	_ =	swait.ge [sflag:s14], $0x3000  }
0x30: {  	[sflag:s14] =	ssyncset.done $0x0  }
0x31: {  	[sflag:s14] =	ssyncadd.s32 $0xFFFFD000  }
0x32: {  	_ =	swait.ge [sflag:s23], $0x3000  }
0x33: {  	[sflag:s23] =	ssyncset.done $0x0  }
0x34: {  	s28 =	simm.s32 $0x2880;
	[sflag:s23] =	ssyncadd.s32 $0xFFFFD000  }
0x35: {  	[spmem:s2] =	stream.indirect.scatter.add.f32 [tilespmem:s19], [sflag:$0x5], $0x60, s28, s17, $0xb8;
	v63 =	vld [tilespmem:$0x0]  }
0x36: {  	_ =	swait.ge [sflag:s14], $0x3000  }
0x37: {  	[sflag:s14] =	ssyncset.done $0x0  }
0x38: {  	[sflag:s14] =	ssyncadd.s32 $0xFFFFD000  }
0x39: {  	_ =	swait.ge [sflag:s24], $0x3000  }
0x3a: {  	[sflag:s24] =	ssyncset.done $0x0  }
0x3b: {  	s28 =	simm.s32 $0x2900;
	[sflag:s24] =	ssyncadd.s32 $0xFFFFD000  }
0x3c: {  	[spmem:s2] =	stream.indirect.scatter.add.f32 [tilespmem:s20], [sflag:$0x5], $0x60, s28, s17, $0xb8;
	v63 =	vld [tilespmem:$0x0]  }
0x3d: {  	_ =	swait.ge [sflag:s14], $0x3000  }
0x3e: {  	[sflag:s14] =	ssyncset.done $0x0  }
0x3f: {  	[sflag:s14] =	ssyncadd.s32 $0xFFFFD000  }
0x40: {  	_ =	swait.ge [sflag:s25], $0x3000  }
0x41: {  	[sflag:s25] =	ssyncset.done $0x0  }
0x42: {  	s28 =	simm.s32 $0x2980;
	[sflag:s25] =	ssyncadd.s32 $0xFFFFD000  }
0x43: {  	[spmem:s2] =	stream.indirect.scatter.add.f32 [tilespmem:s21], [sflag:$0x5], $0x60, s28, s17, $0xb8;
	v63 =	vld [tilespmem:$0x0]  }
0x44: {  	_ =	swait.ge [sflag:s14], $0x3000  }
0x45: {  	s31 =	simm.s32 $0x1000;
	s28 =	simm.s32 $0x800;
	[sflag:s14] =	ssyncset.done $0x0  }
.LBB2_2:
0x46: {  	s30 =	sshra.s32 s28, $0x2  }
0x47: {  	[sflag:s14] =	ssyncadd.s32 $0xFFFFD000;
	s28 =	smov.u32 s31;
	s29 =	sadd.s32 $0x800, s31  }
0x48: {  	[tilespmem:s18], [sflag:$0x1] =	stream.indirect.gather [hbm4b:s4+s17], $0x60, s30, s17, $0xb8;
	v63 =	vld [tilespmem:$0x0]  }
0x49: {  	p0 =	sne.s32 s31, $0x9800;
	s31 =	sadd.s32 $0x80, s30  }
0x4a: {  	[tilespmem:s19], [sflag:$0x2] =	stream.indirect.gather [hbm4b:s4+s17], $0x60, s31, s17, $0xb8;
	v63 =	vld [tilespmem:$0x0]  }
0x4b: {  	s31 =	sadd.s32 $0x100, s30  }
0x4c: {  	[tilespmem:s20], [sflag:$0x3] =	stream.indirect.gather [hbm4b:s4+s17], $0x60, s31, s17, $0xb8;
	v63 =	vld [tilespmem:$0x0]  }
0x4d: {  	s31 =	sadd.s32 $0x180, s30  }
0x4e: {  	[tilespmem:s21], [sflag:$0x4] =	stream.indirect.gather [hbm4b:s4+s17], $0x60, s31, s17, $0xb8;
	v63 =	vld [tilespmem:$0x0]  }
0x4f: {  	_ =	swait.ge [sflag:s22], $0x3000  }
0x50: {  	[sflag:s22] =	ssyncset.done $0x0  }
0x51: {  	s31 =	sadd.s32 $0x2800, s30;
	[sflag:s22] =	ssyncadd.s32 $0xFFFFD000  }
0x52: {  	[spmem:s2] =	stream.indirect.scatter.add.f32 [tilespmem:s18], [sflag:$0x5], $0x60, s31, s17, $0xb8;
	v63 =	vld [tilespmem:$0x0]  }
0x53: {  	_ =	swait.ge [sflag:s14], $0x3000  }
0x54: {  	[sflag:s14] =	ssyncset.done $0x0  }
0x55: {  	[sflag:s14] =	ssyncadd.s32 $0xFFFFD000  }
0x56: {  	_ =	swait.ge [sflag:s23], $0x3000  }
0x57: {  	[sflag:s23] =	ssyncset.done $0x0  }
0x58: {  	s31 =	sadd.s32 $0x2880, s30;
	[sflag:s23] =	ssyncadd.s32 $0xFFFFD000  }
0x59: {  	[spmem:s2] =	stream.indirect.scatter.add.f32 [tilespmem:s19], [sflag:$0x5], $0x60, s31, s17, $0xb8;
	v63 =	vld [tilespmem:$0x0]  }
0x5a: {  	_ =	swait.ge [sflag:s14], $0x3000  }
0x5b: {  	[sflag:s14] =	ssyncset.done $0x0  }
0x5c: {  	[sflag:s14] =	ssyncadd.s32 $0xFFFFD000  }
0x5d: {  	_ =	swait.ge [sflag:s24], $0x3000  }
0x5e: {  	[sflag:s24] =	ssyncset.done $0x0  }
0x5f: {  	s31 =	sadd.s32 $0x2900, s30;
	[sflag:s24] =	ssyncadd.s32 $0xFFFFD000  }
0x60: {  	[spmem:s2] =	stream.indirect.scatter.add.f32 [tilespmem:s20], [sflag:$0x5], $0x60, s31, s17, $0xb8;
	v63 =	vld [tilespmem:$0x0]  }
0x61: {  	_ =	swait.ge [sflag:s14], $0x3000  }
0x62: {  	[sflag:s14] =	ssyncset.done $0x0  }
0x63: {  	[sflag:s14] =	ssyncadd.s32 $0xFFFFD000  }
0x64: {  	_ =	swait.ge [sflag:s25], $0x3000  }
.Ltmp0:
0x65: {  	[sflag:s25] =	ssyncset.done $0x0;
	(pc) =	sbr.rel @p0 .LBB2_2-.Ltmp0, $4  }
0x66: {  	s30 =	sadd.s32 $0x2980, s30;
	[sflag:s25] =	ssyncadd.s32 $0xFFFFD000  }
0x67: {  	[spmem:s2] =	stream.indirect.scatter.add.f32 [tilespmem:s21], [sflag:$0x5], $0x60, s30, s17, $0xb8;
	v63 =	vld [tilespmem:$0x0]  }
0x68: {  	_ =	swait.ge [sflag:s14], $0x3000  }
0x69: {  	s31 =	smov.u32 s29;
	[sflag:s14] =	ssyncset.done $0x0  }
0x6a: {  	s28 =	sshra.s32 s28, $0x2;
	[sflag:s14] =	ssyncadd.s32 $0xFFFFD000  }
0x6b: {  	[tilespmem:s18], [sflag:$0x1] =	stream.indirect.gather [hbm4b:s4+s17], $0x60, s28, s17, $0xb8;
	v63 =	vld [tilespmem:$0x0]  }
0x6c: {  	s29 =	sadd.s32 $0x80, s28  }
0x6d: {  	[tilespmem:s19], [sflag:$0x2] =	stream.indirect.gather [hbm4b:s4+s17], $0x60, s29, s17, $0xb8;
	v63 =	vld [tilespmem:$0x0]  }
0x6e: {  	s30 =	sadd.s32 $0x100, s28  }
0x6f: {  	[tilespmem:s20], [sflag:$0x3] =	stream.indirect.gather [hbm4b:s4+s17], $0x60, s30, s17, $0xb8;
	v63 =	vld [tilespmem:$0x0]  }
0x70: {  	s30 =	sadd.s32 $0x180, s28  }
0x71: {  	[tilespmem:s21], [sflag:$0x4] =	stream.indirect.gather [hbm4b:s4+s17], $0x60, s30, s17, $0xb8;
	v63 =	vld [tilespmem:$0x0]  }
0x72: {  	_ =	swait.ge [sflag:s22], $0x3000  }
0x73: {  	[sflag:s22] =	ssyncset.done $0x0  }
0x74: {  	s30 =	sadd.s32 $0x2800, s28;
	[sflag:s22] =	ssyncadd.s32 $0xFFFFD000  }
0x75: {  	[spmem:s2] =	stream.indirect.scatter.add.f32 [tilespmem:s18], [sflag:$0x5], $0x60, s30, s17, $0xb8;
	v63 =	vld [tilespmem:$0x0]  }
0x76: {  	_ =	swait.ge [sflag:s14], $0x3000  }
0x77: {  	[sflag:s14] =	ssyncset.done $0x0  }
0x78: {  	[sflag:s14] =	ssyncadd.s32 $0xFFFFD000  }
0x79: {  	_ =	swait.ge [sflag:s23], $0x3000  }
0x7a: {  	[sflag:s23] =	ssyncset.done $0x0  }
0x7b: {  	s30 =	sadd.s32 $0x2880, s28;
	[sflag:s23] =	ssyncadd.s32 $0xFFFFD000  }
0x7c: {  	[spmem:s2] =	stream.indirect.scatter.add.f32 [tilespmem:s19], [sflag:$0x5], $0x60, s30, s17, $0xb8;
	v63 =	vld [tilespmem:$0x0]  }
0x7d: {  	_ =	swait.ge [sflag:s14], $0x3000  }
0x7e: {  	[sflag:s14] =	ssyncset.done $0x0  }
0x7f: {  	[sflag:s14] =	ssyncadd.s32 $0xFFFFD000  }
0x80: {  	_ =	swait.ge [sflag:s24], $0x3000  }
0x81: {  	[sflag:s24] =	ssyncset.done $0x0  }
0x82: {  	s30 =	sadd.s32 $0x2900, s28;
	[sflag:s24] =	ssyncadd.s32 $0xFFFFD000  }
0x83: {  	[spmem:s2] =	stream.indirect.scatter.add.f32 [tilespmem:s20], [sflag:$0x5], $0x60, s30, s17, $0xb8;
	v63 =	vld [tilespmem:$0x0]  }
0x84: {  	_ =	swait.ge [sflag:s14], $0x3000  }
0x85: {  	[sflag:s14] =	ssyncset.done $0x0  }
0x86: {  	[sflag:s14] =	ssyncadd.s32 $0xFFFFD000  }
0x87: {  	_ =	swait.ge [sflag:s25], $0x3000  }
0x88: {  	[sflag:s25] =	ssyncset.done $0x0  }
0x89: {  	s28 =	sadd.s32 $0x2980, s28;
	[sflag:s25] =	ssyncadd.s32 $0xFFFFD000  }
0x8a: {  	[spmem:s2] =	stream.indirect.scatter.add.f32 [tilespmem:s21], [sflag:$0x5], $0x60, s28, s17, $0xb8;
	v63 =	vld [tilespmem:$0x0]  }
0x8b: {  	_ =	swait.ge [sflag:s14], $0x3000  }
0x8c: {  	[sflag:s14] =	ssyncset.done $0x0  }
0x8d: {  	[sflag:s14] =	ssyncadd.s32 $0xFFFFD000  }
0x8e: {  	[bflag:$0x0] =	sbarrier.arrive $0xFFFF  }
0x8f: {  	[hbm:s8], [sflag:s15] =	dma.local [spmem:s16], $0x1E00  }
0x90: {  	_ =	swait.ge [sflag:s14], $0x1E00  }
0x91: {  	[sflag:s14] =	ssyncset.done $0x0  }
0x92: {  	[sflag:s14] =	ssyncadd.s32 $0xFFFFE200  }
0x93: {  	[spmem:s16], [sflag:s15] =	dma.local [hbm:s9], $0x1E00  }
0x94: {  	_ =	swait.ge [sflag:s14], $0x1E00  }
0x95: {  	[sflag:s14] =	ssyncset.done $0x0  }
0x96: {  	s28 =	simm.s32 $0x0;
	[sflag:s14] =	ssyncadd.s32 $0xFFFFE200  }
0x97: {  	[tilespmem:s28], [sflag:$0x5] =	stream.linear.gather [hbm4b:s10+s28], $0x2800, $0x38;
	v63 =	vld [tilespmem:$0x0]  }
0x98: {  	_ =	swait.ge [sflag:s14], $0x2800  }
0x99: {  	[sflag:s14] =	ssyncset.done $0x0  }
0x9a: {  	[sflag:s14] =	ssyncadd.s32 $0xFFFFD800  }
0x9b: {  	s28 =	simm.s32 $0x0;
	[bflag:$0x0] =	sbarrier.arrive $0xFFFF  }
0x9c: {  	[tilespmem:s18], [sflag:$0x1] =	stream.indirect.gather [hbm4b:s4+s17], $0x60, s28, s17, $0xb8;
	v63 =	vld [tilespmem:$0x0]  }
0x9d: {  	s28 =	simm.s32 $0x80  }
0x9e: {  	[tilespmem:s19], [sflag:$0x2] =	stream.indirect.gather [hbm4b:s4+s17], $0x60, s28, s17, $0xb8;
	v63 =	vld [tilespmem:$0x0]  }
0x9f: {  	s28 =	simm.s32 $0x100  }
0xa0: {  	[tilespmem:s20], [sflag:$0x3] =	stream.indirect.gather [hbm4b:s4+s17], $0x60, s28, s17, $0xb8;
	v63 =	vld [tilespmem:$0x0]  }
0xa1: {  	s28 =	simm.s32 $0x180  }
0xa2: {  	[tilespmem:s21], [sflag:$0x4] =	stream.indirect.gather [hbm4b:s4+s17], $0x60, s28, s17, $0xb8;
	v63 =	vld [tilespmem:$0x0]  }
0xa3: {  	_ =	swait.ge [sflag:s22], $0x3000  }
0xa4: {  	[sflag:s22] =	ssyncset.done $0x0  }
0xa5: {  	s28 =	simm.s32 $0x2800;
	[sflag:s22] =	ssyncadd.s32 $0xFFFFD000  }
0xa6: {  	[spmem:s2] =	stream.indirect.scatter.add.f32 [tilespmem:s18], [sflag:$0x5], $0x60, s28, s17, $0xb8;
	v63 =	vld [tilespmem:$0x0]  }
0xa7: {  	_ =	swait.ge [sflag:s14], $0x3000  }
0xa8: {  	[sflag:s14] =	ssyncset.done $0x0  }
0xa9: {  	[sflag:s14] =	ssyncadd.s32 $0xFFFFD000  }
0xaa: {  	_ =	swait.ge [sflag:s23], $0x3000  }
0xab: {  	[sflag:s23] =	ssyncset.done $0x0  }
0xac: {  	s28 =	simm.s32 $0x2880;
	[sflag:s23] =	ssyncadd.s32 $0xFFFFD000  }
0xad: {  	[spmem:s2] =	stream.indirect.scatter.add.f32 [tilespmem:s19], [sflag:$0x5], $0x60, s28, s17, $0xb8;
	v63 =	vld [tilespmem:$0x0]  }
0xae: {  	_ =	swait.ge [sflag:s14], $0x3000  }
0xaf: {  	[sflag:s14] =	ssyncset.done $0x0  }
0xb0: {  	[sflag:s14] =	ssyncadd.s32 $0xFFFFD000  }
0xb1: {  	_ =	swait.ge [sflag:s24], $0x3000  }
0xb2: {  	[sflag:s24] =	ssyncset.done $0x0  }
0xb3: {  	s28 =	simm.s32 $0x2900;
	[sflag:s24] =	ssyncadd.s32 $0xFFFFD000  }
0xb4: {  	[spmem:s2] =	stream.indirect.scatter.add.f32 [tilespmem:s20], [sflag:$0x5], $0x60, s28, s17, $0xb8;
	v63 =	vld [tilespmem:$0x0]  }
0xb5: {  	_ =	swait.ge [sflag:s14], $0x3000  }
0xb6: {  	[sflag:s14] =	ssyncset.done $0x0  }
0xb7: {  	[sflag:s14] =	ssyncadd.s32 $0xFFFFD000  }
0xb8: {  	_ =	swait.ge [sflag:s25], $0x3000  }
0xb9: {  	[sflag:s25] =	ssyncset.done $0x0  }
0xba: {  	s28 =	simm.s32 $0x2980;
	[sflag:s25] =	ssyncadd.s32 $0xFFFFD000  }
0xbb: {  	[spmem:s2] =	stream.indirect.scatter.add.f32 [tilespmem:s21], [sflag:$0x5], $0x60, s28, s17, $0xb8;
	v63 =	vld [tilespmem:$0x0]  }
0xbc: {  	_ =	swait.ge [sflag:s14], $0x3000  }
0xbd: {  	s31 =	simm.s32 $0x1000;
	s28 =	simm.s32 $0x800;
	[sflag:s14] =	ssyncset.done $0x0  }
.LBB2_4:
0xbe: {  	s30 =	sshra.s32 s28, $0x2  }
0xbf: {  	[sflag:s14] =	ssyncadd.s32 $0xFFFFD000;
	s28 =	smov.u32 s31;
	s29 =	sadd.s32 $0x800, s31  }
0xc0: {  	[tilespmem:s18], [sflag:$0x1] =	stream.indirect.gather [hbm4b:s4+s17], $0x60, s30, s17, $0xb8;
	v63 =	vld [tilespmem:$0x0]  }
0xc1: {  	p0 =	sne.s32 s31, $0x9800;
	s31 =	sadd.s32 $0x80, s30  }
0xc2: {  	[tilespmem:s19], [sflag:$0x2] =	stream.indirect.gather [hbm4b:s4+s17], $0x60, s31, s17, $0xb8;
	v63 =	vld [tilespmem:$0x0]  }
0xc3: {  	s31 =	sadd.s32 $0x100, s30  }
0xc4: {  	[tilespmem:s20], [sflag:$0x3] =	stream.indirect.gather [hbm4b:s4+s17], $0x60, s31, s17, $0xb8;
	v63 =	vld [tilespmem:$0x0]  }
0xc5: {  	s31 =	sadd.s32 $0x180, s30  }
0xc6: {  	[tilespmem:s21], [sflag:$0x4] =	stream.indirect.gather [hbm4b:s4+s17], $0x60, s31, s17, $0xb8;
	v63 =	vld [tilespmem:$0x0]  }
0xc7: {  	_ =	swait.ge [sflag:s22], $0x3000  }
0xc8: {  	[sflag:s22] =	ssyncset.done $0x0  }
0xc9: {  	s31 =	sadd.s32 $0x2800, s30;
	[sflag:s22] =	ssyncadd.s32 $0xFFFFD000  }
0xca: {  	[spmem:s2] =	stream.indirect.scatter.add.f32 [tilespmem:s18], [sflag:$0x5], $0x60, s31, s17, $0xb8;
	v63 =	vld [tilespmem:$0x0]  }
0xcb: {  	_ =	swait.ge [sflag:s14], $0x3000  }
0xcc: {  	[sflag:s14] =	ssyncset.done $0x0  }
0xcd: {  	[sflag:s14] =	ssyncadd.s32 $0xFFFFD000  }
0xce: {  	_ =	swait.ge [sflag:s23], $0x3000  }
0xcf: {  	[sflag:s23] =	ssyncset.done $0x0  }
0xd0: {  	s31 =	sadd.s32 $0x2880, s30;
	[sflag:s23] =	ssyncadd.s32 $0xFFFFD000  }
0xd1: {  	[spmem:s2] =	stream.indirect.scatter.add.f32 [tilespmem:s19], [sflag:$0x5], $0x60, s31, s17, $0xb8;
	v63 =	vld [tilespmem:$0x0]  }
0xd2: {  	_ =	swait.ge [sflag:s14], $0x3000  }
0xd3: {  	[sflag:s14] =	ssyncset.done $0x0  }
0xd4: {  	[sflag:s14] =	ssyncadd.s32 $0xFFFFD000  }
0xd5: {  	_ =	swait.ge [sflag:s24], $0x3000  }
0xd6: {  	[sflag:s24] =	ssyncset.done $0x0  }
0xd7: {  	s31 =	sadd.s32 $0x2900, s30;
	[sflag:s24] =	ssyncadd.s32 $0xFFFFD000  }
0xd8: {  	[spmem:s2] =	stream.indirect.scatter.add.f32 [tilespmem:s20], [sflag:$0x5], $0x60, s31, s17, $0xb8;
	v63 =	vld [tilespmem:$0x0]  }
0xd9: {  	_ =	swait.ge [sflag:s14], $0x3000  }
0xda: {  	[sflag:s14] =	ssyncset.done $0x0  }
0xdb: {  	[sflag:s14] =	ssyncadd.s32 $0xFFFFD000  }
0xdc: {  	_ =	swait.ge [sflag:s25], $0x3000  }
.Ltmp1:
0xdd: {  	[sflag:s25] =	ssyncset.done $0x0;
	(pc) =	sbr.rel @p0 .LBB2_4-.Ltmp1, $4  }
0xde: {  	s30 =	sadd.s32 $0x2980, s30;
	[sflag:s25] =	ssyncadd.s32 $0xFFFFD000  }
0xdf: {  	[spmem:s2] =	stream.indirect.scatter.add.f32 [tilespmem:s21], [sflag:$0x5], $0x60, s30, s17, $0xb8;
	v63 =	vld [tilespmem:$0x0]  }
0xe0: {  	_ =	swait.ge [sflag:s14], $0x3000  }
0xe1: {  	s31 =	smov.u32 s29;
	[sflag:s14] =	ssyncset.done $0x0  }
0xe2: {  	s28 =	sshra.s32 s28, $0x2;
	[sflag:s14] =	ssyncadd.s32 $0xFFFFD000  }
0xe3: {  	[tilespmem:s18], [sflag:$0x1] =	stream.indirect.gather [hbm4b:s4+s17], $0x60, s28, s17, $0xb8;
	v63 =	vld [tilespmem:$0x0]  }
0xe4: {  	s29 =	sadd.s32 $0x80, s28  }
0xe5: {  	[tilespmem:s19], [sflag:$0x2] =	stream.indirect.gather [hbm4b:s4+s17], $0x60, s29, s17, $0xb8;
	v63 =	vld [tilespmem:$0x0]  }
0xe6: {  	s31 =	sadd.s32 $0x100, s28  }
0xe7: {  	[tilespmem:s20], [sflag:$0x3] =	stream.indirect.gather [hbm4b:s4+s17], $0x60, s31, s17, $0xb8;
	v63 =	vld [tilespmem:$0x0]  }
0xe8: {  	s30 =	sadd.s32 $0x180, s28  }
0xe9: {  	[tilespmem:s21], [sflag:$0x4] =	stream.indirect.gather [hbm4b:s4+s17], $0x60, s30, s17, $0xb8;
	v63 =	vld [tilespmem:$0x0]  }
0xea: {  	_ =	swait.ge [sflag:s22], $0x3000  }
0xeb: {  	[sflag:s22] =	ssyncset.done $0x0  }
0xec: {  	s31 =	sadd.s32 $0x2800, s28;
	[sflag:s22] =	ssyncadd.s32 $0xFFFFD000  }
0xed: {  	[spmem:s2] =	stream.indirect.scatter.add.f32 [tilespmem:s18], [sflag:$0x5], $0x60, s31, s17, $0xb8;
	v63 =	vld [tilespmem:$0x0]  }
0xee: {  	_ =	swait.ge [sflag:s14], $0x3000  }
0xef: {  	[sflag:s14] =	ssyncset.done $0x0  }
0xf0: {  	[sflag:s14] =	ssyncadd.s32 $0xFFFFD000  }
0xf1: {  	_ =	swait.ge [sflag:s23], $0x3000  }
0xf2: {  	[sflag:s23] =	ssyncset.done $0x0  }
0xf3: {  	s30 =	sadd.s32 $0x2880, s28;
	[sflag:s23] =	ssyncadd.s32 $0xFFFFD000  }
0xf4: {  	[spmem:s2] =	stream.indirect.scatter.add.f32 [tilespmem:s19], [sflag:$0x5], $0x60, s30, s17, $0xb8;
	v63 =	vld [tilespmem:$0x0]  }
0xf5: {  	_ =	swait.ge [sflag:s14], $0x3000  }
0xf6: {  	[sflag:s14] =	ssyncset.done $0x0  }
0xf7: {  	[sflag:s14] =	ssyncadd.s32 $0xFFFFD000  }
0xf8: {  	_ =	swait.ge [sflag:s24], $0x3000  }
0xf9: {  	[sflag:s24] =	ssyncset.done $0x0  }
0xfa: {  	s31 =	sadd.s32 $0x2900, s28;
	[sflag:s24] =	ssyncadd.s32 $0xFFFFD000  }
0xfb: {  	[spmem:s2] =	stream.indirect.scatter.add.f32 [tilespmem:s20], [sflag:$0x5], $0x60, s31, s17, $0xb8;
	v63 =	vld [tilespmem:$0x0]  }
0xfc: {  	_ =	swait.ge [sflag:s14], $0x3000  }
0xfd: {  	[sflag:s14] =	ssyncset.done $0x0  }
0xfe: {  	[sflag:s14] =	ssyncadd.s32 $0xFFFFD000  }
0xff: {  	_ =	swait.ge [sflag:s25], $0x3000  }
0x100: {  	[sflag:s25] =	ssyncset.done $0x0  }
0x101: {  	s28 =	sadd.s32 $0x2980, s28;
	[sflag:s25] =	ssyncadd.s32 $0xFFFFD000  }
0x102: {  	[spmem:s2] =	stream.indirect.scatter.add.f32 [tilespmem:s21], [sflag:$0x5], $0x60, s28, s17, $0xb8;
	v63 =	vld [tilespmem:$0x0]  }
0x103: {  	_ =	swait.ge [sflag:s14], $0x3000  }
0x104: {  	s26 =	sadd.s32 $0x1, s26;
	[sflag:s14] =	ssyncset.done $0x0  }
0x105: {  	p0 =	sne.s32 s26, s12;
	[sflag:s14] =	ssyncadd.s32 $0xFFFFD000  }
.Ltmp2:
0x106: {  	[bflag:$0x0] =	sbarrier.arrive $0xFFFF;
	(pc) =	sbr.rel @p0 .LBB2_1-.Ltmp2, $4  }
0x107: {  	[hbm:s11], [sflag:s15] =	dma.local [spmem:s16], $0x1E00  }
0x108: {  	_ =	swait.ge [sflag:s14], $0x1E00  }
0x109: {  	[sflag:s14] =	ssyncset.done $0x0  }
0x10a: {  	[sflag:s14] =	ssyncadd.s32 $0xFFFFE200  }
0x10b: {  	_ =	sfence.sel $0x180000  }
0x10c: {  	[bflag:$0x0] =	sbarrier.arrive $0xFFFF  }
0x10d: {  	p0 =	sne.s32 s1, $0x0;
	_ =	strace $0x9000004A  }
0x10e: {  	s0 =	sadd.s32 @!p0 $0x100000, s0;
	[bflag:$0x2] =	sbarrier.arrive $0xFFFF  }
0x10f: {  	[sflag:s0] =	ssyncadd.tile.s32 @!p0 $0x1;
	_ =	shalt  }
.Lfunc_end2:
_tile_overlayer_lowered:
.L_overlay_start_2:
0x110: {  	(tag) =	ssettag $0x2  }
0x111: {  	s0 =	rddreg [dreg:$0x0];
	s2 =	stileid.u32  }
0x112: {  	s1 =	rddreg [dreg:$0x1];
	p0 =	sne.s32 s2, $0x0  }
0x113: {  	s3 =	rddreg [dreg:$0x2];
	[bflag:$0x3] =	sbarrier.arrive $0xFFFF;
	s2 =	simm.s32 @!p0 $0x1C05  }
0x114: {  	[timem:s3], [sflag:s2] =	dma.local @!p0 [hbm:s0], s1  }
0x115: {  	s0 =	simm.s32 @!p0 $0x5  }
0x116: {  	_ =	swait.ge @!p0 [sflag:s0], s1  }
0x117: {  	s1 =	ssub.s32 @!p0 $0x0, s1;
	[sflag:s0] =	ssyncset.done @!p0 $0x0  }
0x118: {  	[sflag:s0] =	ssyncadd.s32 @!p0 s1  }
0x119: {  	[bflag:$0x3] =	sbarrier.arrive $0xFFFF  }
0x11a: {  	_ =	shalt  }

// kernel: kernel.21.cloned.1.call-start
scs
__scs_entry_jumppad:
0x0: {  	(pc) =	sbr.rel $0x88, $3  }
0x1: {  	(tag) =	ssettag $0x0;
	lr =	simm.s32 $0x1  }
0x2: {  	[smem:$0x3F96] =	sst lr;
	_ =	strace $0xD0000000  }
0x3: {  	_ = 	snop  }
0x4: {  	_ = 	snop  }
0x5: {  	_ = 	snop  }
0x6: {  	_ = 	snop  }
0x7: {  	_ = 	snop  }
__scs_overlays_trampoline_lowered:
0x8: {  	[smem:$0x3FA5] =	sst s0  }
0x9: {  	[smem:$0x3FA6] =	sst s1  }
0xa: {  	[smem:$0x3FA7] =	sst s2  }
0xb: {  	[smem:$0x3FA8] =	sst s3  }
0xc: {  	[smem:$0x3FA9] =	sst s4  }
0xd: {  	[smem:$0x3FAA] =	sst s5  }
0xe: {  	[smem:$0x3FAB] =	sst s6  }
0xf: {  	[smem:$0x3FAC] =	sst s7  }
0x10: {  	[smem:$0x3FAD] =	sst s8  }
0x11: {  	[smem:$0x3FAE] =	sst s9;
	s0 =	simm.s32 @!p0 $0x0  }
0x12: {  	s1 =	sld [smem:$0x3F94];
	s0 =	simm.s32 @p0 $0x1  }
0x13: {  	[smem:$0x3FAF] =	sst s0;
	s0 =	simm.s32 @!p1 $0x0  }
0x14: {  	s2 =	sld [smem:$0x3F93];
	s0 =	simm.s32 @p1 $0x1  }
0x15: {  	[smem:$0x3FB0] =	sst s0;
	s0 =	simm.s32 @!p2 $0x0  }
0x16: {  	s3 =	sld [smem:$0x3FDB];
	s0 =	simm.s32 @p2 $0x1  }
0x17: {  	s4 =	simm.s32 $0x1BF5;
	[smem:$0x3FB2] =	sst s0  }
0x18: {  	s0 =	sld [smem:$0x3F95];
	_ =	swait.ge [sflag:s4], $0x0  }
0x19: {  	s7 =	sld [smem:$0x3F96]  }
0x1a: {  	s8 =	sadd.s32 $0xFFFFE003, lr  }
0x1b: {  	s9 =	sadd.s32 $0xFFFFFEF7, lr;
	s5 =	simm.s32 $0xFFFFFFFF;
	p2 =	slt.u32 s8, $0xFFFFF086  }
0x1c: {  	p1 =	slt.u32 s9, $0xF7A;
	s5 =	simm.s32 @!p2 $0x0  }
0x1d: {  	s5 =	simm.s32 @p1 $0x1;
	p0 =	seq.s32 s7, s2  }
0x1e: {  	s7 =	smul.u32 @!p0 $0xF7A, s2;
	p2 =	seq.s32 @!p0 s5, $0x0  }
0x1f: {  	s9 =	smul.u32 $0xF7A, s1;
	s8 =	simm.s32 @!p0 $0x1BF5;
	p2 =	por !p2, p0  }
0x20: {  	[sflag:s8] =	ssyncset.s32 @!p0 $0xFFFFF086;
	s6 =	sadd.s32 @!p0 s3, s7;
	s7 =	simm.s32 @!p0 $0x108  }
0x21: {  	s3 =	sadd.s32 s3, s9;
	s6 =	sadd.s32 @!p0 $0x88, s6;
	s7 =	simm.s32 @p2 $0x1082  }
0x22: {  	[simem:s7], [sflag:s8] =	dma.local @!p0 [hbm:s6], $0xF7A  }
0x23: {  	s9 =	sor.u32 $0xD0000000, s2;
	s6 =	simm.s32 $0x108;
	_ =	swait.ge @!p0 [sflag:s8], $0x0  }
0x24: {  	s3 =	sadd.s32 $0x88, s3;
	s6 =	simm.s32 @!p1 $0x1082;
	[sflag:s4] =	ssyncset.s32 $0xFFFFF086  }
0x25: {  	[simem:s6], [sflag:s4] =	dma.local [hbm:s3], $0xF7A  }
0x26: {  	[smem:$0x3F96] =	sst s1;
	(tag) =	ssettag s2;
	_ =	strace s9  }
0x27: {  	s1 =	sld [smem:$0x3FA6]  }
0x28: {  	s2 =	sld [smem:$0x3FA7]  }
0x29: {  	s4 =	sld [smem:$0x3FA9]  }
0x2a: {  	p0 =	seq.s32 s5, $0x0;
	s5 =	sld [smem:$0x3FAA]  }
0x2b: {  	s6 =	sld [smem:$0x3FAB]  }
0x2c: {  	s7 =	sld [smem:$0x3FAC]  }
0x2d: {  	s3 =	simm.s32 $0x108;
	s8 =	sld [smem:$0x3FAD]  }
0x2e: {  	s3 =	simm.s32 @!p0 $0x1082;
	s9 =	sld [smem:$0x3FAE]  }
0x2f: {  	lr =	sadd.s32 s0, s3;
	s0 =	sld [smem:$0x3FA5]  }
0x30: {  	s3 =	sld [smem:$0x3FA8]  }
0x31: {  	[smem:$0x3FB1] =	sst s10  }
0x32: {  	s10 =	sld [smem:$0x3FAF];
	_ =	sdelay $0x3  }
0x33: {  	p0 =	seq.s32 s10, $0x1;
	s10 =	sld [smem:$0x3FB1];
	_ =	sdelay $0x3  }
0x34: {  	[smem:$0x3FB1] =	sst s10  }
0x35: {  	s10 =	sld [smem:$0x3FB0];
	_ =	sdelay $0x3  }
0x36: {  	p1 =	seq.s32 s10, $0x1;
	s10 =	sld [smem:$0x3FB1];
	_ =	sdelay $0x3  }
0x37: {  	[smem:$0x3FB1] =	sst s10  }
0x38: {  	s10 =	sld [smem:$0x3FB2]  }
0x39: {  	_ = 	snop;
	(pc) =	sbr.ind lr, $3  }
0x3a: {  	_ = 	snop  }
0x3b: {  	_ = 	snop  }
0x3c: {  	p2 =	seq.s32 s10, $0x1;
	s10 =	sld [smem:$0x3FB1]  }
0x3d: {  	_ =	shalt  }
0x3e: {  	_ =	shalt  }
0x3f: {  	_ =	shalt  }
0x40: {  	_ =	shalt  }
0x41: {  	_ =	shalt  }
0x42: {  	_ =	shalt  }
0x43: {  	_ =	shalt  }
0x44: {  	_ =	shalt  }
0x45: {  	_ =	shalt  }
0x46: {  	_ =	shalt  }
0x47: {  	_ =	shalt  }
0x48: {  	_ =	shalt  }
0x49: {  	_ =	shalt  }
0x4a: {  	_ =	shalt  }
0x4b: {  	_ =	shalt  }
0x4c: {  	_ =	shalt  }
0x4d: {  	_ =	shalt  }
0x4e: {  	_ =	shalt  }
0x4f: {  	_ =	shalt  }
0x50: {  	_ =	shalt  }
0x51: {  	_ =	shalt  }
0x52: {  	_ =	shalt  }
0x53: {  	_ =	shalt  }
0x54: {  	_ =	shalt  }
0x55: {  	_ =	shalt  }
0x56: {  	_ =	shalt  }
0x57: {  	_ =	shalt  }
0x58: {  	_ =	shalt  }
0x59: {  	_ =	shalt  }
0x5a: {  	_ =	shalt  }
0x5b: {  	_ =	shalt  }
0x5c: {  	_ =	shalt  }
0x5d: {  	_ =	shalt  }
0x5e: {  	_ =	shalt  }
0x5f: {  	_ =	shalt  }
0x60: {  	_ =	shalt  }
0x61: {  	_ =	shalt  }
0x62: {  	_ =	shalt  }
0x63: {  	_ =	shalt  }
0x64: {  	_ =	shalt  }
0x65: {  	_ =	shalt  }
0x66: {  	_ =	shalt  }
0x67: {  	_ =	shalt  }
0x68: {  	_ =	shalt  }
0x69: {  	_ =	shalt  }
0x6a: {  	_ =	shalt  }
0x6b: {  	_ =	shalt  }
0x6c: {  	_ =	shalt  }
0x6d: {  	_ =	shalt  }
0x6e: {  	_ =	shalt  }
0x6f: {  	_ =	shalt  }
0x70: {  	_ =	shalt  }
0x71: {  	_ =	shalt  }
0x72: {  	_ =	shalt  }
0x73: {  	_ =	shalt  }
0x74: {  	_ =	shalt  }
0x75: {  	_ =	shalt  }
0x76: {  	_ =	shalt  }
0x77: {  	_ =	shalt  }
0x78: {  	_ =	shalt  }
0x79: {  	_ =	shalt  }
0x7a: {  	_ =	shalt  }
0x7b: {  	_ =	shalt  }
0x7c: {  	_ =	shalt  }
0x7d: {  	_ =	shalt  }
0x7e: {  	_ =	shalt  }
0x7f: {  	_ =	shalt  }
0x80: {  	_ =	shalt  }
0x81: {  	_ =	shalt  }
0x82: {  	_ =	shalt  }
0x83: {  	_ =	shalt  }
0x84: {  	_ =	shalt  }
0x85: {  	_ =	shalt  }
0x86: {  	_ =	shalt  }
0x87: {  	_ =	shalt  }
.Lfunc_end0:
.L_simem_size_0:
called_computation.3_lowered:
.L_overlay_start_0:
0x88: {  	s2 =	sld [smem:$0x3FD9]  }
0x89: {  	s3 =	sld [smem:$0x3FFE];
	_ =	sdelay $0x1  }
0x8a: {  	s1 =	srdreg.scid  }
0x8b: {  	s0 =	sand.u32 $0x1, s1  }
0x8c: {  	s17 =	sshll.u32 s0, $0xA;
	s2 =	sadd.s32 s3, s2  }
0x8d: {  	s2 =	sadd.s32 s2, s17  }
0x8e: {  	[smem:$0x3FBD] =	sst s2  }
0x8f: {  	_ = 	snop  }
0x90: {  	s18 =	sld [smem:$0x3FD0];
	(tm) =	ssettm $0x1  }
0x91: {  	s19 =	sld [smem:$0x3FFB];
	_ =	sdelay $0x3  }
0x92: {  	_ =	strace s19  }
0x93: {  	s2 =	sld [smem:$0x3FFC];
	_ =	sdelay $0x3  }
0x94: {  	_ =	strace s2  }
0x95: {  	s2 =	sld [smem:$0x3FFD];
	_ =	sdelay $0x3  }
0x96: {  	_ =	strace s2  }
0x97: {  	_ =	strace $0x8FFFFFFF  }
0x98: {  	s20 =	sld [smem:$0x3FDB];
	_ =	sdelay $0x1  }
0x99: {  	s4 =	simm.s32 $_scs_section_size  }
0x9a: {  	s5 =	simm.s32 $_size__tile_overlayer_lowered;
	s6 =	simm.s32 $_tile_overlayer_lowered  }
0x9b: {  	s7 =	simm.s32 $0x1BFF;
	s21 =	sshll.u32 s6, $0x1;
	s4 =	sadd.s32 s4, s20  }
0x9c: {  	s22 =	simm.s32 $0x0;
	s5 =	sshll.u32 s5, $0x1;
	s6 =	sadd.s32 s21, s4  }
0x9d: {  	[timem:s22], [sflag:s7] =	dma.local [hbm:s6], s5  }
0x9e: {  	_ =	swait.ge [sflag:s7], s5  }
0x9f: {  	s5 =	ssub.s32 $0x0, s5;
	[sflag:s7] =	ssyncset.done $0x0  }
0xa0: {  	[sflag:s7] =	ssyncadd.s32 s5;
	_ =	sdelay $0x1  }
0xa1: {  	s23 =	simm.s32 $0x1B8B  }
0xa2: {  	_ =	swait.ge [sflag:s23], $0x1  }
0xa3: {  	[sflag:s23] =	ssyncset.done $0x0  }
0xa4: {  	[sflag:s23] =	ssyncadd.s32 $0xFFFFFFFF  }
0xa5: {  	s5 =	sld [smem:$0x0]  }
0xa6: {  	s6 =	sand.u32 $0xFFFFFFFE, s1  }
0xa7: {  	p0 =	sne.s32 s1, s6  }
0xa8: {  	s6 =	sshll.u32 @p0 s6, $0xE  }
0xa9: {  	s6 =	sadd.s32 @p0 $0x11B8D, s6;
	s7 =	sshll.u32 @p0 s5, $0x11  }
0xaa: {  	s6 =	sor.u32 @p0 s7, s6  }
0xab: {  	[sflag:s6] =	ssyncadd.remote.s32 @p0 $0x1;
	_ =	sdelay $0x1  }
0xac: {  	s6 =	simm.s32 @p0 $0x1B8D  }
0xad: {  	_ =	swait.eq @p0 [sflag:s6], $0x1  }
0xae: {  	[sflag:s6] =	ssyncadd.s32 @p0 $0xFFFFFFFF  }
0xaf: {  	s7 =	sshll.u32 @!p0 s1, $0xE  }
0xb0: {  	s7 =	sor.u32 @!p0 $0x4000, s7;
	s6 =	simm.s32 @!p0 $0x1B8D  }
0xb1: {  	s5 =	sshll.u32 @!p0 s5, $0x11;
	s7 =	sadd.s32 @!p0 $0x11B8D, s7;
	_ =	swait.eq @!p0 [sflag:s6], $0x1  }
0xb2: {  	s5 =	sor.u32 @!p0 s5, s7;
	[sflag:s6] =	ssyncadd.s32 @!p0 $0xFFFFFFFF  }
0xb3: {  	s25 =	simm.s32 $0x1B8E;
	s24 =	sld [smem:$0x3FFE];
	[sflag:s5] =	ssyncadd.remote.s32 @!p0 $0x1  }
0xb4: {  	s26 =	simm.s32 $execute0_lowered;
	[smem:$0x3FD2] =	sst s25  }
0xb5: {  	s6 =	sshll.u32 s26, $0x1;
	_ =	strace $0x8000004F;
	[dreg:$0x1] =	wrdreg $0xFFFFFFFF  }
0xb6: {  	s28 =	simm.s32 $_size_execute0_lowered;
	s4 =	sadd.s32 s4, s6;
	[dreg:$0x0] =	wrdreg $0x0  }
0xb7: {  	s6 =	sshll.u32 s28, $0x1;
	[dreg:$0x2] =	wrdreg s4  }
0xb8: {  	[dreg:$0x3] =	wrdreg s6  }
0xb9: {  	[dreg:$0x4] =	wrdreg $0xC0  }
0xba: {  	_ =	task [dreg:s22], $0x5FFFF  }
0xbb: {  	[dreg:$0x1] =	wrdreg $0xFFFFFFFF  }
0xbc: {  	[dreg:$0x0] =	wrdreg $0x60  }
0xbd: {  	[dreg:$0x2] =	wrdreg s18  }
0xbe: {  	[dreg:$0x3] =	wrdreg s24  }
0xbf: {  	[dreg:$0x4] =	wrdreg $0x110000  }
0xc0: {  	[dreg:$0x5] =	wrdreg $0xA  }
0xc1: {  	_ =	task.clear_ibuf [dreg:s22], $0x6FFFF;
	_ =	strace $0x9000004F  }
0xc2: {  	s29 =	simm.s32 $0xA;
	_ =	strace $0x80000051  }
0xc3: {  	_ =	swait.ge [sflag:s29], $0x1  }
0xc4: {  	[sflag:s29] =	ssyncadd.s32 $0xFFFFFFFF  }
0xc5: {  	_ =	strace $0x90000051  }
0xc6: {  	_ =	sfence  }
0xc7: {  	s30 =	sld [smem:$0x0];
	_ =	sdelay $0x2  }
0xc8: {  	s31 =	sshll.u32 s1, $0xD;
	s1 =	sshrl.u32 s1, $0x2  }
0xc9: {  	s4 =	sand.u32 $0x4000, s31;
	s1 =	sadd.s32 s1, s30  }
0xca: {  	s0 =	sor.u32 s4, s0;
	s1 =	sshll.u32 s1, $0x11  }
0xcb: {  	s0 =	sor.u32 s1, s0  }
0xcc: {  	s0 =	sadd.s32 $0x8F2B, s0  }
0xcd: {  	[sflag:s0] =	ssyncadd.remote.s32 $0x1  }
0xce: {  	_ =	sfence.sel $0xFFFF  }
0xcf: {  	[dreg:$0x0] =	wrdreg $0xFFFFFFFF;
	(pc) =	sbr.abs _section_cstart, $3  }
0xd0: {  	[dreg:$0x1] =	wrdreg $0xFFFFFFFF  }
0xd1: {  	_ =	task.clear_ibuf [dreg:s22], $0x2FFFF;
	_ =	strace $0x9FFFFFFF  }
0xd2: {  	(tm) =	ssettm $0x7FFFFFFF  }
0xd3: {  	_ =	shalt  }
tec
execute0_lowered:
.L_overlay_start_1:
0x0: {  	(tag) =	ssettag $0x1  }
0x1: {  	s1 =	rddreg [dreg:$0x0]  }
0x2: {  	s5 =	rddreg [dreg:$0x1]  }
0x3: {  	s3 =	rddreg [dreg:$0x2]  }
0x4: {  	s0 =	rddreg [dreg:$0x3]  }
0x5: {  	s4 =	simm.s32 $0x0;
	s2 =	stileid.u32;
	s7 =	srdreg.scid  }
0x6: {  	s17 =	simm.s32 $0x80;
	s18 =	simm.s32 $0x5000;
	s19 =	simm.s32 $0x8000  }
0x7: {  	s20 =	simm.s32 $0xB000;
	[smem:$0x7FF] =	sst s4;
	s8 =	smul.u32 $0x2800, s2  }
0x8: {  	s10 =	sadd.s32 $0x17AC00, s5;
	s9 =	smul.u32 $0x280, s2;
	s7 =	sand.u32 $0x1, s7  }
0x9: {  	s11 =	smul.u32 $0x3C000, s2;
	s12 =	sadd.s32 $0x8600, s5;
	s31 =	sshll.u32 s2, $0x6  }
0xa: {  	_ =	strace $0x80000050;
	s21 =	ssub.s32 $0x2, s7;
	s13 =	smul.u32 $0x2800, s7  }
0xb: {  	s15 =	smul.u32 $0x28000, s7;
	s7 =	sor.u32 $0x2, s7;
	s6 =	sshrl.u32 s8, $0x3  }
0xc: {  	s14 =	sshrl.u32 s21, $0x1;
	s16 =	smul.u32 $0x2800, s7;
	s22 =	sshrl.u32 s11, $0x2  }
0xd: {  	s25 =	smul.u32 $0x28000, s7;
	s6 =	sadd.s32 s6, s5;
	s14 =	ssub.s32 s21, s14  }
0xe: {  	s13 =	sadd.s32 s9, s13;
	s24 =	sadd.s32 s8, s15;
	s26 =	sadd.s32 s22, s3  }
0xf: {  	s21 =	simm.s32 $0xE000;
	s22 =	simm.s32 $0x1;
	s5 =	sadd.s32 $0x3600, s6  }
0x10: {  	s23 =	smul.u32 $0xC, s13;
	s9 =	sadd.s32 s9, s16;
	s28 =	sshrl.u32 s24, $0x3  }
0x11: {  	s15 =	sadd.s32 s8, s25;
	s13 =	simm.s32 $0x2800;
	s16 =	sshrl.u32 s26, $0x3  }
0x12: {  	s24 =	simm.s32 $0x3;
	s25 =	simm.s32 $0x4;
	s26 =	simm.s32 $0x0  }
0x13: {  	s29 =	smul.u32 $0xC, s9;
	s7 =	sadd.s32 s10, s28;
	s30 =	sshrl.u32 s15, $0x3  }
0x14: {  	s15 =	sor.u32 $0x1C05, s31;
	s6 =	sadd.s32 s1, s23;
	s8 =	sadd.s32 s12, s23  }
0x15: {  	s10 =	sadd.s32 s10, s30;
	s23 =	simm.s32 $0x2;
	s9 =	sadd.s32 s1, s29  }
0x16: {  	s11 =	sadd.s32 s12, s29;
	s12 =	smax.u32 s14, $0x1;
	s14 =	simm.s32 $0x5  }
.LBB2_1:
0x17: {  	[tilespmem:s13], [sflag:$0x5] =	stream.linear.gather [hbm4b:s5+s4], $0x2800, $0x38;
	v63 =	vld [tilespmem:$0x0]  }
0x18: {  	_ =	swait.ge [sflag:s14], $0x2800  }
0x19: {  	[sflag:s14] =	ssyncset.done $0x0  }
0x1a: {  	[sflag:s14] =	ssyncadd.s32 $0xFFFFD800  }
0x1b: {  	[spmem:s16], [sflag:s15] =	dma.local [hbm:s6], $0x1E00  }
0x1c: {  	_ =	swait.ge [sflag:s14], $0x1E00  }
0x1d: {  	[sflag:s14] =	ssyncset.done $0x0  }
0x1e: {  	[sflag:s14] =	ssyncadd.s32 $0xFFFFE200  }
0x1f: {  	[tilespmem:s4], [sflag:$0x5] =	stream.linear.gather [hbm4b:s7+s4], $0x2800, $0x38;
	v63 =	vld [tilespmem:$0x0]  }
0x20: {  	_ =	swait.ge [sflag:s14], $0x2800  }
0x21: {  	[sflag:s14] =	ssyncset.done $0x0  }
0x22: {  	[sflag:s14] =	ssyncadd.s32 $0xFFFFD800  }
0x23: {  	s28 =	simm.s32 $0x0;
	[bflag:$0x0] =	sbarrier.arrive $0xFFFF  }
0x24: {  	[tilespmem:s18], [sflag:$0x1] =	stream.indirect.gather [hbm4b:s1+s17], $0x60, s28, s17, $0xb8;
	v63 =	vld [tilespmem:$0x0]  }
0x25: {  	s28 =	simm.s32 $0x80  }
0x26: {  	[tilespmem:s19], [sflag:$0x2] =	stream.indirect.gather [hbm4b:s1+s17], $0x60, s28, s17, $0xb8;
	v63 =	vld [tilespmem:$0x0]  }
0x27: {  	s28 =	simm.s32 $0x100  }
0x28: {  	[tilespmem:s20], [sflag:$0x3] =	stream.indirect.gather [hbm4b:s1+s17], $0x60, s28, s17, $0xb8;
	v63 =	vld [tilespmem:$0x0]  }
0x29: {  	s28 =	simm.s32 $0x180  }
0x2a: {  	[tilespmem:s21], [sflag:$0x4] =	stream.indirect.gather [hbm4b:s1+s17], $0x60, s28, s17, $0xb8;
	v63 =	vld [tilespmem:$0x0]  }
0x2b: {  	_ =	swait.ge [sflag:s22], $0x3000  }
0x2c: {  	[sflag:s22] =	ssyncset.done $0x0  }
0x2d: {  	s28 =	simm.s32 $0x2800;
	[sflag:s22] =	ssyncadd.s32 $0xFFFFD000  }
0x2e: {  	[spmem:s3] =	stream.indirect.scatter.add.f32 [tilespmem:s18], [sflag:$0x5], $0x60, s28, s17, $0xb8;
	v63 =	vld [tilespmem:$0x0]  }
0x2f: {  	_ =	swait.ge [sflag:s14], $0x3000  }
0x30: {  	[sflag:s14] =	ssyncset.done $0x0  }
0x31: {  	[sflag:s14] =	ssyncadd.s32 $0xFFFFD000  }
0x32: {  	_ =	swait.ge [sflag:s23], $0x3000  }
0x33: {  	[sflag:s23] =	ssyncset.done $0x0  }
0x34: {  	s28 =	simm.s32 $0x2880;
	[sflag:s23] =	ssyncadd.s32 $0xFFFFD000  }
0x35: {  	[spmem:s3] =	stream.indirect.scatter.add.f32 [tilespmem:s19], [sflag:$0x5], $0x60, s28, s17, $0xb8;
	v63 =	vld [tilespmem:$0x0]  }
0x36: {  	_ =	swait.ge [sflag:s14], $0x3000  }
0x37: {  	[sflag:s14] =	ssyncset.done $0x0  }
0x38: {  	[sflag:s14] =	ssyncadd.s32 $0xFFFFD000  }
0x39: {  	_ =	swait.ge [sflag:s24], $0x3000  }
0x3a: {  	[sflag:s24] =	ssyncset.done $0x0  }
0x3b: {  	s28 =	simm.s32 $0x2900;
	[sflag:s24] =	ssyncadd.s32 $0xFFFFD000  }
0x3c: {  	[spmem:s3] =	stream.indirect.scatter.add.f32 [tilespmem:s20], [sflag:$0x5], $0x60, s28, s17, $0xb8;
	v63 =	vld [tilespmem:$0x0]  }
0x3d: {  	_ =	swait.ge [sflag:s14], $0x3000  }
0x3e: {  	[sflag:s14] =	ssyncset.done $0x0  }
0x3f: {  	[sflag:s14] =	ssyncadd.s32 $0xFFFFD000  }
0x40: {  	_ =	swait.ge [sflag:s25], $0x3000  }
0x41: {  	[sflag:s25] =	ssyncset.done $0x0  }
0x42: {  	s28 =	simm.s32 $0x2980;
	[sflag:s25] =	ssyncadd.s32 $0xFFFFD000  }
0x43: {  	[spmem:s3] =	stream.indirect.scatter.add.f32 [tilespmem:s21], [sflag:$0x5], $0x60, s28, s17, $0xb8;
	v63 =	vld [tilespmem:$0x0]  }
0x44: {  	_ =	swait.ge [sflag:s14], $0x3000  }
0x45: {  	s31 =	simm.s32 $0x1000;
	s28 =	simm.s32 $0x800;
	[sflag:s14] =	ssyncset.done $0x0  }
.LBB2_2:
0x46: {  	s30 =	sshra.s32 s28, $0x2  }
0x47: {  	[sflag:s14] =	ssyncadd.s32 $0xFFFFD000;
	s28 =	smov.u32 s31;
	s29 =	sadd.s32 $0x800, s31  }
0x48: {  	[tilespmem:s18], [sflag:$0x1] =	stream.indirect.gather [hbm4b:s1+s17], $0x60, s30, s17, $0xb8;
	v63 =	vld [tilespmem:$0x0]  }
0x49: {  	p0 =	sne.s32 s31, $0x9800;
	s31 =	sadd.s32 $0x80, s30  }
0x4a: {  	[tilespmem:s19], [sflag:$0x2] =	stream.indirect.gather [hbm4b:s1+s17], $0x60, s31, s17, $0xb8;
	v63 =	vld [tilespmem:$0x0]  }
0x4b: {  	s31 =	sadd.s32 $0x100, s30  }
0x4c: {  	[tilespmem:s20], [sflag:$0x3] =	stream.indirect.gather [hbm4b:s1+s17], $0x60, s31, s17, $0xb8;
	v63 =	vld [tilespmem:$0x0]  }
0x4d: {  	s31 =	sadd.s32 $0x180, s30  }
0x4e: {  	[tilespmem:s21], [sflag:$0x4] =	stream.indirect.gather [hbm4b:s1+s17], $0x60, s31, s17, $0xb8;
	v63 =	vld [tilespmem:$0x0]  }
0x4f: {  	_ =	swait.ge [sflag:s22], $0x3000  }
0x50: {  	[sflag:s22] =	ssyncset.done $0x0  }
0x51: {  	s31 =	sadd.s32 $0x2800, s30;
	[sflag:s22] =	ssyncadd.s32 $0xFFFFD000  }
0x52: {  	[spmem:s3] =	stream.indirect.scatter.add.f32 [tilespmem:s18], [sflag:$0x5], $0x60, s31, s17, $0xb8;
	v63 =	vld [tilespmem:$0x0]  }
0x53: {  	_ =	swait.ge [sflag:s14], $0x3000  }
0x54: {  	[sflag:s14] =	ssyncset.done $0x0  }
0x55: {  	[sflag:s14] =	ssyncadd.s32 $0xFFFFD000  }
0x56: {  	_ =	swait.ge [sflag:s23], $0x3000  }
0x57: {  	[sflag:s23] =	ssyncset.done $0x0  }
0x58: {  	s31 =	sadd.s32 $0x2880, s30;
	[sflag:s23] =	ssyncadd.s32 $0xFFFFD000  }
0x59: {  	[spmem:s3] =	stream.indirect.scatter.add.f32 [tilespmem:s19], [sflag:$0x5], $0x60, s31, s17, $0xb8;
	v63 =	vld [tilespmem:$0x0]  }
0x5a: {  	_ =	swait.ge [sflag:s14], $0x3000  }
0x5b: {  	[sflag:s14] =	ssyncset.done $0x0  }
0x5c: {  	[sflag:s14] =	ssyncadd.s32 $0xFFFFD000  }
0x5d: {  	_ =	swait.ge [sflag:s24], $0x3000  }
0x5e: {  	[sflag:s24] =	ssyncset.done $0x0  }
0x5f: {  	s31 =	sadd.s32 $0x2900, s30;
	[sflag:s24] =	ssyncadd.s32 $0xFFFFD000  }
0x60: {  	[spmem:s3] =	stream.indirect.scatter.add.f32 [tilespmem:s20], [sflag:$0x5], $0x60, s31, s17, $0xb8;
	v63 =	vld [tilespmem:$0x0]  }
0x61: {  	_ =	swait.ge [sflag:s14], $0x3000  }
0x62: {  	[sflag:s14] =	ssyncset.done $0x0  }
0x63: {  	[sflag:s14] =	ssyncadd.s32 $0xFFFFD000  }
0x64: {  	_ =	swait.ge [sflag:s25], $0x3000  }
.Ltmp0:
0x65: {  	[sflag:s25] =	ssyncset.done $0x0;
	(pc) =	sbr.rel @p0 .LBB2_2-.Ltmp0, $4  }
0x66: {  	s30 =	sadd.s32 $0x2980, s30;
	[sflag:s25] =	ssyncadd.s32 $0xFFFFD000  }
0x67: {  	[spmem:s3] =	stream.indirect.scatter.add.f32 [tilespmem:s21], [sflag:$0x5], $0x60, s30, s17, $0xb8;
	v63 =	vld [tilespmem:$0x0]  }
0x68: {  	_ =	swait.ge [sflag:s14], $0x3000  }
0x69: {  	s31 =	smov.u32 s29;
	[sflag:s14] =	ssyncset.done $0x0  }
0x6a: {  	s28 =	sshra.s32 s28, $0x2;
	[sflag:s14] =	ssyncadd.s32 $0xFFFFD000  }
0x6b: {  	[tilespmem:s18], [sflag:$0x1] =	stream.indirect.gather [hbm4b:s1+s17], $0x60, s28, s17, $0xb8;
	v63 =	vld [tilespmem:$0x0]  }
0x6c: {  	s29 =	sadd.s32 $0x80, s28  }
0x6d: {  	[tilespmem:s19], [sflag:$0x2] =	stream.indirect.gather [hbm4b:s1+s17], $0x60, s29, s17, $0xb8;
	v63 =	vld [tilespmem:$0x0]  }
0x6e: {  	s30 =	sadd.s32 $0x100, s28  }
0x6f: {  	[tilespmem:s20], [sflag:$0x3] =	stream.indirect.gather [hbm4b:s1+s17], $0x60, s30, s17, $0xb8;
	v63 =	vld [tilespmem:$0x0]  }
0x70: {  	s30 =	sadd.s32 $0x180, s28  }
0x71: {  	[tilespmem:s21], [sflag:$0x4] =	stream.indirect.gather [hbm4b:s1+s17], $0x60, s30, s17, $0xb8;
	v63 =	vld [tilespmem:$0x0]  }
0x72: {  	_ =	swait.ge [sflag:s22], $0x3000  }
0x73: {  	[sflag:s22] =	ssyncset.done $0x0  }
0x74: {  	s30 =	sadd.s32 $0x2800, s28;
	[sflag:s22] =	ssyncadd.s32 $0xFFFFD000  }
0x75: {  	[spmem:s3] =	stream.indirect.scatter.add.f32 [tilespmem:s18], [sflag:$0x5], $0x60, s30, s17, $0xb8;
	v63 =	vld [tilespmem:$0x0]  }
0x76: {  	_ =	swait.ge [sflag:s14], $0x3000  }
0x77: {  	[sflag:s14] =	ssyncset.done $0x0  }
0x78: {  	[sflag:s14] =	ssyncadd.s32 $0xFFFFD000  }
0x79: {  	_ =	swait.ge [sflag:s23], $0x3000  }
0x7a: {  	[sflag:s23] =	ssyncset.done $0x0  }
0x7b: {  	s30 =	sadd.s32 $0x2880, s28;
	[sflag:s23] =	ssyncadd.s32 $0xFFFFD000  }
0x7c: {  	[spmem:s3] =	stream.indirect.scatter.add.f32 [tilespmem:s19], [sflag:$0x5], $0x60, s30, s17, $0xb8;
	v63 =	vld [tilespmem:$0x0]  }
0x7d: {  	_ =	swait.ge [sflag:s14], $0x3000  }
0x7e: {  	[sflag:s14] =	ssyncset.done $0x0  }
0x7f: {  	[sflag:s14] =	ssyncadd.s32 $0xFFFFD000  }
0x80: {  	_ =	swait.ge [sflag:s24], $0x3000  }
0x81: {  	[sflag:s24] =	ssyncset.done $0x0  }
0x82: {  	s30 =	sadd.s32 $0x2900, s28;
	[sflag:s24] =	ssyncadd.s32 $0xFFFFD000  }
0x83: {  	[spmem:s3] =	stream.indirect.scatter.add.f32 [tilespmem:s20], [sflag:$0x5], $0x60, s30, s17, $0xb8;
	v63 =	vld [tilespmem:$0x0]  }
0x84: {  	_ =	swait.ge [sflag:s14], $0x3000  }
0x85: {  	[sflag:s14] =	ssyncset.done $0x0  }
0x86: {  	[sflag:s14] =	ssyncadd.s32 $0xFFFFD000  }
0x87: {  	_ =	swait.ge [sflag:s25], $0x3000  }
0x88: {  	[sflag:s25] =	ssyncset.done $0x0  }
0x89: {  	s28 =	sadd.s32 $0x2980, s28;
	[sflag:s25] =	ssyncadd.s32 $0xFFFFD000  }
0x8a: {  	[spmem:s3] =	stream.indirect.scatter.add.f32 [tilespmem:s21], [sflag:$0x5], $0x60, s28, s17, $0xb8;
	v63 =	vld [tilespmem:$0x0]  }
0x8b: {  	_ =	swait.ge [sflag:s14], $0x3000  }
0x8c: {  	[sflag:s14] =	ssyncset.done $0x0  }
0x8d: {  	[sflag:s14] =	ssyncadd.s32 $0xFFFFD000  }
0x8e: {  	[bflag:$0x0] =	sbarrier.arrive $0xFFFF  }
0x8f: {  	[hbm:s8], [sflag:s15] =	dma.local [spmem:s16], $0x1E00  }
0x90: {  	_ =	swait.ge [sflag:s14], $0x1E00  }
0x91: {  	[sflag:s14] =	ssyncset.done $0x0  }
0x92: {  	[sflag:s14] =	ssyncadd.s32 $0xFFFFE200  }
0x93: {  	[spmem:s16], [sflag:s15] =	dma.local [hbm:s9], $0x1E00  }
0x94: {  	_ =	swait.ge [sflag:s14], $0x1E00  }
0x95: {  	[sflag:s14] =	ssyncset.done $0x0  }
0x96: {  	s28 =	simm.s32 $0x0;
	[sflag:s14] =	ssyncadd.s32 $0xFFFFE200  }
0x97: {  	[tilespmem:s28], [sflag:$0x5] =	stream.linear.gather [hbm4b:s10+s28], $0x2800, $0x38;
	v63 =	vld [tilespmem:$0x0]  }
0x98: {  	_ =	swait.ge [sflag:s14], $0x2800  }
0x99: {  	[sflag:s14] =	ssyncset.done $0x0  }
0x9a: {  	[sflag:s14] =	ssyncadd.s32 $0xFFFFD800  }
0x9b: {  	s28 =	simm.s32 $0x0;
	[bflag:$0x0] =	sbarrier.arrive $0xFFFF  }
0x9c: {  	[tilespmem:s18], [sflag:$0x1] =	stream.indirect.gather [hbm4b:s1+s17], $0x60, s28, s17, $0xb8;
	v63 =	vld [tilespmem:$0x0]  }
0x9d: {  	s28 =	simm.s32 $0x80  }
0x9e: {  	[tilespmem:s19], [sflag:$0x2] =	stream.indirect.gather [hbm4b:s1+s17], $0x60, s28, s17, $0xb8;
	v63 =	vld [tilespmem:$0x0]  }
0x9f: {  	s28 =	simm.s32 $0x100  }
0xa0: {  	[tilespmem:s20], [sflag:$0x3] =	stream.indirect.gather [hbm4b:s1+s17], $0x60, s28, s17, $0xb8;
	v63 =	vld [tilespmem:$0x0]  }
0xa1: {  	s28 =	simm.s32 $0x180  }
0xa2: {  	[tilespmem:s21], [sflag:$0x4] =	stream.indirect.gather [hbm4b:s1+s17], $0x60, s28, s17, $0xb8;
	v63 =	vld [tilespmem:$0x0]  }
0xa3: {  	_ =	swait.ge [sflag:s22], $0x3000  }
0xa4: {  	[sflag:s22] =	ssyncset.done $0x0  }
0xa5: {  	s28 =	simm.s32 $0x2800;
	[sflag:s22] =	ssyncadd.s32 $0xFFFFD000  }
0xa6: {  	[spmem:s3] =	stream.indirect.scatter.add.f32 [tilespmem:s18], [sflag:$0x5], $0x60, s28, s17, $0xb8;
	v63 =	vld [tilespmem:$0x0]  }
0xa7: {  	_ =	swait.ge [sflag:s14], $0x3000  }
0xa8: {  	[sflag:s14] =	ssyncset.done $0x0  }
0xa9: {  	[sflag:s14] =	ssyncadd.s32 $0xFFFFD000  }
0xaa: {  	_ =	swait.ge [sflag:s23], $0x3000  }
0xab: {  	[sflag:s23] =	ssyncset.done $0x0  }
0xac: {  	s28 =	simm.s32 $0x2880;
	[sflag:s23] =	ssyncadd.s32 $0xFFFFD000  }
0xad: {  	[spmem:s3] =	stream.indirect.scatter.add.f32 [tilespmem:s19], [sflag:$0x5], $0x60, s28, s17, $0xb8;
	v63 =	vld [tilespmem:$0x0]  }
0xae: {  	_ =	swait.ge [sflag:s14], $0x3000  }
0xaf: {  	[sflag:s14] =	ssyncset.done $0x0  }
0xb0: {  	[sflag:s14] =	ssyncadd.s32 $0xFFFFD000  }
0xb1: {  	_ =	swait.ge [sflag:s24], $0x3000  }
0xb2: {  	[sflag:s24] =	ssyncset.done $0x0  }
0xb3: {  	s28 =	simm.s32 $0x2900;
	[sflag:s24] =	ssyncadd.s32 $0xFFFFD000  }
0xb4: {  	[spmem:s3] =	stream.indirect.scatter.add.f32 [tilespmem:s20], [sflag:$0x5], $0x60, s28, s17, $0xb8;
	v63 =	vld [tilespmem:$0x0]  }
0xb5: {  	_ =	swait.ge [sflag:s14], $0x3000  }
0xb6: {  	[sflag:s14] =	ssyncset.done $0x0  }
0xb7: {  	[sflag:s14] =	ssyncadd.s32 $0xFFFFD000  }
0xb8: {  	_ =	swait.ge [sflag:s25], $0x3000  }
0xb9: {  	[sflag:s25] =	ssyncset.done $0x0  }
0xba: {  	s28 =	simm.s32 $0x2980;
	[sflag:s25] =	ssyncadd.s32 $0xFFFFD000  }
0xbb: {  	[spmem:s3] =	stream.indirect.scatter.add.f32 [tilespmem:s21], [sflag:$0x5], $0x60, s28, s17, $0xb8;
	v63 =	vld [tilespmem:$0x0]  }
0xbc: {  	_ =	swait.ge [sflag:s14], $0x3000  }
0xbd: {  	s31 =	simm.s32 $0x1000;
	s28 =	simm.s32 $0x800;
	[sflag:s14] =	ssyncset.done $0x0  }
.LBB2_4:
0xbe: {  	s30 =	sshra.s32 s28, $0x2  }
0xbf: {  	[sflag:s14] =	ssyncadd.s32 $0xFFFFD000;
	s28 =	smov.u32 s31;
	s29 =	sadd.s32 $0x800, s31  }
0xc0: {  	[tilespmem:s18], [sflag:$0x1] =	stream.indirect.gather [hbm4b:s1+s17], $0x60, s30, s17, $0xb8;
	v63 =	vld [tilespmem:$0x0]  }
0xc1: {  	p0 =	sne.s32 s31, $0x9800;
	s31 =	sadd.s32 $0x80, s30  }
0xc2: {  	[tilespmem:s19], [sflag:$0x2] =	stream.indirect.gather [hbm4b:s1+s17], $0x60, s31, s17, $0xb8;
	v63 =	vld [tilespmem:$0x0]  }
0xc3: {  	s31 =	sadd.s32 $0x100, s30  }
0xc4: {  	[tilespmem:s20], [sflag:$0x3] =	stream.indirect.gather [hbm4b:s1+s17], $0x60, s31, s17, $0xb8;
	v63 =	vld [tilespmem:$0x0]  }
0xc5: {  	s31 =	sadd.s32 $0x180, s30  }
0xc6: {  	[tilespmem:s21], [sflag:$0x4] =	stream.indirect.gather [hbm4b:s1+s17], $0x60, s31, s17, $0xb8;
	v63 =	vld [tilespmem:$0x0]  }
0xc7: {  	_ =	swait.ge [sflag:s22], $0x3000  }
0xc8: {  	[sflag:s22] =	ssyncset.done $0x0  }
0xc9: {  	s31 =	sadd.s32 $0x2800, s30;
	[sflag:s22] =	ssyncadd.s32 $0xFFFFD000  }
0xca: {  	[spmem:s3] =	stream.indirect.scatter.add.f32 [tilespmem:s18], [sflag:$0x5], $0x60, s31, s17, $0xb8;
	v63 =	vld [tilespmem:$0x0]  }
0xcb: {  	_ =	swait.ge [sflag:s14], $0x3000  }
0xcc: {  	[sflag:s14] =	ssyncset.done $0x0  }
0xcd: {  	[sflag:s14] =	ssyncadd.s32 $0xFFFFD000  }
0xce: {  	_ =	swait.ge [sflag:s23], $0x3000  }
0xcf: {  	[sflag:s23] =	ssyncset.done $0x0  }
0xd0: {  	s31 =	sadd.s32 $0x2880, s30;
	[sflag:s23] =	ssyncadd.s32 $0xFFFFD000  }
0xd1: {  	[spmem:s3] =	stream.indirect.scatter.add.f32 [tilespmem:s19], [sflag:$0x5], $0x60, s31, s17, $0xb8;
	v63 =	vld [tilespmem:$0x0]  }
0xd2: {  	_ =	swait.ge [sflag:s14], $0x3000  }
0xd3: {  	[sflag:s14] =	ssyncset.done $0x0  }
0xd4: {  	[sflag:s14] =	ssyncadd.s32 $0xFFFFD000  }
0xd5: {  	_ =	swait.ge [sflag:s24], $0x3000  }
0xd6: {  	[sflag:s24] =	ssyncset.done $0x0  }
0xd7: {  	s31 =	sadd.s32 $0x2900, s30;
	[sflag:s24] =	ssyncadd.s32 $0xFFFFD000  }
0xd8: {  	[spmem:s3] =	stream.indirect.scatter.add.f32 [tilespmem:s20], [sflag:$0x5], $0x60, s31, s17, $0xb8;
	v63 =	vld [tilespmem:$0x0]  }
0xd9: {  	_ =	swait.ge [sflag:s14], $0x3000  }
0xda: {  	[sflag:s14] =	ssyncset.done $0x0  }
0xdb: {  	[sflag:s14] =	ssyncadd.s32 $0xFFFFD000  }
0xdc: {  	_ =	swait.ge [sflag:s25], $0x3000  }
.Ltmp1:
0xdd: {  	[sflag:s25] =	ssyncset.done $0x0;
	(pc) =	sbr.rel @p0 .LBB2_4-.Ltmp1, $4  }
0xde: {  	s30 =	sadd.s32 $0x2980, s30;
	[sflag:s25] =	ssyncadd.s32 $0xFFFFD000  }
0xdf: {  	[spmem:s3] =	stream.indirect.scatter.add.f32 [tilespmem:s21], [sflag:$0x5], $0x60, s30, s17, $0xb8;
	v63 =	vld [tilespmem:$0x0]  }
0xe0: {  	_ =	swait.ge [sflag:s14], $0x3000  }
0xe1: {  	s31 =	smov.u32 s29;
	[sflag:s14] =	ssyncset.done $0x0  }
0xe2: {  	s28 =	sshra.s32 s28, $0x2;
	[sflag:s14] =	ssyncadd.s32 $0xFFFFD000  }
0xe3: {  	[tilespmem:s18], [sflag:$0x1] =	stream.indirect.gather [hbm4b:s1+s17], $0x60, s28, s17, $0xb8;
	v63 =	vld [tilespmem:$0x0]  }
0xe4: {  	s29 =	sadd.s32 $0x80, s28  }
0xe5: {  	[tilespmem:s19], [sflag:$0x2] =	stream.indirect.gather [hbm4b:s1+s17], $0x60, s29, s17, $0xb8;
	v63 =	vld [tilespmem:$0x0]  }
0xe6: {  	s31 =	sadd.s32 $0x100, s28  }
0xe7: {  	[tilespmem:s20], [sflag:$0x3] =	stream.indirect.gather [hbm4b:s1+s17], $0x60, s31, s17, $0xb8;
	v63 =	vld [tilespmem:$0x0]  }
0xe8: {  	s30 =	sadd.s32 $0x180, s28  }
0xe9: {  	[tilespmem:s21], [sflag:$0x4] =	stream.indirect.gather [hbm4b:s1+s17], $0x60, s30, s17, $0xb8;
	v63 =	vld [tilespmem:$0x0]  }
0xea: {  	_ =	swait.ge [sflag:s22], $0x3000  }
0xeb: {  	[sflag:s22] =	ssyncset.done $0x0  }
0xec: {  	s31 =	sadd.s32 $0x2800, s28;
	[sflag:s22] =	ssyncadd.s32 $0xFFFFD000  }
0xed: {  	[spmem:s3] =	stream.indirect.scatter.add.f32 [tilespmem:s18], [sflag:$0x5], $0x60, s31, s17, $0xb8;
	v63 =	vld [tilespmem:$0x0]  }
0xee: {  	_ =	swait.ge [sflag:s14], $0x3000  }
0xef: {  	[sflag:s14] =	ssyncset.done $0x0  }
0xf0: {  	[sflag:s14] =	ssyncadd.s32 $0xFFFFD000  }
0xf1: {  	_ =	swait.ge [sflag:s23], $0x3000  }
0xf2: {  	[sflag:s23] =	ssyncset.done $0x0  }
0xf3: {  	s30 =	sadd.s32 $0x2880, s28;
	[sflag:s23] =	ssyncadd.s32 $0xFFFFD000  }
0xf4: {  	[spmem:s3] =	stream.indirect.scatter.add.f32 [tilespmem:s19], [sflag:$0x5], $0x60, s30, s17, $0xb8;
	v63 =	vld [tilespmem:$0x0]  }
0xf5: {  	_ =	swait.ge [sflag:s14], $0x3000  }
0xf6: {  	[sflag:s14] =	ssyncset.done $0x0  }
0xf7: {  	[sflag:s14] =	ssyncadd.s32 $0xFFFFD000  }
0xf8: {  	_ =	swait.ge [sflag:s24], $0x3000  }
0xf9: {  	[sflag:s24] =	ssyncset.done $0x0  }
0xfa: {  	s31 =	sadd.s32 $0x2900, s28;
	[sflag:s24] =	ssyncadd.s32 $0xFFFFD000  }
0xfb: {  	[spmem:s3] =	stream.indirect.scatter.add.f32 [tilespmem:s20], [sflag:$0x5], $0x60, s31, s17, $0xb8;
	v63 =	vld [tilespmem:$0x0]  }
0xfc: {  	_ =	swait.ge [sflag:s14], $0x3000  }
0xfd: {  	[sflag:s14] =	ssyncset.done $0x0  }
0xfe: {  	[sflag:s14] =	ssyncadd.s32 $0xFFFFD000  }
0xff: {  	_ =	swait.ge [sflag:s25], $0x3000  }
0x100: {  	[sflag:s25] =	ssyncset.done $0x0  }
0x101: {  	s28 =	sadd.s32 $0x2980, s28;
	[sflag:s25] =	ssyncadd.s32 $0xFFFFD000  }
0x102: {  	[spmem:s3] =	stream.indirect.scatter.add.f32 [tilespmem:s21], [sflag:$0x5], $0x60, s28, s17, $0xb8;
	v63 =	vld [tilespmem:$0x0]  }
0x103: {  	_ =	swait.ge [sflag:s14], $0x3000  }
0x104: {  	s26 =	sadd.s32 $0x1, s26;
	[sflag:s14] =	ssyncset.done $0x0  }
0x105: {  	p0 =	sne.s32 s26, s12;
	[sflag:s14] =	ssyncadd.s32 $0xFFFFD000  }
.Ltmp2:
0x106: {  	[bflag:$0x0] =	sbarrier.arrive $0xFFFF;
	(pc) =	sbr.rel @p0 .LBB2_1-.Ltmp2, $4  }
0x107: {  	[hbm:s11], [sflag:s15] =	dma.local [spmem:s16], $0x1E00  }
0x108: {  	_ =	swait.ge [sflag:s14], $0x1E00  }
0x109: {  	[sflag:s14] =	ssyncset.done $0x0  }
0x10a: {  	[sflag:s14] =	ssyncadd.s32 $0xFFFFE200  }
0x10b: {  	_ =	sfence.sel $0x180000  }
0x10c: {  	[bflag:$0x0] =	sbarrier.arrive $0xFFFF  }
0x10d: {  	p0 =	sne.s32 s2, $0x0;
	_ =	strace $0x90000050  }
0x10e: {  	s0 =	sadd.s32 @!p0 $0x100000, s0;
	[bflag:$0x2] =	sbarrier.arrive $0xFFFF  }
0x10f: {  	[sflag:s0] =	ssyncadd.tile.s32 @!p0 $0x1;
	_ =	shalt  }
.Lfunc_end2:
_tile_overlayer_lowered:
.L_overlay_start_2:
0x110: {  	(tag) =	ssettag $0x2  }
0x111: {  	s0 =	rddreg [dreg:$0x0];
	s2 =	stileid.u32  }
0x112: {  	s1 =	rddreg [dreg:$0x1];
	p0 =	sne.s32 s2, $0x0  }
0x113: {  	s3 =	rddreg [dreg:$0x2];
	[bflag:$0x3] =	sbarrier.arrive $0xFFFF;
	s2 =	simm.s32 @!p0 $0x1C05  }
0x114: {  	[timem:s3], [sflag:s2] =	dma.local @!p0 [hbm:s0], s1  }
0x115: {  	s0 =	simm.s32 @!p0 $0x5  }
0x116: {  	_ =	swait.ge @!p0 [sflag:s0], s1  }
0x117: {  	s1 =	ssub.s32 @!p0 $0x0, s1;
	[sflag:s0] =	ssyncset.done @!p0 $0x0  }
0x118: {  	[sflag:s0] =	ssyncadd.s32 @!p0 s1  }
0x119: {  	[bflag:$0x3] =	sbarrier.arrive $0xFFFF  }
0x11a: {  	_ =	shalt  }

</sc_bundles>
